<compile_context>
chip_gen: v7x
topology: tpu7x:2x2x1
jax: 0.10.2.dev20260603
libtpu: 0.0.44.dev20260713+nightly
codegen_flags: <defaults>
</compile_context>

<pallas_src>
import functools

import jax
import jax.numpy as jnp
from jax import lax
from jax.experimental import pallas as pl
from jax.experimental.pallas import tpu as pltpu
from jax.experimental.pallas import tpu_sc as plsc

NB = 40000
NM = 10000
E = 600000
HID = 64
HEADS = 2
F = HEADS * HID

NC = 2
NS = 16
NW = NC * NS
L = 16

BC = 64
CHUNKS = -(-E // (NW * BC))
EPT = CHUNKS * BC
EP = NW * EPT
EPAD = EP + BC

NMP = 10112
RPT = NMP // NS
HP = 10240
DEND = 2 * HP
DPT = DEND // NS


def _proj_body(x_ref, w1_ref, b1_ref, w2_ref, b2_ref, o_ref):
    h = jnp.maximum(
        jnp.dot(x_ref[...], w1_ref[...], preferred_element_type=jnp.float32)
        + b1_ref[...], 0.0)
    o_ref[...] = (
        jnp.dot(h, w2_ref[...], preferred_element_type=jnp.float32) + b2_ref[...])


def _proj(x, w1t, b1, w2t, b2, block_rows):
    n = x.shape[0]
    din = x.shape[1]
    return pl.pallas_call(
        _proj_body,
        grid=(n // block_rows,),
        in_specs=[
            pl.BlockSpec((block_rows, din), lambda i: (i, 0)),
            pl.BlockSpec((din, HID), lambda i: (0, 0)),
            pl.BlockSpec((1, HID), lambda i: (0, 0)),
            pl.BlockSpec((HID, F), lambda i: (0, 0)),
            pl.BlockSpec((1, F), lambda i: (0, 0)),
        ],
        out_specs=pl.BlockSpec((block_rows, F), lambda i: (i, 0)),
        out_shape=jax.ShapeDtypeStruct((n, F), jnp.float32),
    )(x, w1t, b1, w2t, b2)


def _combine_body(p_ref, d_ref, bc_ref, wh_ref, bh_ref, o_ref):
    wp = bc_ref[...] * wh_ref[...]
    num = p_ref[0] + p_ref[1]
    nw = num * wp
    t0 = jnp.sum(nw[:, :HID], axis=1)
    t1 = jnp.sum(nw[:, HID:], axis=1)
    cc = jnp.sum(bc_ref[...] * wp) + bh_ref[0, 0]
    o_ref[0, pl.ds(0, NMP)] = t0
    o_ref[0, pl.ds(NMP, HP - NMP)] = jnp.broadcast_to(cc, (HP - NMP,))
    o_ref[1, pl.ds(0, NMP)] = t1
    o_ref[2, :] = d_ref[pl.ds(0, HP)] + d_ref[pl.ds(DEND, HP)]
    o_ref[3, :] = d_ref[pl.ds(HP, HP)] + d_ref[pl.ds(DEND + HP, HP)]


def _combine(partials, dens, bias_conv, whead, bhead):
    return pl.pallas_call(
        _combine_body,
        out_shape=jax.ShapeDtypeStruct((4, HP), jnp.float32),
    )(partials, dens, bias_conv, whead, bhead)


@functools.cache
def _sc_kernels():
  mesh = plsc.VectorSubcoreMesh(core_axis_name="c", subcore_axis_name="s",
                                num_cores=NC, num_subcores=NS)

  @functools.partial(
      pl.kernel,
      out_type=(jax.ShapeDtypeStruct((NC, NMP, F), jnp.float32),
                jax.ShapeDtypeStruct((NC * DEND,), jnp.float32)),
      mesh=mesh,
      scratch_types=[
          pltpu.VMEM((BC,), jnp.int32),
          pltpu.VMEM((BC,), jnp.int32),
          pltpu.VMEM((BC,), jnp.int32),
          pltpu.VMEM((BC,), jnp.int32),
          pltpu.VMEM((BC,), jnp.int32),
          pltpu.VMEM((BC,), jnp.int32),
          pltpu.VMEM((BC, F), jnp.float32),
          pltpu.VMEM((BC, F), jnp.float32),
          pltpu.VMEM((BC, F), jnp.float32),
          pltpu.VMEM((BC, F), jnp.float32),
          pltpu.VMEM((BC,), jnp.float32),
          pltpu.VMEM((BC,), jnp.float32),
          pltpu.VMEM((F,), jnp.float32),
          pltpu.VMEM_SHARED((NMP, F), jnp.float32),
          pltpu.VMEM_SHARED((DEND,), jnp.float32),
          pltpu.SemaphoreType.DMA,
          pltpu.SemaphoreType.DMA,
      ],
  )
  def _edge_agg(xlb, xrm, srcp, dstp, attf, out, out2,
                srcv_a, srcv_b, dstv_a, dstv_b, didx0, didx1,
                xlv_a, xlv_b, xrv_a, xrv_b, exv0, exv1,
                attv, accum, accd, sem0, sem1):
    srcvs = (srcv_a, srcv_b)
    dstvs = (dstv_a, dstv_b)
    xlvs = (xlv_a, xlv_b)
    xrvs = (xrv_a, xrv_b)
    cid = lax.axis_index("c")
    sid = lax.axis_index("s")
    wid = cid * NS + sid
    wbase = wid * EPT
    row0 = sid * RPT
    den0 = sid * DPT
    sems = (sem0, sem1)

    pltpu.sync_copy(attf, attv)
    zeros16 = jnp.zeros((L,), jnp.float32)

    def _zrow(r, c):
        for v in range(F // L):
            xrv_a[r, pl.ds(v * L, L)] = zeros16
        return c

    lax.fori_loop(0, BC, _zrow, 0)

    def _zex(r, c):
        exv0[pl.ds(r * L, L)] = zeros16
        return c

    lax.fori_loop(0, BC // L, _zex, 0)

    for k in range(RPT // BC):
        pltpu.sync_copy(xrv_a, accum.at[pl.ds(row0 + k * BC, BC)])
    rem = RPT % BC
    pltpu.sync_copy(xrv_a.at[pl.ds(0, rem)],
                    accum.at[pl.ds(row0 + (RPT // BC) * BC, rem)])
    for k in range(DPT // BC):
        pltpu.sync_copy(exv0, accd.at[pl.ds(den0 + k * BC, BC)])
    plsc.subcore_barrier()

    att_seg = [attv[pl.ds(v * L, L)] for v in range(F // L)]
    lane = lax.iota(jnp.int32, L)

    def _issue(c, s):
        base = wbase + c * BC
        pltpu.sync_copy(srcp.at[pl.ds(base, BC)], srcvs[s])
        pltpu.sync_copy(dstp.at[pl.ds(base, BC)], dstvs[s])
        ga = pltpu.async_copy(xlb.at[srcvs[s]], xlvs[s], sems[s])
        gb = pltpu.async_copy(xrm.at[dstvs[s]], xrvs[s], sems[s])
        return ga, gb

    def _compute(s):
        xlv = xlvs[s]
        xrv = xrvs[s]

        def _group(g, c):
            d16 = dstvs[s][pl.ds(g * L, L)]
            didx0[pl.ds(g * L, L)] = d16
            didx1[pl.ds(g * L, L)] = d16 + HP

            def _edge(j, carry):
                ex0g, ex1g = carry
                i = g * L + j
                xl_seg = [xlv[i, pl.ds(v * L, L)] for v in range(F // L)]
                acc0 = zeros16
                acc1 = zeros16
                for v in range(F // L):
                    z = xl_seg[v] + xrv[i, pl.ds(v * L, L)]
                    z = jnp.where(z >= 0.0, z, z * 0.2)
                    if v < (F // L) // 2:
                        acc0 = acc0 + att_seg[v] * z
                    else:
                        acc1 = acc1 + att_seg[v] * z
                for k in (1, 2, 4, 8):
                    acc0 = acc0 + acc0.at[lane ^ k].get(
                        mode="promise_in_bounds")
                    acc1 = acc1 + acc1.at[lane ^ k].get(
                        mode="promise_in_bounds")
                ex0 = jnp.exp(acc0)
                ex1 = jnp.exp(acc1)
                for v in range(F // L):
                    exv = ex0 if v < (F // L) // 2 else ex1
                    xrv[i, pl.ds(v * L, L)] = exv * xl_seg[v]
                return (jnp.where(lane == j, ex0, ex0g),
                        jnp.where(lane == j, ex1, ex1g))

            ex0g, ex1g = lax.fori_loop(0, L, _edge, (zeros16, zeros16))
            exv0[pl.ds(g * L, L)] = ex0g
            exv1[pl.ds(g * L, L)] = ex1g
            return c

        lax.fori_loop(0, BC // L, _group, 0)
        pltpu.sync_copy(xrv, accum.at[dstvs[s]], add=True)
        pltpu.sync_copy(exv0, accd.at[didx0], add=True)
        pltpu.sync_copy(exv1, accd.at[didx1], add=True)

    def _seq(tc_, c):
        d0 = _issue(tc_, 0)
        d0[0].wait()
        d0[1].wait()
        _compute(0)
        return c

    lax.fori_loop(0, CHUNKS, _seq, 0)

    plsc.subcore_barrier()
    pltpu.sync_copy(accum.at[pl.ds(row0, RPT)], out.at[cid, pl.ds(row0, RPT)])
    pltpu.sync_copy(accd.at[pl.ds(den0, DPT)],
                    out2.at[pl.ds(cid * DEND + den0, DPT)])

  @functools.partial(
      pl.kernel,
      out_type=jax.ShapeDtypeStruct((EP,), jnp.float32),
      mesh=mesh,
      scratch_types=(
          [pltpu.VMEM((BC,), jnp.int32)] * 8
          + [pltpu.VMEM((BC,), jnp.float32)] * 8
          + [pltpu.VMEM((L,), jnp.float32),
             pltpu.VMEM((EPT,), jnp.float32),
             pltpu.SemaphoreType.DMA,
             pltpu.SemaphoreType.DMA]
      ),
  )
  def _edge_scores(tfl, dstp, out,
                   dv_a, dv1_a, dv2_a, dv3_a, dv_b, dv1_b, dv2_b, dv3_b,
                   v0_a, v1_a, v2_a, v3_a, v0_b, v1_b, v2_b, v3_b,
                   cbuf, ov, sem0, sem1):
    idxs = ((dv_a, dv1_a, dv2_a, dv3_a), (dv_b, dv1_b, dv2_b, dv3_b))
    vals = ((v0_a, v1_a, v2_a, v3_a), (v0_b, v1_b, v2_b, v3_b))
    cid = lax.axis_index("c")
    sid = lax.axis_index("s")
    wbase = (cid * NS + sid) * EPT
    sems = (sem0, sem1)
    pltpu.sync_copy(tfl.at[pl.ds(NMP, L)], cbuf)
    c16 = cbuf[pl.ds(0, L)]

    def _issue(c, s):
        dq = idxs[s]
        pltpu.sync_copy(dstp.at[pl.ds(wbase + c * BC, BC)], dq[0])

        def _mkidx(g, cc):
            d16 = dq[0][pl.ds(g * L, L)]
            dq[1][pl.ds(g * L, L)] = d16 + HP
            dq[2][pl.ds(g * L, L)] = d16 + 2 * HP
            dq[3][pl.ds(g * L, L)] = d16 + 3 * HP
            return cc

        lax.fori_loop(0, BC // L, _mkidx, 0)
        return [pltpu.async_copy(tfl.at[dq[q]], vals[s][q], sems[s])
                for q in range(4)]

    def _compute(c, s):
        v0, v1, v2, v3 = vals[s]

        def _fin(g, cc):
            sl = pl.ds(g * L, L)
            ov[pl.ds(c * BC + g * L, L)] = (
                v0[sl] / (v2[sl] + 1e-16) + v1[sl] / (v3[sl] + 1e-16) + c16)
            return cc

        lax.fori_loop(0, BC // L, _fin, 0)

    def _seq(tc_, c):
        d0 = _issue(tc_, 0)
        for d in d0:
            d.wait()
        _compute(tc_, 0)
        return c

    lax.fori_loop(0, CHUNKS, _seq, 0)
    pltpu.sync_copy(ov, out.at[pl.ds(wbase, EPT)])

  return _edge_agg, _edge_scores


@jax.jit
def kernel(x_b, x_m, edge_index_bm, Wb, bb, Wm, bm, Wl, bl, Wr, br,
           att, bias_conv, Whead, bhead):
    edge_agg, edge_scores = _sc_kernels()
    xlb = _proj(x_b, Wb.T, bb.reshape(1, HID), Wl.T, bl.reshape(1, F), 400)
    xrm = _proj(x_m, Wm.T, bm.reshape(1, HID), Wr.T, br.reshape(1, F), 400)
    xrm = jnp.pad(xrm, ((0, L), (0, 0)))
    srcp = jnp.pad(edge_index_bm[0], (0, EPAD - E))
    dstp = jnp.pad(edge_index_bm[1], (0, EPAD - E), constant_values=NM)
    attf = att.reshape(F)
    partials, dens = edge_agg(xlb, xrm, srcp, dstp, attf)
    tfl = _combine(partials, dens, bias_conv.reshape(1, F), Whead,
                   bhead.reshape(1, 1))
    return edge_scores(tfl.reshape(4 * HP), dstp)[:E]

# --- scband reference (transcript-rebuilt; emitter-appended) ---
"""Pipeline reference for scband-gatfraud-detector-67680094650380 (READ-ONLY COPY).

The authoritative reference and input builder live on the scoring server;
editing this copy changes nothing except your own understanding.
"""

import jax, jax.numpy as jnp
import numpy as np

NB = 40000
NM = 10000
E = 600000
IN_B = 128
IN_M = 128
HID = 64
HEADS = 2


def setup_inputs(seed: int = 0) -> dict:
    key = jax.random.key(seed)
    ks = jax.random.split(key, 18)
    x_b = jax.random.normal(ks[0], (NB, IN_B), dtype=jnp.float32)
    x_m = jax.random.normal(ks[1], (NM, IN_M), dtype=jnp.float32)
    src = jax.random.randint(ks[2], (E,), 0, NB)
    dst = jax.random.randint(ks[3], (E,), 0, NM)
    edge_index_bm = jnp.stack([src, dst], axis=0).astype(jnp.int32)
    # learned params
    Wb = jax.random.normal(ks[4], (HID, IN_B), dtype=jnp.float32) / np.sqrt(IN_B)
    bb = jnp.zeros((HID,), dtype=jnp.float32)
    Wm = jax.random.normal(ks[5], (HID, IN_M), dtype=jnp.float32) / np.sqrt(IN_M)
    bm = jnp.zeros((HID,), dtype=jnp.float32)
    Wl = jax.random.normal(ks[6], (HEADS * HID, HID), dtype=jnp.float32) / np.sqrt(HID)
    bl = jnp.zeros((HEADS * HID,), dtype=jnp.float32)
    Wr = jax.random.normal(ks[7], (HEADS * HID, HID), dtype=jnp.float32) / np.sqrt(HID)
    br = jnp.zeros((HEADS * HID,), dtype=jnp.float32)
    att = jax.random.normal(ks[8], (HEADS, HID), dtype=jnp.float32) / np.sqrt(HID)
    bias_conv = jnp.zeros((HEADS * HID,), dtype=jnp.float32)
    Whead = jax.random.normal(ks[9], (1, HEADS * HID), dtype=jnp.float32) / np.sqrt(HEADS * HID)
    bhead = jnp.zeros((1,), dtype=jnp.float32)
    return {"x_b": x_b, "x_m": x_m, "edge_index_bm": edge_index_bm,
            "Wb": Wb, "bb": bb, "Wm": Wm, "bm": bm,
            "Wl": Wl, "bl": bl, "Wr": Wr, "br": br,
            "att": att, "bias_conv": bias_conv, "Whead": Whead, "bhead": bhead}


def reference(x_b, x_m, edge_index_bm, Wb, bb, Wm, bm, Wl, bl, Wr, br, att, bias_conv, Whead, bhead):
    # projections + relu (dropout = identity in eval)
    hb = jax.nn.relu(x_b @ Wb.T + bb)
    hm = jax.nn.relu(x_m @ Wm.T + bm)
    x = jnp.concatenate([hb, hm], axis=0)
    N = x.shape[0]
    offset = hb.shape[0]
    src = edge_index_bm[0]
    dst = edge_index_bm[1] + offset
    # GATv2Conv (add_self_loops=False, concat=True)
    xl = (x @ Wl.T + bl).reshape(N, HEADS, HID)  # source transform (lin_l)
    xr = (x @ Wr.T + br).reshape(N, HEADS, HID)  # target transform (lin_r)
    z = jax.nn.leaky_relu(xl[src] + xr[dst], negative_slope=0.2)  # [E, H, D]
    e = jnp.einsum('ehd,hd->eh', z, att)  # [E, H]
    emax = jax.ops.segment_max(e, dst, num_segments=N)
    emax = jnp.where(jnp.isfinite(emax), emax, 0.0)
    emax = jax.lax.stop_gradient(emax)
    ex = jnp.exp(e - emax[dst])
    denom = jax.ops.segment_sum(ex, dst, num_segments=N)
    alpha = ex / (denom[dst] + 1e-16)  # [E, H]
    msg = alpha[:, :, None] * xl[src]  # [E, H, D]
    out = jax.ops.segment_sum(msg, dst, num_segments=N).reshape(N, HEADS * HID)
    h = out + bias_conv
    # edge scoring head
    edge_repr = h[src] * h[dst]
    logits = (edge_repr @ Whead.T + bhead).squeeze(-1)
    return logits

if __name__ == "__main__":
    import jax
    _d = setup_inputs()
    print(jax.jit(kernel)(*tuple(_d.values())))

</pallas_src>

<mosaic_0001>
#map = affine_map<(d0, d1) -> (0, 0)>
#map1 = affine_map<(d0, d1) -> (0)>
#map2 = affine_map<(d0, d1) -> (0, 0, 0)>
module attributes {stable_mosaic.version = 14 : i64} {
  func.func @_edge_agg(%arg0: i32, %arg1: i32, %arg2: memref<40000x128xf32, #tpu.memory_space<hbm>>, %arg3: memref<10016x128xf32, #tpu.memory_space<hbm>>, %arg4: memref<600128xi32, #tpu.memory_space<hbm>>, %arg5: memref<600128xi32, #tpu.memory_space<hbm>>, %arg6: memref<128xf32, #tpu.memory_space<hbm>>, %arg7: memref<2x10112x128xf32, #tpu.memory_space<hbm>>, %arg8: memref<40960xf32, #tpu.memory_space<hbm>>, %arg9: memref<64xi32, #tpu.memory_space<vmem>>, %arg10: memref<64xi32, #tpu.memory_space<vmem>>, %arg11: memref<64xi32, #tpu.memory_space<vmem>>, %arg12: memref<64xi32, #tpu.memory_space<vmem>>, %arg13: memref<64xi32, #tpu.memory_space<vmem>>, %arg14: memref<64xi32, #tpu.memory_space<vmem>>, %arg15: memref<64x128xf32, #tpu.memory_space<vmem>>, %arg16: memref<64x128xf32, #tpu.memory_space<vmem>>, %arg17: memref<64x128xf32, #tpu.memory_space<vmem>>, %arg18: memref<64x128xf32, #tpu.memory_space<vmem>>, %arg19: memref<64xf32, #tpu.memory_space<vmem>>, %arg20: memref<64xf32, #tpu.memory_space<vmem>>, %arg21: memref<128xf32, #tpu.memory_space<vmem>>, %arg22: memref<10112x128xf32, #tpu.memory_space<vmem_shared>>, %arg23: memref<20480xf32, #tpu.memory_space<vmem_shared>>, %arg24: memref<!tpu.dma_semaphore, #tpu.memory_space<semaphore_mem>>, %arg25: memref<!tpu.dma_semaphore, #tpu.memory_space<semaphore_mem>>) attributes {dimension_semantics = [#tpu.dimension_semantics<core_parallel>, #tpu.dimension_semantics<subcore_parallel>], iteration_bounds = array<i64: 2, 16>, scalar_prefetch = 0 : i64, scratch_operands = 17 : i64, tpu.core_type = #tpu.core_type<sc_vector_subcore>, window_params = [{transform_indices = #map}, {transform_indices = #map}, {transform_indices = #map1}, {transform_indices = #map1}, {transform_indices = #map1}, {transform_indices = #map2}, {transform_indices = #map1}]} {
    %mul3A = arith.constant 16 : i32
    %mul3A_0 = arith.muli %arg0, %mul3A : i32
    %add3A = arith.addi %mul3A_0, %arg1 : i32
    %mul3A_1 = arith.constant 18752 : i32
    %mul3A_2 = arith.muli %add3A, %mul3A_1 : i32
    %mul3A_3 = arith.constant 632 : i32
    %mul3A_4 = arith.muli %arg1, %mul3A_3 : i32
    %mul3A_5 = arith.constant 1280 : i32
    %mul3A_6 = arith.muli %arg1, %mul3A_5 : i32
    "tpu.region"() ({
      %run_scoped3A = tpu.sem_alloc : memref<!tpu.dma_semaphore, #tpu.memory_space<semaphore_mem>>
      tpu.enqueue_dma source(%arg6 : memref<128xf32, #tpu.memory_space<hbm>>) target(%arg21 : memref<128xf32, #tpu.memory_space<vmem>>) target_semaphore(%run_scoped3A : memref<!tpu.dma_semaphore, #tpu.memory_space<semaphore_mem>>)
      tpu.wait_dma2 semaphore(%run_scoped3A : memref<!tpu.dma_semaphore, #tpu.memory_space<semaphore_mem>>) src(%arg6 : memref<128xf32, #tpu.memory_space<hbm>>) dst(%arg21 : memref<128xf32, #tpu.memory_space<vmem>>)
      tpu.yield
    }) : () -> ()
    %broadcast_in_dim3A = arith.constant 0.000000e+00 : f32
    %broadcast_in_dim3A_7 = vector.broadcast %broadcast_in_dim3A : f32 to vector<16xf32>
    %scan3A = arith.constant 0 : i32
    %scan3A_8 = arith.constant 0 : i32
    %scan3A_9 = arith.constant 64 : i32
    %scan3A_10 = arith.addi %scan3A_8, %scan3A_9 : i32
    %scan3A_11 = arith.constant 1 : i32
    scf.for %scan3A_112 = %scan3A_8 to %scan3A_10 step %scan3A_11  : i32 {
      %swap3A = arith.index_cast %scan3A_112 : i32 to index
      %swap3A_113 = arith.constant 0 : index
      %swap3A_114 = tpu.vector_load %arg17[%swap3A, %swap3A_113] {strides = array<i32>} : memref<64x128xf32, #tpu.memory_space<vmem>>, vector<1x16xf32>,
      %swap3A_115 = vector.shape_cast %swap3A_114 : vector<1x16xf32> to vector<16xf32>
      %swap3A_116 = vector.shape_cast %broadcast_in_dim3A_7 : vector<16xf32> to vector<1x16xf32>
      tpu.vector_store %arg17[%swap3A, %swap3A_113], %swap3A_116 {strides = array<i32>} : memref<64x128xf32, #tpu.memory_space<vmem>>, vector<1x16xf32>,
      %swap3A_117 = arith.index_cast %scan3A_112 : i32 to index
      %swap3A_118 = arith.constant 16 : index
      %swap3A_119 = tpu.vector_load %arg17[%swap3A_117, %swap3A_118] {strides = array<i32>} : memref<64x128xf32, #tpu.memory_space<vmem>>, vector<1x16xf32>,
      %swap3A_120 = vector.shape_cast %swap3A_119 : vector<1x16xf32> to vector<16xf32>
      %swap3A_121 = vector.shape_cast %broadcast_in_dim3A_7 : vector<16xf32> to vector<1x16xf32>
      tpu.vector_store %arg17[%swap3A_117, %swap3A_118], %swap3A_121 {strides = array<i32>} : memref<64x128xf32, #tpu.memory_space<vmem>>, vector<1x16xf32>,
      %swap3A_122 = arith.index_cast %scan3A_112 : i32 to index
      %swap3A_123 = arith.constant 32 : index
      %swap3A_124 = tpu.vector_load %arg17[%swap3A_122, %swap3A_123] {strides = array<i32>} : memref<64x128xf32, #tpu.memory_space<vmem>>, vector<1x16xf32>,
      %swap3A_125 = vector.shape_cast %swap3A_124 : vector<1x16xf32> to vector<16xf32>
      %swap3A_126 = vector.shape_cast %broadcast_in_dim3A_7 : vector<16xf32> to vector<1x16xf32>
      tpu.vector_store %arg17[%swap3A_122, %swap3A_123], %swap3A_126 {strides = array<i32>} : memref<64x128xf32, #tpu.memory_space<vmem>>, vector<1x16xf32>,
      %swap3A_127 = arith.index_cast %scan3A_112 : i32 to index
      %swap3A_128 = arith.constant 48 : index
      %swap3A_129 = tpu.vector_load %arg17[%swap3A_127, %swap3A_128] {strides = array<i32>} : memref<64x128xf32, #tpu.memory_space<vmem>>, vector<1x16xf32>,
      %swap3A_130 = vector.shape_cast %swap3A_129 : vector<1x16xf32> to vector<16xf32>
      %swap3A_131 = vector.shape_cast %broadcast_in_dim3A_7 : vector<16xf32> to vector<1x16xf32>
      tpu.vector_store %arg17[%swap3A_127, %swap3A_128], %swap3A_131 {strides = array<i32>} : memref<64x128xf32, #tpu.memory_space<vmem>>, vector<1x16xf32>,
      %swap3A_132 = arith.index_cast %scan3A_112 : i32 to index
      %swap3A_133 = arith.constant 64 : index
      %swap3A_134 = tpu.vector_load %arg17[%swap3A_132, %swap3A_133] {strides = array<i32>} : memref<64x128xf32, #tpu.memory_space<vmem>>, vector<1x16xf32>,
      %swap3A_135 = vector.shape_cast %swap3A_134 : vector<1x16xf32> to vector<16xf32>
      %swap3A_136 = vector.shape_cast %broadcast_in_dim3A_7 : vector<16xf32> to vector<1x16xf32>
      tpu.vector_store %arg17[%swap3A_132, %swap3A_133], %swap3A_136 {strides = array<i32>} : memref<64x128xf32, #tpu.memory_space<vmem>>, vector<1x16xf32>,
      %swap3A_137 = arith.index_cast %scan3A_112 : i32 to index
      %swap3A_138 = arith.constant 80 : index
      %swap3A_139 = tpu.vector_load %arg17[%swap3A_137, %swap3A_138] {strides = array<i32>} : memref<64x128xf32, #tpu.memory_space<vmem>>, vector<1x16xf32>,
      %swap3A_140 = vector.shape_cast %swap3A_139 : vector<1x16xf32> to vector<16xf32>
      %swap3A_141 = vector.shape_cast %broadcast_in_dim3A_7 : vector<16xf32> to vector<1x16xf32>
      tpu.vector_store %arg17[%swap3A_137, %swap3A_138], %swap3A_141 {strides = array<i32>} : memref<64x128xf32, #tpu.memory_space<vmem>>, vector<1x16xf32>,
      %swap3A_142 = arith.index_cast %scan3A_112 : i32 to index
      %swap3A_143 = arith.constant 96 : index
      %swap3A_144 = tpu.vector_load %arg17[%swap3A_142, %swap3A_143] {strides = array<i32>} : memref<64x128xf32, #tpu.memory_space<vmem>>, vector<1x16xf32>,
      %swap3A_145 = vector.shape_cast %swap3A_144 : vector<1x16xf32> to vector<16xf32>
      %swap3A_146 = vector.shape_cast %broadcast_in_dim3A_7 : vector<16xf32> to vector<1x16xf32>
      tpu.vector_store %arg17[%swap3A_142, %swap3A_143], %swap3A_146 {strides = array<i32>} : memref<64x128xf32, #tpu.memory_space<vmem>>, vector<1x16xf32>,
      %swap3A_147 = arith.index_cast %scan3A_112 : i32 to index
      %swap3A_148 = arith.constant 112 : index
      %swap3A_149 = tpu.vector_load %arg17[%swap3A_147, %swap3A_148] {strides = array<i32>} : memref<64x128xf32, #tpu.memory_space<vmem>>, vector<1x16xf32>,
      %swap3A_150 = vector.shape_cast %swap3A_149 : vector<1x16xf32> to vector<16xf32>
      %swap3A_151 = vector.shape_cast %broadcast_in_dim3A_7 : vector<16xf32> to vector<1x16xf32>
      tpu.vector_store %arg17[%swap3A_147, %swap3A_148], %swap3A_151 {strides = array<i32>} : memref<64x128xf32, #tpu.memory_space<vmem>>, vector<1x16xf32>,
    }
    %scan3A_12 = arith.constant 64 : i32
    %scan3A_13 = arith.constant 0 : i32
    %scan3A_14 = arith.constant 0 : i32
    %scan3A_15 = arith.constant 4 : i32
    %scan3A_16 = arith.addi %scan3A_14, %scan3A_15 : i32
    %scan3A_17 = arith.constant 1 : i32
    scf.for %scan3A_112 = %scan3A_14 to %scan3A_16 step %scan3A_17  : i32 {
      %mul3A_113 = arith.constant 16 : i32
      %mul3A_114 = arith.muli %scan3A_112, %mul3A_113 : i32
      %swap3A = arith.index_cast %mul3A_114 : i32 to index
      %swap3A_115 = tpu.vector_load %arg19[%swap3A] {strides = array<i32>} : memref<64xf32, #tpu.memory_space<vmem>>, vector<16xf32>,
      %swap3A_116 = vector.shape_cast %swap3A_115 : vector<16xf32> to vector<16xf32>
      %swap3A_117 = vector.shape_cast %broadcast_in_dim3A_7 : vector<16xf32> to vector<16xf32>
      tpu.vector_store %arg19[%swap3A], %swap3A_117 {strides = array<i32>} : memref<64xf32, #tpu.memory_space<vmem>>, vector<16xf32>,
    }
    %scan3A_18 = arith.constant 4 : i32
    %add3A_19 = arith.constant 0 : i32
    %add3A_20 = arith.addi %mul3A_4, %add3A_19 : i32
    "tpu.region"() ({
      %run_scoped3A = tpu.sem_alloc : memref<!tpu.dma_semaphore, #tpu.memory_space<semaphore_mem>>
      %dma_start3A = arith.constant 0 : i32
      %dma_start3A_112 = tpu.memref_slice %arg22[%add3A_20, %dma_start3A] : memref<10112x128xf32, #tpu.memory_space<vmem_shared>> -> memref<64x128xf32, #tpu.memory_space<vmem_shared>>
      %dma_start3A_113 = arith.constant 0 : i32
      %dma_start3A_114 = tpu.memref_slice %arg22[%add3A_20, %dma_start3A_113] : memref<10112x128xf32, #tpu.memory_space<vmem_shared>> -> memref<64x128xf32, #tpu.memory_space<vmem_shared>>
      tpu.enqueue_dma source(%arg17 : memref<64x128xf32, #tpu.memory_space<vmem>>) target(%dma_start3A_114 : memref<64x128xf32, #tpu.memory_space<vmem_shared>>) target_semaphore(%run_scoped3A : memref<!tpu.dma_semaphore, #tpu.memory_space<semaphore_mem>>)
      %dma_wait3A = arith.constant 0 : i32
      %dma_wait3A_115 = tpu.memref_slice %arg22[%add3A_20, %dma_wait3A] : memref<10112x128xf32, #tpu.memory_space<vmem_shared>> -> memref<64x128xf32, #tpu.memory_space<vmem_shared>>
      %dma_wait3A_116 = arith.constant 0 : i32
      %dma_wait3A_117 = tpu.memref_slice %arg22[%add3A_20, %dma_wait3A_116] : memref<10112x128xf32, #tpu.memory_space<vmem_shared>> -> memref<64x128xf32, #tpu.memory_space<vmem_shared>>
      tpu.wait_dma2 semaphore(%run_scoped3A : memref<!tpu.dma_semaphore, #tpu.memory_space<semaphore_mem>>) src(%arg17 : memref<64x128xf32, #tpu.memory_space<vmem>>) dst(%dma_wait3A_117 : memref<64x128xf32, #tpu.memory_space<vmem_shared>>)
      tpu.yield
    }) : () -> ()
    %add3A_21 = arith.constant 64 : i32
    %add3A_22 = arith.addi %mul3A_4, %add3A_21 : i32
    "tpu.region"() ({
      %run_scoped3A = tpu.sem_alloc : memref<!tpu.dma_semaphore, #tpu.memory_space<semaphore_mem>>
      %dma_start3A = arith.constant 0 : i32
      %dma_start3A_112 = tpu.memref_slice %arg22[%add3A_22, %dma_start3A] : memref<10112x128xf32, #tpu.memory_space<vmem_shared>> -> memref<64x128xf32, #tpu.memory_space<vmem_shared>>
      %dma_start3A_113 = arith.constant 0 : i32
      %dma_start3A_114 = tpu.memref_slice %arg22[%add3A_22, %dma_start3A_113] : memref<10112x128xf32, #tpu.memory_space<vmem_shared>> -> memref<64x128xf32, #tpu.memory_space<vmem_shared>>
      tpu.enqueue_dma source(%arg17 : memref<64x128xf32, #tpu.memory_space<vmem>>) target(%dma_start3A_114 : memref<64x128xf32, #tpu.memory_space<vmem_shared>>) target_semaphore(%run_scoped3A : memref<!tpu.dma_semaphore, #tpu.memory_space<semaphore_mem>>)
      %dma_wait3A = arith.constant 0 : i32
      %dma_wait3A_115 = tpu.memref_slice %arg22[%add3A_22, %dma_wait3A] : memref<10112x128xf32, #tpu.memory_space<vmem_shared>> -> memref<64x128xf32, #tpu.memory_space<vmem_shared>>
      %dma_wait3A_116 = arith.constant 0 : i32
      %dma_wait3A_117 = tpu.memref_slice %arg22[%add3A_22, %dma_wait3A_116] : memref<10112x128xf32, #tpu.memory_space<vmem_shared>> -> memref<64x128xf32, #tpu.memory_space<vmem_shared>>
      tpu.wait_dma2 semaphore(%run_scoped3A : memref<!tpu.dma_semaphore, #tpu.memory_space<semaphore_mem>>) src(%arg17 : memref<64x128xf32, #tpu.memory_space<vmem>>) dst(%dma_wait3A_117 : memref<64x128xf32, #tpu.memory_space<vmem_shared>>)
      tpu.yield
    }) : () -> ()
    %add3A_23 = arith.constant 128 : i32
    %add3A_24 = arith.addi %mul3A_4, %add3A_23 : i32
    "tpu.region"() ({
      %run_scoped3A = tpu.sem_alloc : memref<!tpu.dma_semaphore, #tpu.memory_space<semaphore_mem>>
      %dma_start3A = arith.constant 0 : i32
      %dma_start3A_112 = tpu.memref_slice %arg22[%add3A_24, %dma_start3A] : memref<10112x128xf32, #tpu.memory_space<vmem_shared>> -> memref<64x128xf32, #tpu.memory_space<vmem_shared>>
      %dma_start3A_113 = arith.constant 0 : i32
      %dma_start3A_114 = tpu.memref_slice %arg22[%add3A_24, %dma_start3A_113] : memref<10112x128xf32, #tpu.memory_space<vmem_shared>> -> memref<64x128xf32, #tpu.memory_space<vmem_shared>>
      tpu.enqueue_dma source(%arg17 : memref<64x128xf32, #tpu.memory_space<vmem>>) target(%dma_start3A_114 : memref<64x128xf32, #tpu.memory_space<vmem_shared>>) target_semaphore(%run_scoped3A : memref<!tpu.dma_semaphore, #tpu.memory_space<semaphore_mem>>)
      %dma_wait3A = arith.constant 0 : i32
      %dma_wait3A_115 = tpu.memref_slice %arg22[%add3A_24, %dma_wait3A] : memref<10112x128xf32, #tpu.memory_space<vmem_shared>> -> memref<64x128xf32, #tpu.memory_space<vmem_shared>>
      %dma_wait3A_116 = arith.constant 0 : i32
      %dma_wait3A_117 = tpu.memref_slice %arg22[%add3A_24, %dma_wait3A_116] : memref<10112x128xf32, #tpu.memory_space<vmem_shared>> -> memref<64x128xf32, #tpu.memory_space<vmem_shared>>
      tpu.wait_dma2 semaphore(%run_scoped3A : memref<!tpu.dma_semaphore, #tpu.memory_space<semaphore_mem>>) src(%arg17 : memref<64x128xf32, #tpu.memory_space<vmem>>) dst(%dma_wait3A_117 : memref<64x128xf32, #tpu.memory_space<vmem_shared>>)
      tpu.yield
    }) : () -> ()
    %add3A_25 = arith.constant 192 : i32
    %add3A_26 = arith.addi %mul3A_4, %add3A_25 : i32
    "tpu.region"() ({
      %run_scoped3A = tpu.sem_alloc : memref<!tpu.dma_semaphore, #tpu.memory_space<semaphore_mem>>
      %dma_start3A = arith.constant 0 : i32
      %dma_start3A_112 = tpu.memref_slice %arg22[%add3A_26, %dma_start3A] : memref<10112x128xf32, #tpu.memory_space<vmem_shared>> -> memref<64x128xf32, #tpu.memory_space<vmem_shared>>
      %dma_start3A_113 = arith.constant 0 : i32
      %dma_start3A_114 = tpu.memref_slice %arg22[%add3A_26, %dma_start3A_113] : memref<10112x128xf32, #tpu.memory_space<vmem_shared>> -> memref<64x128xf32, #tpu.memory_space<vmem_shared>>
      tpu.enqueue_dma source(%arg17 : memref<64x128xf32, #tpu.memory_space<vmem>>) target(%dma_start3A_114 : memref<64x128xf32, #tpu.memory_space<vmem_shared>>) target_semaphore(%run_scoped3A : memref<!tpu.dma_semaphore, #tpu.memory_space<semaphore_mem>>)
      %dma_wait3A = arith.constant 0 : i32
      %dma_wait3A_115 = tpu.memref_slice %arg22[%add3A_26, %dma_wait3A] : memref<10112x128xf32, #tpu.memory_space<vmem_shared>> -> memref<64x128xf32, #tpu.memory_space<vmem_shared>>
      %dma_wait3A_116 = arith.constant 0 : i32
      %dma_wait3A_117 = tpu.memref_slice %arg22[%add3A_26, %dma_wait3A_116] : memref<10112x128xf32, #tpu.memory_space<vmem_shared>> -> memref<64x128xf32, #tpu.memory_space<vmem_shared>>
      tpu.wait_dma2 semaphore(%run_scoped3A : memref<!tpu.dma_semaphore, #tpu.memory_space<semaphore_mem>>) src(%arg17 : memref<64x128xf32, #tpu.memory_space<vmem>>) dst(%dma_wait3A_117 : memref<64x128xf32, #tpu.memory_space<vmem_shared>>)
      tpu.yield
    }) : () -> ()
    %add3A_27 = arith.constant 256 : i32
    %add3A_28 = arith.addi %mul3A_4, %add3A_27 : i32
    "tpu.region"() ({
      %run_scoped3A = tpu.sem_alloc : memref<!tpu.dma_semaphore, #tpu.memory_space<semaphore_mem>>
      %dma_start3A = arith.constant 0 : i32
      %dma_start3A_112 = tpu.memref_slice %arg22[%add3A_28, %dma_start3A] : memref<10112x128xf32, #tpu.memory_space<vmem_shared>> -> memref<64x128xf32, #tpu.memory_space<vmem_shared>>
      %dma_start3A_113 = arith.constant 0 : i32
      %dma_start3A_114 = tpu.memref_slice %arg22[%add3A_28, %dma_start3A_113] : memref<10112x128xf32, #tpu.memory_space<vmem_shared>> -> memref<64x128xf32, #tpu.memory_space<vmem_shared>>
      tpu.enqueue_dma source(%arg17 : memref<64x128xf32, #tpu.memory_space<vmem>>) target(%dma_start3A_114 : memref<64x128xf32, #tpu.memory_space<vmem_shared>>) target_semaphore(%run_scoped3A : memref<!tpu.dma_semaphore, #tpu.memory_space<semaphore_mem>>)
      %dma_wait3A = arith.constant 0 : i32
      %dma_wait3A_115 = tpu.memref_slice %arg22[%add3A_28, %dma_wait3A] : memref<10112x128xf32, #tpu.memory_space<vmem_shared>> -> memref<64x128xf32, #tpu.memory_space<vmem_shared>>
      %dma_wait3A_116 = arith.constant 0 : i32
      %dma_wait3A_117 = tpu.memref_slice %arg22[%add3A_28, %dma_wait3A_116] : memref<10112x128xf32, #tpu.memory_space<vmem_shared>> -> memref<64x128xf32, #tpu.memory_space<vmem_shared>>
      tpu.wait_dma2 semaphore(%run_scoped3A : memref<!tpu.dma_semaphore, #tpu.memory_space<semaphore_mem>>) src(%arg17 : memref<64x128xf32, #tpu.memory_space<vmem>>) dst(%dma_wait3A_117 : memref<64x128xf32, #tpu.memory_space<vmem_shared>>)
      tpu.yield
    }) : () -> ()
    %add3A_29 = arith.constant 320 : i32
    %add3A_30 = arith.addi %mul3A_4, %add3A_29 : i32
    "tpu.region"() ({
      %run_scoped3A = tpu.sem_alloc : memref<!tpu.dma_semaphore, #tpu.memory_space<semaphore_mem>>
      %dma_start3A = arith.constant 0 : i32
      %dma_start3A_112 = tpu.memref_slice %arg22[%add3A_30, %dma_start3A] : memref<10112x128xf32, #tpu.memory_space<vmem_shared>> -> memref<64x128xf32, #tpu.memory_space<vmem_shared>>
      %dma_start3A_113 = arith.constant 0 : i32
      %dma_start3A_114 = tpu.memref_slice %arg22[%add3A_30, %dma_start3A_113] : memref<10112x128xf32, #tpu.memory_space<vmem_shared>> -> memref<64x128xf32, #tpu.memory_space<vmem_shared>>
      tpu.enqueue_dma source(%arg17 : memref<64x128xf32, #tpu.memory_space<vmem>>) target(%dma_start3A_114 : memref<64x128xf32, #tpu.memory_space<vmem_shared>>) target_semaphore(%run_scoped3A : memref<!tpu.dma_semaphore, #tpu.memory_space<semaphore_mem>>)
      %dma_wait3A = arith.constant 0 : i32
      %dma_wait3A_115 = tpu.memref_slice %arg22[%add3A_30, %dma_wait3A] : memref<10112x128xf32, #tpu.memory_space<vmem_shared>> -> memref<64x128xf32, #tpu.memory_space<vmem_shared>>
      %dma_wait3A_116 = arith.constant 0 : i32
      %dma_wait3A_117 = tpu.memref_slice %arg22[%add3A_30, %dma_wait3A_116] : memref<10112x128xf32, #tpu.memory_space<vmem_shared>> -> memref<64x128xf32, #tpu.memory_space<vmem_shared>>
      tpu.wait_dma2 semaphore(%run_scoped3A : memref<!tpu.dma_semaphore, #tpu.memory_space<semaphore_mem>>) src(%arg17 : memref<64x128xf32, #tpu.memory_space<vmem>>) dst(%dma_wait3A_117 : memref<64x128xf32, #tpu.memory_space<vmem_shared>>)
      tpu.yield
    }) : () -> ()
    %add3A_31 = arith.constant 384 : i32
    %add3A_32 = arith.addi %mul3A_4, %add3A_31 : i32
    "tpu.region"() ({
      %run_scoped3A = tpu.sem_alloc : memref<!tpu.dma_semaphore, #tpu.memory_space<semaphore_mem>>
      %dma_start3A = arith.constant 0 : i32
      %dma_start3A_112 = tpu.memref_slice %arg22[%add3A_32, %dma_start3A] : memref<10112x128xf32, #tpu.memory_space<vmem_shared>> -> memref<64x128xf32, #tpu.memory_space<vmem_shared>>
      %dma_start3A_113 = arith.constant 0 : i32
      %dma_start3A_114 = tpu.memref_slice %arg22[%add3A_32, %dma_start3A_113] : memref<10112x128xf32, #tpu.memory_space<vmem_shared>> -> memref<64x128xf32, #tpu.memory_space<vmem_shared>>
      tpu.enqueue_dma source(%arg17 : memref<64x128xf32, #tpu.memory_space<vmem>>) target(%dma_start3A_114 : memref<64x128xf32, #tpu.memory_space<vmem_shared>>) target_semaphore(%run_scoped3A : memref<!tpu.dma_semaphore, #tpu.memory_space<semaphore_mem>>)
      %dma_wait3A = arith.constant 0 : i32
      %dma_wait3A_115 = tpu.memref_slice %arg22[%add3A_32, %dma_wait3A] : memref<10112x128xf32, #tpu.memory_space<vmem_shared>> -> memref<64x128xf32, #tpu.memory_space<vmem_shared>>
      %dma_wait3A_116 = arith.constant 0 : i32
      %dma_wait3A_117 = tpu.memref_slice %arg22[%add3A_32, %dma_wait3A_116] : memref<10112x128xf32, #tpu.memory_space<vmem_shared>> -> memref<64x128xf32, #tpu.memory_space<vmem_shared>>
      tpu.wait_dma2 semaphore(%run_scoped3A : memref<!tpu.dma_semaphore, #tpu.memory_space<semaphore_mem>>) src(%arg17 : memref<64x128xf32, #tpu.memory_space<vmem>>) dst(%dma_wait3A_117 : memref<64x128xf32, #tpu.memory_space<vmem_shared>>)
      tpu.yield
    }) : () -> ()
    %add3A_33 = arith.constant 448 : i32
    %add3A_34 = arith.addi %mul3A_4, %add3A_33 : i32
    "tpu.region"() ({
      %run_scoped3A = tpu.sem_alloc : memref<!tpu.dma_semaphore, #tpu.memory_space<semaphore_mem>>
      %dma_start3A = arith.constant 0 : i32
      %dma_start3A_112 = tpu.memref_slice %arg22[%add3A_34, %dma_start3A] : memref<10112x128xf32, #tpu.memory_space<vmem_shared>> -> memref<64x128xf32, #tpu.memory_space<vmem_shared>>
      %dma_start3A_113 = arith.constant 0 : i32
      %dma_start3A_114 = tpu.memref_slice %arg22[%add3A_34, %dma_start3A_113] : memref<10112x128xf32, #tpu.memory_space<vmem_shared>> -> memref<64x128xf32, #tpu.memory_space<vmem_shared>>
      tpu.enqueue_dma source(%arg17 : memref<64x128xf32, #tpu.memory_space<vmem>>) target(%dma_start3A_114 : memref<64x128xf32, #tpu.memory_space<vmem_shared>>) target_semaphore(%run_scoped3A : memref<!tpu.dma_semaphore, #tpu.memory_space<semaphore_mem>>)
      %dma_wait3A = arith.constant 0 : i32
      %dma_wait3A_115 = tpu.memref_slice %arg22[%add3A_34, %dma_wait3A] : memref<10112x128xf32, #tpu.memory_space<vmem_shared>> -> memref<64x128xf32, #tpu.memory_space<vmem_shared>>
      %dma_wait3A_116 = arith.constant 0 : i32
      %dma_wait3A_117 = tpu.memref_slice %arg22[%add3A_34, %dma_wait3A_116] : memref<10112x128xf32, #tpu.memory_space<vmem_shared>> -> memref<64x128xf32, #tpu.memory_space<vmem_shared>>
      tpu.wait_dma2 semaphore(%run_scoped3A : memref<!tpu.dma_semaphore, #tpu.memory_space<semaphore_mem>>) src(%arg17 : memref<64x128xf32, #tpu.memory_space<vmem>>) dst(%dma_wait3A_117 : memref<64x128xf32, #tpu.memory_space<vmem_shared>>)
      tpu.yield
    }) : () -> ()
    %add3A_35 = arith.constant 512 : i32
    %add3A_36 = arith.addi %mul3A_4, %add3A_35 : i32
    "tpu.region"() ({
      %run_scoped3A = tpu.sem_alloc : memref<!tpu.dma_semaphore, #tpu.memory_space<semaphore_mem>>
      %dma_start3A = arith.constant 0 : i32
      %dma_start3A_112 = tpu.memref_slice %arg22[%add3A_36, %dma_start3A] : memref<10112x128xf32, #tpu.memory_space<vmem_shared>> -> memref<64x128xf32, #tpu.memory_space<vmem_shared>>
      %dma_start3A_113 = arith.constant 0 : i32
      %dma_start3A_114 = tpu.memref_slice %arg22[%add3A_36, %dma_start3A_113] : memref<10112x128xf32, #tpu.memory_space<vmem_shared>> -> memref<64x128xf32, #tpu.memory_space<vmem_shared>>
      tpu.enqueue_dma source(%arg17 : memref<64x128xf32, #tpu.memory_space<vmem>>) target(%dma_start3A_114 : memref<64x128xf32, #tpu.memory_space<vmem_shared>>) target_semaphore(%run_scoped3A : memref<!tpu.dma_semaphore, #tpu.memory_space<semaphore_mem>>)
      %dma_wait3A = arith.constant 0 : i32
      %dma_wait3A_115 = tpu.memref_slice %arg22[%add3A_36, %dma_wait3A] : memref<10112x128xf32, #tpu.memory_space<vmem_shared>> -> memref<64x128xf32, #tpu.memory_space<vmem_shared>>
      %dma_wait3A_116 = arith.constant 0 : i32
      %dma_wait3A_117 = tpu.memref_slice %arg22[%add3A_36, %dma_wait3A_116] : memref<10112x128xf32, #tpu.memory_space<vmem_shared>> -> memref<64x128xf32, #tpu.memory_space<vmem_shared>>
      tpu.wait_dma2 semaphore(%run_scoped3A : memref<!tpu.dma_semaphore, #tpu.memory_space<semaphore_mem>>) src(%arg17 : memref<64x128xf32, #tpu.memory_space<vmem>>) dst(%dma_wait3A_117 : memref<64x128xf32, #tpu.memory_space<vmem_shared>>)
      tpu.yield
    }) : () -> ()
    %add3A_37 = arith.constant 576 : i32
    %add3A_38 = arith.addi %mul3A_4, %add3A_37 : i32
    "tpu.region"() ({
      %run_scoped3A = tpu.sem_alloc : memref<!tpu.dma_semaphore, #tpu.memory_space<semaphore_mem>>
      %dma_start3A = arith.constant 0 : i32
      %dma_start3A_112 = arith.constant 0 : i32
      %dma_start3A_113 = tpu.memref_slice %arg17[%dma_start3A, %dma_start3A_112] : memref<64x128xf32, #tpu.memory_space<vmem>> -> memref<56x128xf32, #tpu.memory_space<vmem>>
      %dma_start3A_114 = arith.constant 0 : i32
      %dma_start3A_115 = tpu.memref_slice %arg22[%add3A_38, %dma_start3A_114] : memref<10112x128xf32, #tpu.memory_space<vmem_shared>> -> memref<56x128xf32, #tpu.memory_space<vmem_shared>>
      %dma_start3A_116 = arith.constant 0 : i32
      %dma_start3A_117 = tpu.memref_slice %arg22[%add3A_38, %dma_start3A_116] : memref<10112x128xf32, #tpu.memory_space<vmem_shared>> -> memref<56x128xf32, #tpu.memory_space<vmem_shared>>
      %dma_start3A_118 = arith.constant 0 : i32
      %dma_start3A_119 = arith.constant 0 : i32
      %dma_start3A_120 = tpu.memref_slice %arg17[%dma_start3A_118, %dma_start3A_119] : memref<64x128xf32, #tpu.memory_space<vmem>> -> memref<56x128xf32, #tpu.memory_space<vmem>>
      tpu.enqueue_dma source(%dma_start3A_120 : memref<56x128xf32, #tpu.memory_space<vmem>>) target(%dma_start3A_117 : memref<56x128xf32, #tpu.memory_space<vmem_shared>>) target_semaphore(%run_scoped3A : memref<!tpu.dma_semaphore, #tpu.memory_space<semaphore_mem>>)
      %dma_wait3A = arith.constant 0 : i32
      %dma_wait3A_121 = arith.constant 0 : i32
      %dma_wait3A_122 = tpu.memref_slice %arg17[%dma_wait3A, %dma_wait3A_121] : memref<64x128xf32, #tpu.memory_space<vmem>> -> memref<56x128xf32, #tpu.memory_space<vmem>>
      %dma_wait3A_123 = arith.constant 0 : i32
      %dma_wait3A_124 = tpu.memref_slice %arg22[%add3A_38, %dma_wait3A_123] : memref<10112x128xf32, #tpu.memory_space<vmem_shared>> -> memref<56x128xf32, #tpu.memory_space<vmem_shared>>
      %dma_wait3A_125 = arith.constant 0 : i32
      %dma_wait3A_126 = tpu.memref_slice %arg22[%add3A_38, %dma_wait3A_125] : memref<10112x128xf32, #tpu.memory_space<vmem_shared>> -> memref<56x128xf32, #tpu.memory_space<vmem_shared>>
      %dma_wait3A_127 = arith.constant 0 : i32
      %dma_wait3A_128 = arith.constant 0 : i32
      %dma_wait3A_129 = tpu.memref_slice %arg17[%dma_wait3A_127, %dma_wait3A_128] : memref<64x128xf32, #tpu.memory_space<vmem>> -> memref<56x128xf32, #tpu.memory_space<vmem>>
      tpu.wait_dma2 semaphore(%run_scoped3A : memref<!tpu.dma_semaphore, #tpu.memory_space<semaphore_mem>>) src(%dma_wait3A_129 : memref<56x128xf32, #tpu.memory_space<vmem>>) dst(%dma_wait3A_126 : memref<56x128xf32, #tpu.memory_space<vmem_shared>>)
      tpu.yield
    }) : () -> ()
    %add3A_39 = arith.constant 0 : i32
    %add3A_40 = arith.addi %mul3A_6, %add3A_39 : i32
    "tpu.region"() ({
      %run_scoped3A = tpu.sem_alloc : memref<!tpu.dma_semaphore, #tpu.memory_space<semaphore_mem>>
      %dma_start3A = tpu.memref_slice %arg23[%add3A_40] : memref<20480xf32, #tpu.memory_space<vmem_shared>> -> memref<64xf32, #tpu.memory_space<vmem_shared>>
      %dma_start3A_112 = tpu.memref_slice %arg23[%add3A_40] : memref<20480xf32, #tpu.memory_space<vmem_shared>> -> memref<64xf32, #tpu.memory_space<vmem_shared>>
      tpu.enqueue_dma source(%arg19 : memref<64xf32, #tpu.memory_space<vmem>>) target(%dma_start3A_112 : memref<64xf32, #tpu.memory_space<vmem_shared>>) target_semaphore(%run_scoped3A : memref<!tpu.dma_semaphore, #tpu.memory_space<semaphore_mem>>)
      %dma_wait3A = tpu.memref_slice %arg23[%add3A_40] : memref<20480xf32, #tpu.memory_space<vmem_shared>> -> memref<64xf32, #tpu.memory_space<vmem_shared>>
      %dma_wait3A_113 = tpu.memref_slice %arg23[%add3A_40] : memref<20480xf32, #tpu.memory_space<vmem_shared>> -> memref<64xf32, #tpu.memory_space<vmem_shared>>
      tpu.wait_dma2 semaphore(%run_scoped3A : memref<!tpu.dma_semaphore, #tpu.memory_space<semaphore_mem>>) src(%arg19 : memref<64xf32, #tpu.memory_space<vmem>>) dst(%dma_wait3A_113 : memref<64xf32, #tpu.memory_space<vmem_shared>>)
      tpu.yield
    }) : () -> ()
    %add3A_41 = arith.constant 64 : i32
    %add3A_42 = arith.addi %mul3A_6, %add3A_41 : i32
    "tpu.region"() ({
      %run_scoped3A = tpu.sem_alloc : memref<!tpu.dma_semaphore, #tpu.memory_space<semaphore_mem>>
      %dma_start3A = tpu.memref_slice %arg23[%add3A_42] : memref<20480xf32, #tpu.memory_space<vmem_shared>> -> memref<64xf32, #tpu.memory_space<vmem_shared>>
      %dma_start3A_112 = tpu.memref_slice %arg23[%add3A_42] : memref<20480xf32, #tpu.memory_space<vmem_shared>> -> memref<64xf32, #tpu.memory_space<vmem_shared>>
      tpu.enqueue_dma source(%arg19 : memref<64xf32, #tpu.memory_space<vmem>>) target(%dma_start3A_112 : memref<64xf32, #tpu.memory_space<vmem_shared>>) target_semaphore(%run_scoped3A : memref<!tpu.dma_semaphore, #tpu.memory_space<semaphore_mem>>)
      %dma_wait3A = tpu.memref_slice %arg23[%add3A_42] : memref<20480xf32, #tpu.memory_space<vmem_shared>> -> memref<64xf32, #tpu.memory_space<vmem_shared>>
      %dma_wait3A_113 = tpu.memref_slice %arg23[%add3A_42] : memref<20480xf32, #tpu.memory_space<vmem_shared>> -> memref<64xf32, #tpu.memory_space<vmem_shared>>
      tpu.wait_dma2 semaphore(%run_scoped3A : memref<!tpu.dma_semaphore, #tpu.memory_space<semaphore_mem>>) src(%arg19 : memref<64xf32, #tpu.memory_space<vmem>>) dst(%dma_wait3A_113 : memref<64xf32, #tpu.memory_space<vmem_shared>>)
      tpu.yield
    }) : () -> ()
    %add3A_43 = arith.constant 128 : i32
    %add3A_44 = arith.addi %mul3A_6, %add3A_43 : i32
    "tpu.region"() ({
      %run_scoped3A = tpu.sem_alloc : memref<!tpu.dma_semaphore, #tpu.memory_space<semaphore_mem>>
      %dma_start3A = tpu.memref_slice %arg23[%add3A_44] : memref<20480xf32, #tpu.memory_space<vmem_shared>> -> memref<64xf32, #tpu.memory_space<vmem_shared>>
      %dma_start3A_112 = tpu.memref_slice %arg23[%add3A_44] : memref<20480xf32, #tpu.memory_space<vmem_shared>> -> memref<64xf32, #tpu.memory_space<vmem_shared>>
      tpu.enqueue_dma source(%arg19 : memref<64xf32, #tpu.memory_space<vmem>>) target(%dma_start3A_112 : memref<64xf32, #tpu.memory_space<vmem_shared>>) target_semaphore(%run_scoped3A : memref<!tpu.dma_semaphore, #tpu.memory_space<semaphore_mem>>)
      %dma_wait3A = tpu.memref_slice %arg23[%add3A_44] : memref<20480xf32, #tpu.memory_space<vmem_shared>> -> memref<64xf32, #tpu.memory_space<vmem_shared>>
      %dma_wait3A_113 = tpu.memref_slice %arg23[%add3A_44] : memref<20480xf32, #tpu.memory_space<vmem_shared>> -> memref<64xf32, #tpu.memory_space<vmem_shared>>
      tpu.wait_dma2 semaphore(%run_scoped3A : memref<!tpu.dma_semaphore, #tpu.memory_space<semaphore_mem>>) src(%arg19 : memref<64xf32, #tpu.memory_space<vmem>>) dst(%dma_wait3A_113 : memref<64xf32, #tpu.memory_space<vmem_shared>>)
      tpu.yield
    }) : () -> ()
    %add3A_45 = arith.constant 192 : i32
    %add3A_46 = arith.addi %mul3A_6, %add3A_45 : i32
    "tpu.region"() ({
      %run_scoped3A = tpu.sem_alloc : memref<!tpu.dma_semaphore, #tpu.memory_space<semaphore_mem>>
      %dma_start3A = tpu.memref_slice %arg23[%add3A_46] : memref<20480xf32, #tpu.memory_space<vmem_shared>> -> memref<64xf32, #tpu.memory_space<vmem_shared>>
      %dma_start3A_112 = tpu.memref_slice %arg23[%add3A_46] : memref<20480xf32, #tpu.memory_space<vmem_shared>> -> memref<64xf32, #tpu.memory_space<vmem_shared>>
      tpu.enqueue_dma source(%arg19 : memref<64xf32, #tpu.memory_space<vmem>>) target(%dma_start3A_112 : memref<64xf32, #tpu.memory_space<vmem_shared>>) target_semaphore(%run_scoped3A : memref<!tpu.dma_semaphore, #tpu.memory_space<semaphore_mem>>)
      %dma_wait3A = tpu.memref_slice %arg23[%add3A_46] : memref<20480xf32, #tpu.memory_space<vmem_shared>> -> memref<64xf32, #tpu.memory_space<vmem_shared>>
      %dma_wait3A_113 = tpu.memref_slice %arg23[%add3A_46] : memref<20480xf32, #tpu.memory_space<vmem_shared>> -> memref<64xf32, #tpu.memory_space<vmem_shared>>
      tpu.wait_dma2 semaphore(%run_scoped3A : memref<!tpu.dma_semaphore, #tpu.memory_space<semaphore_mem>>) src(%arg19 : memref<64xf32, #tpu.memory_space<vmem>>) dst(%dma_wait3A_113 : memref<64xf32, #tpu.memory_space<vmem_shared>>)
      tpu.yield
    }) : () -> ()
    %add3A_47 = arith.constant 256 : i32
    %add3A_48 = arith.addi %mul3A_6, %add3A_47 : i32
    "tpu.region"() ({
      %run_scoped3A = tpu.sem_alloc : memref<!tpu.dma_semaphore, #tpu.memory_space<semaphore_mem>>
      %dma_start3A = tpu.memref_slice %arg23[%add3A_48] : memref<20480xf32, #tpu.memory_space<vmem_shared>> -> memref<64xf32, #tpu.memory_space<vmem_shared>>
      %dma_start3A_112 = tpu.memref_slice %arg23[%add3A_48] : memref<20480xf32, #tpu.memory_space<vmem_shared>> -> memref<64xf32, #tpu.memory_space<vmem_shared>>
      tpu.enqueue_dma source(%arg19 : memref<64xf32, #tpu.memory_space<vmem>>) target(%dma_start3A_112 : memref<64xf32, #tpu.memory_space<vmem_shared>>) target_semaphore(%run_scoped3A : memref<!tpu.dma_semaphore, #tpu.memory_space<semaphore_mem>>)
      %dma_wait3A = tpu.memref_slice %arg23[%add3A_48] : memref<20480xf32, #tpu.memory_space<vmem_shared>> -> memref<64xf32, #tpu.memory_space<vmem_shared>>
      %dma_wait3A_113 = tpu.memref_slice %arg23[%add3A_48] : memref<20480xf32, #tpu.memory_space<vmem_shared>> -> memref<64xf32, #tpu.memory_space<vmem_shared>>
      tpu.wait_dma2 semaphore(%run_scoped3A : memref<!tpu.dma_semaphore, #tpu.memory_space<semaphore_mem>>) src(%arg19 : memref<64xf32, #tpu.memory_space<vmem>>) dst(%dma_wait3A_113 : memref<64xf32, #tpu.memory_space<vmem_shared>>)
      tpu.yield
    }) : () -> ()
    %add3A_49 = arith.constant 320 : i32
    %add3A_50 = arith.addi %mul3A_6, %add3A_49 : i32
    "tpu.region"() ({
      %run_scoped3A = tpu.sem_alloc : memref<!tpu.dma_semaphore, #tpu.memory_space<semaphore_mem>>
      %dma_start3A = tpu.memref_slice %arg23[%add3A_50] : memref<20480xf32, #tpu.memory_space<vmem_shared>> -> memref<64xf32, #tpu.memory_space<vmem_shared>>
      %dma_start3A_112 = tpu.memref_slice %arg23[%add3A_50] : memref<20480xf32, #tpu.memory_space<vmem_shared>> -> memref<64xf32, #tpu.memory_space<vmem_shared>>
      tpu.enqueue_dma source(%arg19 : memref<64xf32, #tpu.memory_space<vmem>>) target(%dma_start3A_112 : memref<64xf32, #tpu.memory_space<vmem_shared>>) target_semaphore(%run_scoped3A : memref<!tpu.dma_semaphore, #tpu.memory_space<semaphore_mem>>)
      %dma_wait3A = tpu.memref_slice %arg23[%add3A_50] : memref<20480xf32, #tpu.memory_space<vmem_shared>> -> memref<64xf32, #tpu.memory_space<vmem_shared>>
      %dma_wait3A_113 = tpu.memref_slice %arg23[%add3A_50] : memref<20480xf32, #tpu.memory_space<vmem_shared>> -> memref<64xf32, #tpu.memory_space<vmem_shared>>
      tpu.wait_dma2 semaphore(%run_scoped3A : memref<!tpu.dma_semaphore, #tpu.memory_space<semaphore_mem>>) src(%arg19 : memref<64xf32, #tpu.memory_space<vmem>>) dst(%dma_wait3A_113 : memref<64xf32, #tpu.memory_space<vmem_shared>>)
      tpu.yield
    }) : () -> ()
    %add3A_51 = arith.constant 384 : i32
    %add3A_52 = arith.addi %mul3A_6, %add3A_51 : i32
    "tpu.region"() ({
      %run_scoped3A = tpu.sem_alloc : memref<!tpu.dma_semaphore, #tpu.memory_space<semaphore_mem>>
      %dma_start3A = tpu.memref_slice %arg23[%add3A_52] : memref<20480xf32, #tpu.memory_space<vmem_shared>> -> memref<64xf32, #tpu.memory_space<vmem_shared>>
      %dma_start3A_112 = tpu.memref_slice %arg23[%add3A_52] : memref<20480xf32, #tpu.memory_space<vmem_shared>> -> memref<64xf32, #tpu.memory_space<vmem_shared>>
      tpu.enqueue_dma source(%arg19 : memref<64xf32, #tpu.memory_space<vmem>>) target(%dma_start3A_112 : memref<64xf32, #tpu.memory_space<vmem_shared>>) target_semaphore(%run_scoped3A : memref<!tpu.dma_semaphore, #tpu.memory_space<semaphore_mem>>)
      %dma_wait3A = tpu.memref_slice %arg23[%add3A_52] : memref<20480xf32, #tpu.memory_space<vmem_shared>> -> memref<64xf32, #tpu.memory_space<vmem_shared>>
      %dma_wait3A_113 = tpu.memref_slice %arg23[%add3A_52] : memref<20480xf32, #tpu.memory_space<vmem_shared>> -> memref<64xf32, #tpu.memory_space<vmem_shared>>
      tpu.wait_dma2 semaphore(%run_scoped3A : memref<!tpu.dma_semaphore, #tpu.memory_space<semaphore_mem>>) src(%arg19 : memref<64xf32, #tpu.memory_space<vmem>>) dst(%dma_wait3A_113 : memref<64xf32, #tpu.memory_space<vmem_shared>>)
      tpu.yield
    }) : () -> ()
    %add3A_53 = arith.constant 448 : i32
    %add3A_54 = arith.addi %mul3A_6, %add3A_53 : i32
    "tpu.region"() ({
      %run_scoped3A = tpu.sem_alloc : memref<!tpu.dma_semaphore, #tpu.memory_space<semaphore_mem>>
      %dma_start3A = tpu.memref_slice %arg23[%add3A_54] : memref<20480xf32, #tpu.memory_space<vmem_shared>> -> memref<64xf32, #tpu.memory_space<vmem_shared>>
      %dma_start3A_112 = tpu.memref_slice %arg23[%add3A_54] : memref<20480xf32, #tpu.memory_space<vmem_shared>> -> memref<64xf32, #tpu.memory_space<vmem_shared>>
      tpu.enqueue_dma source(%arg19 : memref<64xf32, #tpu.memory_space<vmem>>) target(%dma_start3A_112 : memref<64xf32, #tpu.memory_space<vmem_shared>>) target_semaphore(%run_scoped3A : memref<!tpu.dma_semaphore, #tpu.memory_space<semaphore_mem>>)
      %dma_wait3A = tpu.memref_slice %arg23[%add3A_54] : memref<20480xf32, #tpu.memory_space<vmem_shared>> -> memref<64xf32, #tpu.memory_space<vmem_shared>>
      %dma_wait3A_113 = tpu.memref_slice %arg23[%add3A_54] : memref<20480xf32, #tpu.memory_space<vmem_shared>> -> memref<64xf32, #tpu.memory_space<vmem_shared>>
      tpu.wait_dma2 semaphore(%run_scoped3A : memref<!tpu.dma_semaphore, #tpu.memory_space<semaphore_mem>>) src(%arg19 : memref<64xf32, #tpu.memory_space<vmem>>) dst(%dma_wait3A_113 : memref<64xf32, #tpu.memory_space<vmem_shared>>)
      tpu.yield
    }) : () -> ()
    %add3A_55 = arith.constant 512 : i32
    %add3A_56 = arith.addi %mul3A_6, %add3A_55 : i32
    "tpu.region"() ({
      %run_scoped3A = tpu.sem_alloc : memref<!tpu.dma_semaphore, #tpu.memory_space<semaphore_mem>>
      %dma_start3A = tpu.memref_slice %arg23[%add3A_56] : memref<20480xf32, #tpu.memory_space<vmem_shared>> -> memref<64xf32, #tpu.memory_space<vmem_shared>>
      %dma_start3A_112 = tpu.memref_slice %arg23[%add3A_56] : memref<20480xf32, #tpu.memory_space<vmem_shared>> -> memref<64xf32, #tpu.memory_space<vmem_shared>>
      tpu.enqueue_dma source(%arg19 : memref<64xf32, #tpu.memory_space<vmem>>) target(%dma_start3A_112 : memref<64xf32, #tpu.memory_space<vmem_shared>>) target_semaphore(%run_scoped3A : memref<!tpu.dma_semaphore, #tpu.memory_space<semaphore_mem>>)
      %dma_wait3A = tpu.memref_slice %arg23[%add3A_56] : memref<20480xf32, #tpu.memory_space<vmem_shared>> -> memref<64xf32, #tpu.memory_space<vmem_shared>>
      %dma_wait3A_113 = tpu.memref_slice %arg23[%add3A_56] : memref<20480xf32, #tpu.memory_space<vmem_shared>> -> memref<64xf32, #tpu.memory_space<vmem_shared>>
      tpu.wait_dma2 semaphore(%run_scoped3A : memref<!tpu.dma_semaphore, #tpu.memory_space<semaphore_mem>>) src(%arg19 : memref<64xf32, #tpu.memory_space<vmem>>) dst(%dma_wait3A_113 : memref<64xf32, #tpu.memory_space<vmem_shared>>)
      tpu.yield
    }) : () -> ()
    %add3A_57 = arith.constant 576 : i32
    %add3A_58 = arith.addi %mul3A_6, %add3A_57 : i32
    "tpu.region"() ({
      %run_scoped3A = tpu.sem_alloc : memref<!tpu.dma_semaphore, #tpu.memory_space<semaphore_mem>>
      %dma_start3A = tpu.memref_slice %arg23[%add3A_58] : memref<20480xf32, #tpu.memory_space<vmem_shared>> -> memref<64xf32, #tpu.memory_space<vmem_shared>>
      %dma_start3A_112 = tpu.memref_slice %arg23[%add3A_58] : memref<20480xf32, #tpu.memory_space<vmem_shared>> -> memref<64xf32, #tpu.memory_space<vmem_shared>>
      tpu.enqueue_dma source(%arg19 : memref<64xf32, #tpu.memory_space<vmem>>) target(%dma_start3A_112 : memref<64xf32, #tpu.memory_space<vmem_shared>>) target_semaphore(%run_scoped3A : memref<!tpu.dma_semaphore, #tpu.memory_space<semaphore_mem>>)
      %dma_wait3A = tpu.memref_slice %arg23[%add3A_58] : memref<20480xf32, #tpu.memory_space<vmem_shared>> -> memref<64xf32, #tpu.memory_space<vmem_shared>>
      %dma_wait3A_113 = tpu.memref_slice %arg23[%add3A_58] : memref<20480xf32, #tpu.memory_space<vmem_shared>> -> memref<64xf32, #tpu.memory_space<vmem_shared>>
      tpu.wait_dma2 semaphore(%run_scoped3A : memref<!tpu.dma_semaphore, #tpu.memory_space<semaphore_mem>>) src(%arg19 : memref<64xf32, #tpu.memory_space<vmem>>) dst(%dma_wait3A_113 : memref<64xf32, #tpu.memory_space<vmem_shared>>)
      tpu.yield
    }) : () -> ()
    %add3A_59 = arith.constant 640 : i32
    %add3A_60 = arith.addi %mul3A_6, %add3A_59 : i32
    "tpu.region"() ({
      %run_scoped3A = tpu.sem_alloc : memref<!tpu.dma_semaphore, #tpu.memory_space<semaphore_mem>>
      %dma_start3A = tpu.memref_slice %arg23[%add3A_60] : memref<20480xf32, #tpu.memory_space<vmem_shared>> -> memref<64xf32, #tpu.memory_space<vmem_shared>>
      %dma_start3A_112 = tpu.memref_slice %arg23[%add3A_60] : memref<20480xf32, #tpu.memory_space<vmem_shared>> -> memref<64xf32, #tpu.memory_space<vmem_shared>>
      tpu.enqueue_dma source(%arg19 : memref<64xf32, #tpu.memory_space<vmem>>) target(%dma_start3A_112 : memref<64xf32, #tpu.memory_space<vmem_shared>>) target_semaphore(%run_scoped3A : memref<!tpu.dma_semaphore, #tpu.memory_space<semaphore_mem>>)
      %dma_wait3A = tpu.memref_slice %arg23[%add3A_60] : memref<20480xf32, #tpu.memory_space<vmem_shared>> -> memref<64xf32, #tpu.memory_space<vmem_shared>>
      %dma_wait3A_113 = tpu.memref_slice %arg23[%add3A_60] : memref<20480xf32, #tpu.memory_space<vmem_shared>> -> memref<64xf32, #tpu.memory_space<vmem_shared>>
      tpu.wait_dma2 semaphore(%run_scoped3A : memref<!tpu.dma_semaphore, #tpu.memory_space<semaphore_mem>>) src(%arg19 : memref<64xf32, #tpu.memory_space<vmem>>) dst(%dma_wait3A_113 : memref<64xf32, #tpu.memory_space<vmem_shared>>)
      tpu.yield
    }) : () -> ()
    %add3A_61 = arith.constant 704 : i32
    %add3A_62 = arith.addi %mul3A_6, %add3A_61 : i32
    "tpu.region"() ({
      %run_scoped3A = tpu.sem_alloc : memref<!tpu.dma_semaphore, #tpu.memory_space<semaphore_mem>>
      %dma_start3A = tpu.memref_slice %arg23[%add3A_62] : memref<20480xf32, #tpu.memory_space<vmem_shared>> -> memref<64xf32, #tpu.memory_space<vmem_shared>>
      %dma_start3A_112 = tpu.memref_slice %arg23[%add3A_62] : memref<20480xf32, #tpu.memory_space<vmem_shared>> -> memref<64xf32, #tpu.memory_space<vmem_shared>>
      tpu.enqueue_dma source(%arg19 : memref<64xf32, #tpu.memory_space<vmem>>) target(%dma_start3A_112 : memref<64xf32, #tpu.memory_space<vmem_shared>>) target_semaphore(%run_scoped3A : memref<!tpu.dma_semaphore, #tpu.memory_space<semaphore_mem>>)
      %dma_wait3A = tpu.memref_slice %arg23[%add3A_62] : memref<20480xf32, #tpu.memory_space<vmem_shared>> -> memref<64xf32, #tpu.memory_space<vmem_shared>>
      %dma_wait3A_113 = tpu.memref_slice %arg23[%add3A_62] : memref<20480xf32, #tpu.memory_space<vmem_shared>> -> memref<64xf32, #tpu.memory_space<vmem_shared>>
      tpu.wait_dma2 semaphore(%run_scoped3A : memref<!tpu.dma_semaphore, #tpu.memory_space<semaphore_mem>>) src(%arg19 : memref<64xf32, #tpu.memory_space<vmem>>) dst(%dma_wait3A_113 : memref<64xf32, #tpu.memory_space<vmem_shared>>)
      tpu.yield
    }) : () -> ()
    %add3A_63 = arith.constant 768 : i32
    %add3A_64 = arith.addi %mul3A_6, %add3A_63 : i32
    "tpu.region"() ({
      %run_scoped3A = tpu.sem_alloc : memref<!tpu.dma_semaphore, #tpu.memory_space<semaphore_mem>>
      %dma_start3A = tpu.memref_slice %arg23[%add3A_64] : memref<20480xf32, #tpu.memory_space<vmem_shared>> -> memref<64xf32, #tpu.memory_space<vmem_shared>>
      %dma_start3A_112 = tpu.memref_slice %arg23[%add3A_64] : memref<20480xf32, #tpu.memory_space<vmem_shared>> -> memref<64xf32, #tpu.memory_space<vmem_shared>>
      tpu.enqueue_dma source(%arg19 : memref<64xf32, #tpu.memory_space<vmem>>) target(%dma_start3A_112 : memref<64xf32, #tpu.memory_space<vmem_shared>>) target_semaphore(%run_scoped3A : memref<!tpu.dma_semaphore, #tpu.memory_space<semaphore_mem>>)
      %dma_wait3A = tpu.memref_slice %arg23[%add3A_64] : memref<20480xf32, #tpu.memory_space<vmem_shared>> -> memref<64xf32, #tpu.memory_space<vmem_shared>>
      %dma_wait3A_113 = tpu.memref_slice %arg23[%add3A_64] : memref<20480xf32, #tpu.memory_space<vmem_shared>> -> memref<64xf32, #tpu.memory_space<vmem_shared>>
      tpu.wait_dma2 semaphore(%run_scoped3A : memref<!tpu.dma_semaphore, #tpu.memory_space<semaphore_mem>>) src(%arg19 : memref<64xf32, #tpu.memory_space<vmem>>) dst(%dma_wait3A_113 : memref<64xf32, #tpu.memory_space<vmem_shared>>)
      tpu.yield
    }) : () -> ()
    %add3A_65 = arith.constant 832 : i32
    %add3A_66 = arith.addi %mul3A_6, %add3A_65 : i32
    "tpu.region"() ({
      %run_scoped3A = tpu.sem_alloc : memref<!tpu.dma_semaphore, #tpu.memory_space<semaphore_mem>>
      %dma_start3A = tpu.memref_slice %arg23[%add3A_66] : memref<20480xf32, #tpu.memory_space<vmem_shared>> -> memref<64xf32, #tpu.memory_space<vmem_shared>>
      %dma_start3A_112 = tpu.memref_slice %arg23[%add3A_66] : memref<20480xf32, #tpu.memory_space<vmem_shared>> -> memref<64xf32, #tpu.memory_space<vmem_shared>>
      tpu.enqueue_dma source(%arg19 : memref<64xf32, #tpu.memory_space<vmem>>) target(%dma_start3A_112 : memref<64xf32, #tpu.memory_space<vmem_shared>>) target_semaphore(%run_scoped3A : memref<!tpu.dma_semaphore, #tpu.memory_space<semaphore_mem>>)
      %dma_wait3A = tpu.memref_slice %arg23[%add3A_66] : memref<20480xf32, #tpu.memory_space<vmem_shared>> -> memref<64xf32, #tpu.memory_space<vmem_shared>>
      %dma_wait3A_113 = tpu.memref_slice %arg23[%add3A_66] : memref<20480xf32, #tpu.memory_space<vmem_shared>> -> memref<64xf32, #tpu.memory_space<vmem_shared>>
      tpu.wait_dma2 semaphore(%run_scoped3A : memref<!tpu.dma_semaphore, #tpu.memory_space<semaphore_mem>>) src(%arg19 : memref<64xf32, #tpu.memory_space<vmem>>) dst(%dma_wait3A_113 : memref<64xf32, #tpu.memory_space<vmem_shared>>)
      tpu.yield
    }) : () -> ()
    %add3A_67 = arith.constant 896 : i32
    %add3A_68 = arith.addi %mul3A_6, %add3A_67 : i32
    "tpu.region"() ({
      %run_scoped3A = tpu.sem_alloc : memref<!tpu.dma_semaphore, #tpu.memory_space<semaphore_mem>>
      %dma_start3A = tpu.memref_slice %arg23[%add3A_68] : memref<20480xf32, #tpu.memory_space<vmem_shared>> -> memref<64xf32, #tpu.memory_space<vmem_shared>>
      %dma_start3A_112 = tpu.memref_slice %arg23[%add3A_68] : memref<20480xf32, #tpu.memory_space<vmem_shared>> -> memref<64xf32, #tpu.memory_space<vmem_shared>>
      tpu.enqueue_dma source(%arg19 : memref<64xf32, #tpu.memory_space<vmem>>) target(%dma_start3A_112 : memref<64xf32, #tpu.memory_space<vmem_shared>>) target_semaphore(%run_scoped3A : memref<!tpu.dma_semaphore, #tpu.memory_space<semaphore_mem>>)
      %dma_wait3A = tpu.memref_slice %arg23[%add3A_68] : memref<20480xf32, #tpu.memory_space<vmem_shared>> -> memref<64xf32, #tpu.memory_space<vmem_shared>>
      %dma_wait3A_113 = tpu.memref_slice %arg23[%add3A_68] : memref<20480xf32, #tpu.memory_space<vmem_shared>> -> memref<64xf32, #tpu.memory_space<vmem_shared>>
      tpu.wait_dma2 semaphore(%run_scoped3A : memref<!tpu.dma_semaphore, #tpu.memory_space<semaphore_mem>>) src(%arg19 : memref<64xf32, #tpu.memory_space<vmem>>) dst(%dma_wait3A_113 : memref<64xf32, #tpu.memory_space<vmem_shared>>)
      tpu.yield
    }) : () -> ()
    %add3A_69 = arith.constant 960 : i32
    %add3A_70 = arith.addi %mul3A_6, %add3A_69 : i32
    "tpu.region"() ({
      %run_scoped3A = tpu.sem_alloc : memref<!tpu.dma_semaphore, #tpu.memory_space<semaphore_mem>>
      %dma_start3A = tpu.memref_slice %arg23[%add3A_70] : memref<20480xf32, #tpu.memory_space<vmem_shared>> -> memref<64xf32, #tpu.memory_space<vmem_shared>>
      %dma_start3A_112 = tpu.memref_slice %arg23[%add3A_70] : memref<20480xf32, #tpu.memory_space<vmem_shared>> -> memref<64xf32, #tpu.memory_space<vmem_shared>>
      tpu.enqueue_dma source(%arg19 : memref<64xf32, #tpu.memory_space<vmem>>) target(%dma_start3A_112 : memref<64xf32, #tpu.memory_space<vmem_shared>>) target_semaphore(%run_scoped3A : memref<!tpu.dma_semaphore, #tpu.memory_space<semaphore_mem>>)
      %dma_wait3A = tpu.memref_slice %arg23[%add3A_70] : memref<20480xf32, #tpu.memory_space<vmem_shared>> -> memref<64xf32, #tpu.memory_space<vmem_shared>>
      %dma_wait3A_113 = tpu.memref_slice %arg23[%add3A_70] : memref<20480xf32, #tpu.memory_space<vmem_shared>> -> memref<64xf32, #tpu.memory_space<vmem_shared>>
      tpu.wait_dma2 semaphore(%run_scoped3A : memref<!tpu.dma_semaphore, #tpu.memory_space<semaphore_mem>>) src(%arg19 : memref<64xf32, #tpu.memory_space<vmem>>) dst(%dma_wait3A_113 : memref<64xf32, #tpu.memory_space<vmem_shared>>)
      tpu.yield
    }) : () -> ()
    %add3A_71 = arith.constant 1024 : i32
    %add3A_72 = arith.addi %mul3A_6, %add3A_71 : i32
    "tpu.region"() ({
      %run_scoped3A = tpu.sem_alloc : memref<!tpu.dma_semaphore, #tpu.memory_space<semaphore_mem>>
      %dma_start3A = tpu.memref_slice %arg23[%add3A_72] : memref<20480xf32, #tpu.memory_space<vmem_shared>> -> memref<64xf32, #tpu.memory_space<vmem_shared>>
      %dma_start3A_112 = tpu.memref_slice %arg23[%add3A_72] : memref<20480xf32, #tpu.memory_space<vmem_shared>> -> memref<64xf32, #tpu.memory_space<vmem_shared>>
      tpu.enqueue_dma source(%arg19 : memref<64xf32, #tpu.memory_space<vmem>>) target(%dma_start3A_112 : memref<64xf32, #tpu.memory_space<vmem_shared>>) target_semaphore(%run_scoped3A : memref<!tpu.dma_semaphore, #tpu.memory_space<semaphore_mem>>)
      %dma_wait3A = tpu.memref_slice %arg23[%add3A_72] : memref<20480xf32, #tpu.memory_space<vmem_shared>> -> memref<64xf32, #tpu.memory_space<vmem_shared>>
      %dma_wait3A_113 = tpu.memref_slice %arg23[%add3A_72] : memref<20480xf32, #tpu.memory_space<vmem_shared>> -> memref<64xf32, #tpu.memory_space<vmem_shared>>
      tpu.wait_dma2 semaphore(%run_scoped3A : memref<!tpu.dma_semaphore, #tpu.memory_space<semaphore_mem>>) src(%arg19 : memref<64xf32, #tpu.memory_space<vmem>>) dst(%dma_wait3A_113 : memref<64xf32, #tpu.memory_space<vmem_shared>>)
      tpu.yield
    }) : () -> ()
    %add3A_73 = arith.constant 1088 : i32
    %add3A_74 = arith.addi %mul3A_6, %add3A_73 : i32
    "tpu.region"() ({
      %run_scoped3A = tpu.sem_alloc : memref<!tpu.dma_semaphore, #tpu.memory_space<semaphore_mem>>
      %dma_start3A = tpu.memref_slice %arg23[%add3A_74] : memref<20480xf32, #tpu.memory_space<vmem_shared>> -> memref<64xf32, #tpu.memory_space<vmem_shared>>
      %dma_start3A_112 = tpu.memref_slice %arg23[%add3A_74] : memref<20480xf32, #tpu.memory_space<vmem_shared>> -> memref<64xf32, #tpu.memory_space<vmem_shared>>
      tpu.enqueue_dma source(%arg19 : memref<64xf32, #tpu.memory_space<vmem>>) target(%dma_start3A_112 : memref<64xf32, #tpu.memory_space<vmem_shared>>) target_semaphore(%run_scoped3A : memref<!tpu.dma_semaphore, #tpu.memory_space<semaphore_mem>>)
      %dma_wait3A = tpu.memref_slice %arg23[%add3A_74] : memref<20480xf32, #tpu.memory_space<vmem_shared>> -> memref<64xf32, #tpu.memory_space<vmem_shared>>
      %dma_wait3A_113 = tpu.memref_slice %arg23[%add3A_74] : memref<20480xf32, #tpu.memory_space<vmem_shared>> -> memref<64xf32, #tpu.memory_space<vmem_shared>>
      tpu.wait_dma2 semaphore(%run_scoped3A : memref<!tpu.dma_semaphore, #tpu.memory_space<semaphore_mem>>) src(%arg19 : memref<64xf32, #tpu.memory_space<vmem>>) dst(%dma_wait3A_113 : memref<64xf32, #tpu.memory_space<vmem_shared>>)
      tpu.yield
    }) : () -> ()
    %add3A_75 = arith.constant 1152 : i32
    %add3A_76 = arith.addi %mul3A_6, %add3A_75 : i32
    "tpu.region"() ({
      %run_scoped3A = tpu.sem_alloc : memref<!tpu.dma_semaphore, #tpu.memory_space<semaphore_mem>>
      %dma_start3A = tpu.memref_slice %arg23[%add3A_76] : memref<20480xf32, #tpu.memory_space<vmem_shared>> -> memref<64xf32, #tpu.memory_space<vmem_shared>>
      %dma_start3A_112 = tpu.memref_slice %arg23[%add3A_76] : memref<20480xf32, #tpu.memory_space<vmem_shared>> -> memref<64xf32, #tpu.memory_space<vmem_shared>>
      tpu.enqueue_dma source(%arg19 : memref<64xf32, #tpu.memory_space<vmem>>) target(%dma_start3A_112 : memref<64xf32, #tpu.memory_space<vmem_shared>>) target_semaphore(%run_scoped3A : memref<!tpu.dma_semaphore, #tpu.memory_space<semaphore_mem>>)
      %dma_wait3A = tpu.memref_slice %arg23[%add3A_76] : memref<20480xf32, #tpu.memory_space<vmem_shared>> -> memref<64xf32, #tpu.memory_space<vmem_shared>>
      %dma_wait3A_113 = tpu.memref_slice %arg23[%add3A_76] : memref<20480xf32, #tpu.memory_space<vmem_shared>> -> memref<64xf32, #tpu.memory_space<vmem_shared>>
      tpu.wait_dma2 semaphore(%run_scoped3A : memref<!tpu.dma_semaphore, #tpu.memory_space<semaphore_mem>>) src(%arg19 : memref<64xf32, #tpu.memory_space<vmem>>) dst(%dma_wait3A_113 : memref<64xf32, #tpu.memory_space<vmem_shared>>)
      tpu.yield
    }) : () -> ()
    %add3A_77 = arith.constant 1216 : i32
    %add3A_78 = arith.addi %mul3A_6, %add3A_77 : i32
    "tpu.region"() ({
      %run_scoped3A = tpu.sem_alloc : memref<!tpu.dma_semaphore, #tpu.memory_space<semaphore_mem>>
      %dma_start3A = tpu.memref_slice %arg23[%add3A_78] : memref<20480xf32, #tpu.memory_space<vmem_shared>> -> memref<64xf32, #tpu.memory_space<vmem_shared>>
      %dma_start3A_112 = tpu.memref_slice %arg23[%add3A_78] : memref<20480xf32, #tpu.memory_space<vmem_shared>> -> memref<64xf32, #tpu.memory_space<vmem_shared>>
      tpu.enqueue_dma source(%arg19 : memref<64xf32, #tpu.memory_space<vmem>>) target(%dma_start3A_112 : memref<64xf32, #tpu.memory_space<vmem_shared>>) target_semaphore(%run_scoped3A : memref<!tpu.dma_semaphore, #tpu.memory_space<semaphore_mem>>)
      %dma_wait3A = tpu.memref_slice %arg23[%add3A_78] : memref<20480xf32, #tpu.memory_space<vmem_shared>> -> memref<64xf32, #tpu.memory_space<vmem_shared>>
      %dma_wait3A_113 = tpu.memref_slice %arg23[%add3A_78] : memref<20480xf32, #tpu.memory_space<vmem_shared>> -> memref<64xf32, #tpu.memory_space<vmem_shared>>
      tpu.wait_dma2 semaphore(%run_scoped3A : memref<!tpu.dma_semaphore, #tpu.memory_space<semaphore_mem>>) src(%arg19 : memref<64xf32, #tpu.memory_space<vmem>>) dst(%dma_wait3A_113 : memref<64xf32, #tpu.memory_space<vmem_shared>>)
      tpu.yield
    }) : () -> ()
    %barrier3A = arith.constant 0 : index
    tpu.barrier barrier_id(%barrier3A)
    %get3A = arith.constant 0 : index
    %get3A_79 = tpu.vector_load %arg21[%get3A] {strides = array<i32>} : memref<128xf32, #tpu.memory_space<vmem>>, vector<16xf32>,
    %get3A_80 = vector.shape_cast %get3A_79 : vector<16xf32> to vector<16xf32>
    %get3A_81 = arith.constant 16 : index
    %get3A_82 = tpu.vector_load %arg21[%get3A_81] {strides = array<i32>} : memref<128xf32, #tpu.memory_space<vmem>>, vector<16xf32>,
    %get3A_83 = vector.shape_cast %get3A_82 : vector<16xf32> to vector<16xf32>
    %get3A_84 = arith.constant 32 : index
    %get3A_85 = tpu.vector_load %arg21[%get3A_84] {strides = array<i32>} : memref<128xf32, #tpu.memory_space<vmem>>, vector<16xf32>,
    %get3A_86 = vector.shape_cast %get3A_85 : vector<16xf32> to vector<16xf32>
    %get3A_87 = arith.constant 48 : index
    %get3A_88 = tpu.vector_load %arg21[%get3A_87] {strides = array<i32>} : memref<128xf32, #tpu.memory_space<vmem>>, vector<16xf32>,
    %get3A_89 = vector.shape_cast %get3A_88 : vector<16xf32> to vector<16xf32>
    %get3A_90 = arith.constant 64 : index
    %get3A_91 = tpu.vector_load %arg21[%get3A_90] {strides = array<i32>} : memref<128xf32, #tpu.memory_space<vmem>>, vector<16xf32>,
    %get3A_92 = vector.shape_cast %get3A_91 : vector<16xf32> to vector<16xf32>
    %get3A_93 = arith.constant 80 : index
    %get3A_94 = tpu.vector_load %arg21[%get3A_93] {strides = array<i32>} : memref<128xf32, #tpu.memory_space<vmem>>, vector<16xf32>,
    %get3A_95 = vector.shape_cast %get3A_94 : vector<16xf32> to vector<16xf32>
    %get3A_96 = arith.constant 96 : index
    %get3A_97 = tpu.vector_load %arg21[%get3A_96] {strides = array<i32>} : memref<128xf32, #tpu.memory_space<vmem>>, vector<16xf32>,
    %get3A_98 = vector.shape_cast %get3A_97 : vector<16xf32> to vector<16xf32>
    %get3A_99 = arith.constant 112 : index
    %get3A_100 = tpu.vector_load %arg21[%get3A_99] {strides = array<i32>} : memref<128xf32, #tpu.memory_space<vmem>>, vector<16xf32>,
    %get3A_101 = vector.shape_cast %get3A_100 : vector<16xf32> to vector<16xf32>
    %iota3A = tpu.iota {dimensions = array<i32: 0>} : vector<16xi32>
    %scan3A_102 = arith.constant 0 : i32
    %scan3A_103 = arith.constant 0 : i32
    %scan3A_104 = arith.constant 293 : i32
    %scan3A_105 = arith.addi %scan3A_103, %scan3A_104 : i32
    %scan3A_106 = arith.constant 1 : i32
    scf.for %scan3A_112 = %scan3A_103 to %scan3A_105 step %scan3A_106  : i32 {
      %mul3A_113 = arith.constant 64 : i32
      %mul3A_114 = arith.muli %scan3A_112, %mul3A_113 : i32
      %add3A_115 = arith.addi %mul3A_2, %mul3A_114 : i32
      "tpu.region"() ({
        %run_scoped3A = tpu.sem_alloc : memref<!tpu.dma_semaphore, #tpu.memory_space<semaphore_mem>>
        %dma_start3A_132 = tpu.memref_slice %arg4[%add3A_115] : memref<600128xi32, #tpu.memory_space<hbm>> -> memref<64xi32, #tpu.memory_space<hbm>>
        %dma_start3A_133 = tpu.memref_slice %arg4[%add3A_115] : memref<600128xi32, #tpu.memory_space<hbm>> -> memref<64xi32, #tpu.memory_space<hbm>>
        tpu.enqueue_dma source(%dma_start3A_133 : memref<64xi32, #tpu.memory_space<hbm>>) target(%arg9 : memref<64xi32, #tpu.memory_space<vmem>>) target_semaphore(%run_scoped3A : memref<!tpu.dma_semaphore, #tpu.memory_space<semaphore_mem>>)
        %dma_wait3A_134 = tpu.memref_slice %arg4[%add3A_115] : memref<600128xi32, #tpu.memory_space<hbm>> -> memref<64xi32, #tpu.memory_space<hbm>>
        %dma_wait3A_135 = tpu.memref_slice %arg4[%add3A_115] : memref<600128xi32, #tpu.memory_space<hbm>> -> memref<64xi32, #tpu.memory_space<hbm>>
        tpu.wait_dma2 semaphore(%run_scoped3A : memref<!tpu.dma_semaphore, #tpu.memory_space<semaphore_mem>>) src(%dma_wait3A_135 : memref<64xi32, #tpu.memory_space<hbm>>) dst(%arg9 : memref<64xi32, #tpu.memory_space<vmem>>)
        tpu.yield
      }) : () -> ()
      "tpu.region"() ({
        %run_scoped3A = tpu.sem_alloc : memref<!tpu.dma_semaphore, #tpu.memory_space<semaphore_mem>>
        %dma_start3A_132 = tpu.memref_slice %arg5[%add3A_115] : memref<600128xi32, #tpu.memory_space<hbm>> -> memref<64xi32, #tpu.memory_space<hbm>>
        %dma_start3A_133 = tpu.memref_slice %arg5[%add3A_115] : memref<600128xi32, #tpu.memory_space<hbm>> -> memref<64xi32, #tpu.memory_space<hbm>>
        tpu.enqueue_dma source(%dma_start3A_133 : memref<64xi32, #tpu.memory_space<hbm>>) target(%arg11 : memref<64xi32, #tpu.memory_space<vmem>>) target_semaphore(%run_scoped3A : memref<!tpu.dma_semaphore, #tpu.memory_space<semaphore_mem>>)
        %dma_wait3A_134 = tpu.memref_slice %arg5[%add3A_115] : memref<600128xi32, #tpu.memory_space<hbm>> -> memref<64xi32, #tpu.memory_space<hbm>>
        %dma_wait3A_135 = tpu.memref_slice %arg5[%add3A_115] : memref<600128xi32, #tpu.memory_space<hbm>> -> memref<64xi32, #tpu.memory_space<hbm>>
        tpu.wait_dma2 semaphore(%run_scoped3A : memref<!tpu.dma_semaphore, #tpu.memory_space<semaphore_mem>>) src(%dma_wait3A_135 : memref<64xi32, #tpu.memory_space<hbm>>) dst(%arg11 : memref<64xi32, #tpu.memory_space<vmem>>)
        tpu.yield
      }) : () -> ()
      %dma_start3A = arith.constant 0 : i32
      %dma_start3A_116 = arith.constant 0 : i32
      %dma_start3A_117 = tpu.memref_slice %arg2[%dma_start3A, %dma_start3A_116] : memref<40000x128xf32, #tpu.memory_space<hbm>> -> memref<40000x128xf32, #tpu.memory_space<hbm>>
      tpu.enqueue_indirect_dma source(%dma_start3A_117 : memref<40000x128xf32, #tpu.memory_space<hbm>>) target(%arg15 : memref<64x128xf32, #tpu.memory_space<vmem>>) offsets(%arg9 : memref<64xi32, #tpu.memory_space<vmem>>) semaphore(%arg24 : memref<!tpu.dma_semaphore, #tpu.memory_space<semaphore_mem>>)
      %dma_start3A_118 = arith.constant 0 : i32
      %dma_start3A_119 = arith.constant 0 : i32
      %dma_start3A_120 = tpu.memref_slice %arg3[%dma_start3A_118, %dma_start3A_119] : memref<10016x128xf32, #tpu.memory_space<hbm>> -> memref<10016x128xf32, #tpu.memory_space<hbm>>
      tpu.enqueue_indirect_dma source(%dma_start3A_120 : memref<10016x128xf32, #tpu.memory_space<hbm>>) target(%arg17 : memref<64x128xf32, #tpu.memory_space<vmem>>) offsets(%arg11 : memref<64xi32, #tpu.memory_space<vmem>>) semaphore(%arg24 : memref<!tpu.dma_semaphore, #tpu.memory_space<semaphore_mem>>)
      %dma_wait3A = arith.constant 0 : i32
      %dma_wait3A_121 = arith.constant 0 : i32
      %dma_wait3A_122 = tpu.memref_slice %arg2[%dma_wait3A, %dma_wait3A_121] : memref<40000x128xf32, #tpu.memory_space<hbm>> -> memref<40000x128xf32, #tpu.memory_space<hbm>>
      tpu.wait_indirect_dma semaphore(%arg24 : memref<!tpu.dma_semaphore, #tpu.memory_space<semaphore_mem>>) src(%dma_wait3A_122 : memref<40000x128xf32, #tpu.memory_space<hbm>>) dst(%arg15 : memref<64x128xf32, #tpu.memory_space<vmem>>)
      %dma_wait3A_123 = arith.constant 0 : i32
      %dma_wait3A_124 = arith.constant 0 : i32
      %dma_wait3A_125 = tpu.memref_slice %arg3[%dma_wait3A_123, %dma_wait3A_124] : memref<10016x128xf32, #tpu.memory_space<hbm>> -> memref<10016x128xf32, #tpu.memory_space<hbm>>
      tpu.wait_indirect_dma semaphore(%arg24 : memref<!tpu.dma_semaphore, #tpu.memory_space<semaphore_mem>>) src(%dma_wait3A_125 : memref<10016x128xf32, #tpu.memory_space<hbm>>) dst(%arg17 : memref<64x128xf32, #tpu.memory_space<vmem>>)
      %scan3A_126 = arith.constant 0 : i32
      %scan3A_127 = arith.constant 0 : i32
      %scan3A_128 = arith.constant 4 : i32
      %scan3A_129 = arith.addi %scan3A_127, %scan3A_128 : i32
      %scan3A_130 = arith.constant 1 : i32
      scf.for %scan3A_132 = %scan3A_127 to %scan3A_129 step %scan3A_130  : i32 {
        %mul3A_133 = arith.constant 16 : i32
        %mul3A_134 = arith.muli %scan3A_132, %mul3A_133 : i32
        %get3A_135 = arith.index_cast %mul3A_134 : i32 to index
        %get3A_136 = tpu.vector_load %arg11[%get3A_135] {strides = array<i32>} : memref<64xi32, #tpu.memory_space<vmem>>, vector<16xi32>,
        %get3A_137 = vector.shape_cast %get3A_136 : vector<16xi32> to vector<16xi32>
        %mul3A_138 = arith.constant 16 : i32
        %mul3A_139 = arith.muli %scan3A_132, %mul3A_138 : i32
        %swap3A = arith.index_cast %mul3A_139 : i32 to index
        %swap3A_140 = tpu.vector_load %arg13[%swap3A] {strides = array<i32>} : memref<64xi32, #tpu.memory_space<vmem>>, vector<16xi32>,
        %swap3A_141 = vector.shape_cast %swap3A_140 : vector<16xi32> to vector<16xi32>
        %swap3A_142 = vector.shape_cast %get3A_137 : vector<16xi32> to vector<16xi32>
        tpu.vector_store %arg13[%swap3A], %swap3A_142 {strides = array<i32>} : memref<64xi32, #tpu.memory_space<vmem>>, vector<16xi32>,
        %add3A_143 = arith.constant 10240 : i32
        %add3A_144 = vector.broadcast %add3A_143 : i32 to vector<16xi32>
        %add3A_145 = arith.addi %get3A_137, %add3A_144 : vector<16xi32>
        %mul3A_146 = arith.constant 16 : i32
        %mul3A_147 = arith.muli %scan3A_132, %mul3A_146 : i32
        %swap3A_148 = arith.index_cast %mul3A_147 : i32 to index
        %swap3A_149 = tpu.vector_load %arg14[%swap3A_148] {strides = array<i32>} : memref<64xi32, #tpu.memory_space<vmem>>, vector<16xi32>,
        %swap3A_150 = vector.shape_cast %swap3A_149 : vector<16xi32> to vector<16xi32>
        %swap3A_151 = vector.shape_cast %add3A_145 : vector<16xi32> to vector<16xi32>
        tpu.vector_store %arg14[%swap3A_148], %swap3A_151 {strides = array<i32>} : memref<64xi32, #tpu.memory_space<vmem>>, vector<16xi32>,
        %scan3A_152 = arith.constant 0 : i32
        %scan3A_153 = arith.constant 16 : i32
        %scan3A_154 = arith.addi %scan3A_152, %scan3A_153 : i32
        %scan3A_155 = arith.constant 1 : i32
        %scan3A_156:2 = scf.for %scan3A_170 = %scan3A_152 to %scan3A_154 step %scan3A_155 iter_args(%scan3A_171 = %broadcast_in_dim3A_7, %scan3A_172 = %broadcast_in_dim3A_7) -> (vector<16xf32>, vector<16xf32>)  : i32 {
          %mul3A_173 = arith.constant 16 : i32
          %mul3A_174 = arith.muli %scan3A_132, %mul3A_173 : i32
          %add3A_175 = arith.addi %mul3A_174, %scan3A_170 : i32
          %get3A_176 = arith.index_cast %add3A_175 : i32 to index
          %get3A_177 = arith.constant 0 : index
          %get3A_178 = tpu.vector_load %arg15[%get3A_176, %get3A_177] {strides = array<i32>} : memref<64x128xf32, #tpu.memory_space<vmem>>, vector<1x16xf32>,
          %get3A_179 = vector.shape_cast %get3A_178 : vector<1x16xf32> to vector<16xf32>
          %get3A_180 = arith.index_cast %add3A_175 : i32 to index
          %get3A_181 = arith.constant 16 : index
          %get3A_182 = tpu.vector_load %arg15[%get3A_180, %get3A_181] {strides = array<i32>} : memref<64x128xf32, #tpu.memory_space<vmem>>, vector<1x16xf32>,
          %get3A_183 = vector.shape_cast %get3A_182 : vector<1x16xf32> to vector<16xf32>
          %get3A_184 = arith.index_cast %add3A_175 : i32 to index
          %get3A_185 = arith.constant 32 : index
          %get3A_186 = tpu.vector_load %arg15[%get3A_184, %get3A_185] {strides = array<i32>} : memref<64x128xf32, #tpu.memory_space<vmem>>, vector<1x16xf32>,
          %get3A_187 = vector.shape_cast %get3A_186 : vector<1x16xf32> to vector<16xf32>
          %get3A_188 = arith.index_cast %add3A_175 : i32 to index
          %get3A_189 = arith.constant 48 : index
          %get3A_190 = tpu.vector_load %arg15[%get3A_188, %get3A_189] {strides = array<i32>} : memref<64x128xf32, #tpu.memory_space<vmem>>, vector<1x16xf32>,
          %get3A_191 = vector.shape_cast %get3A_190 : vector<1x16xf32> to vector<16xf32>
          %get3A_192 = arith.index_cast %add3A_175 : i32 to index
          %get3A_193 = arith.constant 64 : index
          %get3A_194 = tpu.vector_load %arg15[%get3A_192, %get3A_193] {strides = array<i32>} : memref<64x128xf32, #tpu.memory_space<vmem>>, vector<1x16xf32>,
          %get3A_195 = vector.shape_cast %get3A_194 : vector<1x16xf32> to vector<16xf32>
          %get3A_196 = arith.index_cast %add3A_175 : i32 to index
          %get3A_197 = arith.constant 80 : index
          %get3A_198 = tpu.vector_load %arg15[%get3A_196, %get3A_197] {strides = array<i32>} : memref<64x128xf32, #tpu.memory_space<vmem>>, vector<1x16xf32>,
          %get3A_199 = vector.shape_cast %get3A_198 : vector<1x16xf32> to vector<16xf32>
          %get3A_200 = arith.index_cast %add3A_175 : i32 to index
          %get3A_201 = arith.constant 96 : index
          %get3A_202 = tpu.vector_load %arg15[%get3A_200, %get3A_201] {strides = array<i32>} : memref<64x128xf32, #tpu.memory_space<vmem>>, vector<1x16xf32>,
          %get3A_203 = vector.shape_cast %get3A_202 : vector<1x16xf32> to vector<16xf32>
          %get3A_204 = arith.index_cast %add3A_175 : i32 to index
          %get3A_205 = arith.constant 112 : index
          %get3A_206 = tpu.vector_load %arg15[%get3A_204, %get3A_205] {strides = array<i32>} : memref<64x128xf32, #tpu.memory_space<vmem>>, vector<1x16xf32>,
          %get3A_207 = vector.shape_cast %get3A_206 : vector<1x16xf32> to vector<16xf32>
          %get3A_208 = arith.index_cast %add3A_175 : i32 to index
          %get3A_209 = arith.constant 0 : index
          %get3A_210 = tpu.vector_load %arg17[%get3A_208, %get3A_209] {strides = array<i32>} : memref<64x128xf32, #tpu.memory_space<vmem>>, vector<1x16xf32>,
          %get3A_211 = vector.shape_cast %get3A_210 : vector<1x16xf32> to vector<16xf32>
          %add3A_212 = arith.addf %get3A_179, %get3A_211 : vector<16xf32>
          %ge3A = arith.constant 0.000000e+00 : f32
          %ge3A_213 = vector.broadcast %ge3A : f32 to vector<16xf32>
          %ge3A_214 = arith.cmpf oge, %add3A_212, %ge3A_213 : vector<16xf32>
          %mul3A_215 = arith.constant 2.000000e-01 : f32
          %mul3A_216 = vector.broadcast %mul3A_215 : f32 to vector<16xf32>
          %mul3A_217 = arith.mulf %add3A_212, %mul3A_216 : vector<16xf32>
          %select_n3A = arith.select %ge3A_214, %add3A_212, %mul3A_217 : vector<16xi1>, vector<16xf32>
          %mul3A_218 = arith.mulf %get3A_80, %select_n3A : vector<16xf32>
          %add3A_219 = arith.addf %broadcast_in_dim3A_7, %mul3A_218 : vector<16xf32>
          %get3A_220 = arith.index_cast %add3A_175 : i32 to index
          %get3A_221 = arith.constant 16 : index
          %get3A_222 = tpu.vector_load %arg17[%get3A_220, %get3A_221] {strides = array<i32>} : memref<64x128xf32, #tpu.memory_space<vmem>>, vector<1x16xf32>,
          %get3A_223 = vector.shape_cast %get3A_222 : vector<1x16xf32> to vector<16xf32>
          %add3A_224 = arith.addf %get3A_183, %get3A_223 : vector<16xf32>
          %ge3A_225 = arith.constant 0.000000e+00 : f32
          %ge3A_226 = vector.broadcast %ge3A_225 : f32 to vector<16xf32>
          %ge3A_227 = arith.cmpf oge, %add3A_224, %ge3A_226 : vector<16xf32>
          %mul3A_228 = arith.constant 2.000000e-01 : f32
          %mul3A_229 = vector.broadcast %mul3A_228 : f32 to vector<16xf32>
          %mul3A_230 = arith.mulf %add3A_224, %mul3A_229 : vector<16xf32>
          %select_n3A_231 = arith.select %ge3A_227, %add3A_224, %mul3A_230 : vector<16xi1>, vector<16xf32>
          %mul3A_232 = arith.mulf %get3A_83, %select_n3A_231 : vector<16xf32>
          %add3A_233 = arith.addf %add3A_219, %mul3A_232 : vector<16xf32>
          %get3A_234 = arith.index_cast %add3A_175 : i32 to index
          %get3A_235 = arith.constant 32 : index
          %get3A_236 = tpu.vector_load %arg17[%get3A_234, %get3A_235] {strides = array<i32>} : memref<64x128xf32, #tpu.memory_space<vmem>>, vector<1x16xf32>,
          %get3A_237 = vector.shape_cast %get3A_236 : vector<1x16xf32> to vector<16xf32>
          %add3A_238 = arith.addf %get3A_187, %get3A_237 : vector<16xf32>
          %ge3A_239 = arith.constant 0.000000e+00 : f32
          %ge3A_240 = vector.broadcast %ge3A_239 : f32 to vector<16xf32>
          %ge3A_241 = arith.cmpf oge, %add3A_238, %ge3A_240 : vector<16xf32>
          %mul3A_242 = arith.constant 2.000000e-01 : f32
          %mul3A_243 = vector.broadcast %mul3A_242 : f32 to vector<16xf32>
          %mul3A_244 = arith.mulf %add3A_238, %mul3A_243 : vector<16xf32>
          %select_n3A_245 = arith.select %ge3A_241, %add3A_238, %mul3A_244 : vector<16xi1>, vector<16xf32>
          %mul3A_246 = arith.mulf %get3A_86, %select_n3A_245 : vector<16xf32>
          %add3A_247 = arith.addf %add3A_233, %mul3A_246 : vector<16xf32>
          %get3A_248 = arith.index_cast %add3A_175 : i32 to index
          %get3A_249 = arith.constant 48 : index
          %get3A_250 = tpu.vector_load %arg17[%get3A_248, %get3A_249] {strides = array<i32>} : memref<64x128xf32, #tpu.memory_space<vmem>>, vector<1x16xf32>,
          %get3A_251 = vector.shape_cast %get3A_250 : vector<1x16xf32> to vector<16xf32>
          %add3A_252 = arith.addf %get3A_191, %get3A_251 : vector<16xf32>
          %ge3A_253 = arith.constant 0.000000e+00 : f32
          %ge3A_254 = vector.broadcast %ge3A_253 : f32 to vector<16xf32>
          %ge3A_255 = arith.cmpf oge, %add3A_252, %ge3A_254 : vector<16xf32>
          %mul3A_256 = arith.constant 2.000000e-01 : f32
          %mul3A_257 = vector.broadcast %mul3A_256 : f32 to vector<16xf32>
          %mul3A_258 = arith.mulf %add3A_252, %mul3A_257 : vector<16xf32>
          %select_n3A_259 = arith.select %ge3A_255, %add3A_252, %mul3A_258 : vector<16xi1>, vector<16xf32>
          %mul3A_260 = arith.mulf %get3A_89, %select_n3A_259 : vector<16xf32>
          %add3A_261 = arith.addf %add3A_247, %mul3A_260 : vector<16xf32>
          %get3A_262 = arith.index_cast %add3A_175 : i32 to index
          %get3A_263 = arith.constant 64 : index
          %get3A_264 = tpu.vector_load %arg17[%get3A_262, %get3A_263] {strides = array<i32>} : memref<64x128xf32, #tpu.memory_space<vmem>>, vector<1x16xf32>,
          %get3A_265 = vector.shape_cast %get3A_264 : vector<1x16xf32> to vector<16xf32>
          %add3A_266 = arith.addf %get3A_195, %get3A_265 : vector<16xf32>
          %ge3A_267 = arith.constant 0.000000e+00 : f32
          %ge3A_268 = vector.broadcast %ge3A_267 : f32 to vector<16xf32>
          %ge3A_269 = arith.cmpf oge, %add3A_266, %ge3A_268 : vector<16xf32>
          %mul3A_270 = arith.constant 2.000000e-01 : f32
          %mul3A_271 = vector.broadcast %mul3A_270 : f32 to vector<16xf32>
          %mul3A_272 = arith.mulf %add3A_266, %mul3A_271 : vector<16xf32>
          %select_n3A_273 = arith.select %ge3A_269, %add3A_266, %mul3A_272 : vector<16xi1>, vector<16xf32>
          %mul3A_274 = arith.mulf %get3A_92, %select_n3A_273 : vector<16xf32>
          %add3A_275 = arith.addf %broadcast_in_dim3A_7, %mul3A_274 : vector<16xf32>
          %get3A_276 = arith.index_cast %add3A_175 : i32 to index
          %get3A_277 = arith.constant 80 : index
          %get3A_278 = tpu.vector_load %arg17[%get3A_276, %get3A_277] {strides = array<i32>} : memref<64x128xf32, #tpu.memory_space<vmem>>, vector<1x16xf32>,
          %get3A_279 = vector.shape_cast %get3A_278 : vector<1x16xf32> to vector<16xf32>
          %add3A_280 = arith.addf %get3A_199, %get3A_279 : vector<16xf32>
          %ge3A_281 = arith.constant 0.000000e+00 : f32
          %ge3A_282 = vector.broadcast %ge3A_281 : f32 to vector<16xf32>
          %ge3A_283 = arith.cmpf oge, %add3A_280, %ge3A_282 : vector<16xf32>
          %mul3A_284 = arith.constant 2.000000e-01 : f32
          %mul3A_285 = vector.broadcast %mul3A_284 : f32 to vector<16xf32>
          %mul3A_286 = arith.mulf %add3A_280, %mul3A_285 : vector<16xf32>
          %select_n3A_287 = arith.select %ge3A_283, %add3A_280, %mul3A_286 : vector<16xi1>, vector<16xf32>
          %mul3A_288 = arith.mulf %get3A_95, %select_n3A_287 : vector<16xf32>
          %add3A_289 = arith.addf %add3A_275, %mul3A_288 : vector<16xf32>
          %get3A_290 = arith.index_cast %add3A_175 : i32 to index
          %get3A_291 = arith.constant 96 : index
          %get3A_292 = tpu.vector_load %arg17[%get3A_290, %get3A_291] {strides = array<i32>} : memref<64x128xf32, #tpu.memory_space<vmem>>, vector<1x16xf32>,
          %get3A_293 = vector.shape_cast %get3A_292 : vector<1x16xf32> to vector<16xf32>
          %add3A_294 = arith.addf %get3A_203, %get3A_293 : vector<16xf32>
          %ge3A_295 = arith.constant 0.000000e+00 : f32
          %ge3A_296 = vector.broadcast %ge3A_295 : f32 to vector<16xf32>
          %ge3A_297 = arith.cmpf oge, %add3A_294, %ge3A_296 : vector<16xf32>
          %mul3A_298 = arith.constant 2.000000e-01 : f32
          %mul3A_299 = vector.broadcast %mul3A_298 : f32 to vector<16xf32>
          %mul3A_300 = arith.mulf %add3A_294, %mul3A_299 : vector<16xf32>
          %select_n3A_301 = arith.select %ge3A_297, %add3A_294, %mul3A_300 : vector<16xi1>, vector<16xf32>
          %mul3A_302 = arith.mulf %get3A_98, %select_n3A_301 : vector<16xf32>
          %add3A_303 = arith.addf %add3A_289, %mul3A_302 : vector<16xf32>
          %get3A_304 = arith.index_cast %add3A_175 : i32 to index
          %get3A_305 = arith.constant 112 : index
          %get3A_306 = tpu.vector_load %arg17[%get3A_304, %get3A_305] {strides = array<i32>} : memref<64x128xf32, #tpu.memory_space<vmem>>, vector<1x16xf32>,
          %get3A_307 = vector.shape_cast %get3A_306 : vector<1x16xf32> to vector<16xf32>
          %add3A_308 = arith.addf %get3A_207, %get3A_307 : vector<16xf32>
          %ge3A_309 = arith.constant 0.000000e+00 : f32
          %ge3A_310 = vector.broadcast %ge3A_309 : f32 to vector<16xf32>
          %ge3A_311 = arith.cmpf oge, %add3A_308, %ge3A_310 : vector<16xf32>
          %mul3A_312 = arith.constant 2.000000e-01 : f32
          %mul3A_313 = vector.broadcast %mul3A_312 : f32 to vector<16xf32>
          %mul3A_314 = arith.mulf %add3A_308, %mul3A_313 : vector<16xf32>
          %select_n3A_315 = arith.select %ge3A_311, %add3A_308, %mul3A_314 : vector<16xi1>, vector<16xf32>
          %mul3A_316 = arith.mulf %get3A_101, %select_n3A_315 : vector<16xf32>
          %add3A_317 = arith.addf %add3A_303, %mul3A_316 : vector<16xf32>
          %xor3A = arith.constant 1 : i32
          %xor3A_318 = vector.broadcast %xor3A : i32 to vector<16xi32>
          %xor3A_319 = arith.xori %iota3A, %xor3A_318 : vector<16xi32>
          %lt3A = arith.constant 0 : i32
          %lt3A_320 = vector.broadcast %lt3A : i32 to vector<16xi32>
          %lt3A_321 = arith.cmpi slt, %xor3A_319, %lt3A_320 : vector<16xi32>
          %add3A_322 = arith.constant 16 : i32
          %add3A_323 = vector.broadcast %add3A_322 : i32 to vector<16xi32>
          %add3A_324 = arith.addi %xor3A_319, %add3A_323 : vector<16xi32>
          %select_n3A_325 = arith.select %lt3A_321, %add3A_324, %xor3A_319 : vector<16xi1>, vector<16xi32>
          %broadcast_in_dim3A_326 = vector.shape_cast %select_n3A_325 : vector<16xi32> to vector<16x1xi32>
          %gather3A = vector.shape_cast %broadcast_in_dim3A_326 : vector<16x1xi32> to vector<16xi32>
          %gather3A_327 = tpu.dynamic_gather %add3A_261[%gather3A] in [0] : vector<16xf32>, vector<16xi32> -> vector<16xf32>
          %add3A_328 = arith.addf %add3A_261, %gather3A_327 : vector<16xf32>
          %xor3A_329 = arith.constant 1 : i32
          %xor3A_330 = vector.broadcast %xor3A_329 : i32 to vector<16xi32>
          %xor3A_331 = arith.xori %iota3A, %xor3A_330 : vector<16xi32>
          %lt3A_332 = arith.constant 0 : i32
          %lt3A_333 = vector.broadcast %lt3A_332 : i32 to vector<16xi32>
          %lt3A_334 = arith.cmpi slt, %xor3A_331, %lt3A_333 : vector<16xi32>
          %add3A_335 = arith.constant 16 : i32
          %add3A_336 = vector.broadcast %add3A_335 : i32 to vector<16xi32>
          %add3A_337 = arith.addi %xor3A_331, %add3A_336 : vector<16xi32>
          %select_n3A_338 = arith.select %lt3A_334, %add3A_337, %xor3A_331 : vector<16xi1>, vector<16xi32>
          %broadcast_in_dim3A_339 = vector.shape_cast %select_n3A_338 : vector<16xi32> to vector<16x1xi32>
          %gather3A_340 = vector.shape_cast %broadcast_in_dim3A_339 : vector<16x1xi32> to vector<16xi32>
          %gather3A_341 = tpu.dynamic_gather %add3A_317[%gather3A_340] in [0] : vector<16xf32>, vector<16xi32> -> vector<16xf32>
          %add3A_342 = arith.addf %add3A_317, %gather3A_341 : vector<16xf32>
          %xor3A_343 = arith.constant 2 : i32
          %xor3A_344 = vector.broadcast %xor3A_343 : i32 to vector<16xi32>
          %xor3A_345 = arith.xori %iota3A, %xor3A_344 : vector<16xi32>
          %lt3A_346 = arith.constant 0 : i32
          %lt3A_347 = vector.broadcast %lt3A_346 : i32 to vector<16xi32>
          %lt3A_348 = arith.cmpi slt, %xor3A_345, %lt3A_347 : vector<16xi32>
          %add3A_349 = arith.constant 16 : i32
          %add3A_350 = vector.broadcast %add3A_349 : i32 to vector<16xi32>
          %add3A_351 = arith.addi %xor3A_345, %add3A_350 : vector<16xi32>
          %select_n3A_352 = arith.select %lt3A_348, %add3A_351, %xor3A_345 : vector<16xi1>, vector<16xi32>
          %broadcast_in_dim3A_353 = vector.shape_cast %select_n3A_352 : vector<16xi32> to vector<16x1xi32>
          %gather3A_354 = vector.shape_cast %broadcast_in_dim3A_353 : vector<16x1xi32> to vector<16xi32>
          %gather3A_355 = tpu.dynamic_gather %add3A_328[%gather3A_354] in [0] : vector<16xf32>, vector<16xi32> -> vector<16xf32>
          %add3A_356 = arith.addf %add3A_328, %gather3A_355 : vector<16xf32>
          %xor3A_357 = arith.constant 2 : i32
          %xor3A_358 = vector.broadcast %xor3A_357 : i32 to vector<16xi32>
          %xor3A_359 = arith.xori %iota3A, %xor3A_358 : vector<16xi32>
          %lt3A_360 = arith.constant 0 : i32
          %lt3A_361 = vector.broadcast %lt3A_360 : i32 to vector<16xi32>
          %lt3A_362 = arith.cmpi slt, %xor3A_359, %lt3A_361 : vector<16xi32>
          %add3A_363 = arith.constant 16 : i32
          %add3A_364 = vector.broadcast %add3A_363 : i32 to vector<16xi32>
          %add3A_365 = arith.addi %xor3A_359, %add3A_364 : vector<16xi32>
          %select_n3A_366 = arith.select %lt3A_362, %add3A_365, %xor3A_359 : vector<16xi1>, vector<16xi32>
          %broadcast_in_dim3A_367 = vector.shape_cast %select_n3A_366 : vector<16xi32> to vector<16x1xi32>
          %gather3A_368 = vector.shape_cast %broadcast_in_dim3A_367 : vector<16x1xi32> to vector<16xi32>
          %gather3A_369 = tpu.dynamic_gather %add3A_342[%gather3A_368] in [0] : vector<16xf32>, vector<16xi32> -> vector<16xf32>
          %add3A_370 = arith.addf %add3A_342, %gather3A_369 : vector<16xf32>
          %xor3A_371 = arith.constant 4 : i32
          %xor3A_372 = vector.broadcast %xor3A_371 : i32 to vector<16xi32>
          %xor3A_373 = arith.xori %iota3A, %xor3A_372 : vector<16xi32>
          %lt3A_374 = arith.constant 0 : i32
          %lt3A_375 = vector.broadcast %lt3A_374 : i32 to vector<16xi32>
          %lt3A_376 = arith.cmpi slt, %xor3A_373, %lt3A_375 : vector<16xi32>
          %add3A_377 = arith.constant 16 : i32
          %add3A_378 = vector.broadcast %add3A_377 : i32 to vector<16xi32>
          %add3A_379 = arith.addi %xor3A_373, %add3A_378 : vector<16xi32>
          %select_n3A_380 = arith.select %lt3A_376, %add3A_379, %xor3A_373 : vector<16xi1>, vector<16xi32>
          %broadcast_in_dim3A_381 = vector.shape_cast %select_n3A_380 : vector<16xi32> to vector<16x1xi32>
          %gather3A_382 = vector.shape_cast %broadcast_in_dim3A_381 : vector<16x1xi32> to vector<16xi32>
          %gather3A_383 = tpu.dynamic_gather %add3A_356[%gather3A_382] in [0] : vector<16xf32>, vector<16xi32> -> vector<16xf32>
          %add3A_384 = arith.addf %add3A_356, %gather3A_383 : vector<16xf32>
          %xor3A_385 = arith.constant 4 : i32
          %xor3A_386 = vector.broadcast %xor3A_385 : i32 to vector<16xi32>
          %xor3A_387 = arith.xori %iota3A, %xor3A_386 : vector<16xi32>
          %lt3A_388 = arith.constant 0 : i32
          %lt3A_389 = vector.broadcast %lt3A_388 : i32 to vector<16xi32>
          %lt3A_390 = arith.cmpi slt, %xor3A_387, %lt3A_389 : vector<16xi32>
          %add3A_391 = arith.constant 16 : i32
          %add3A_392 = vector.broadcast %add3A_391 : i32 to vector<16xi32>
          %add3A_393 = arith.addi %xor3A_387, %add3A_392 : vector<16xi32>
          %select_n3A_394 = arith.select %lt3A_390, %add3A_393, %xor3A_387 : vector<16xi1>, vector<16xi32>
          %broadcast_in_dim3A_395 = vector.shape_cast %select_n3A_394 : vector<16xi32> to vector<16x1xi32>
          %gather3A_396 = vector.shape_cast %broadcast_in_dim3A_395 : vector<16x1xi32> to vector<16xi32>
          %gather3A_397 = tpu.dynamic_gather %add3A_370[%gather3A_396] in [0] : vector<16xf32>, vector<16xi32> -> vector<16xf32>
          %add3A_398 = arith.addf %add3A_370, %gather3A_397 : vector<16xf32>
          %xor3A_399 = arith.constant 8 : i32
          %xor3A_400 = vector.broadcast %xor3A_399 : i32 to vector<16xi32>
          %xor3A_401 = arith.xori %iota3A, %xor3A_400 : vector<16xi32>
          %lt3A_402 = arith.constant 0 : i32
          %lt3A_403 = vector.broadcast %lt3A_402 : i32 to vector<16xi32>
          %lt3A_404 = arith.cmpi slt, %xor3A_401, %lt3A_403 : vector<16xi32>
          %add3A_405 = arith.constant 16 : i32
          %add3A_406 = vector.broadcast %add3A_405 : i32 to vector<16xi32>
          %add3A_407 = arith.addi %xor3A_401, %add3A_406 : vector<16xi32>
          %select_n3A_408 = arith.select %lt3A_404, %add3A_407, %xor3A_401 : vector<16xi1>, vector<16xi32>
          %broadcast_in_dim3A_409 = vector.shape_cast %select_n3A_408 : vector<16xi32> to vector<16x1xi32>
          %gather3A_410 = vector.shape_cast %broadcast_in_dim3A_409 : vector<16x1xi32> to vector<16xi32>
          %gather3A_411 = tpu.dynamic_gather %add3A_384[%gather3A_410] in [0] : vector<16xf32>, vector<16xi32> -> vector<16xf32>
          %add3A_412 = arith.addf %add3A_384, %gather3A_411 : vector<16xf32>
          %xor3A_413 = arith.constant 8 : i32
          %xor3A_414 = vector.broadcast %xor3A_413 : i32 to vector<16xi32>
          %xor3A_415 = arith.xori %iota3A, %xor3A_414 : vector<16xi32>
          %lt3A_416 = arith.constant 0 : i32
          %lt3A_417 = vector.broadcast %lt3A_416 : i32 to vector<16xi32>
          %lt3A_418 = arith.cmpi slt, %xor3A_415, %lt3A_417 : vector<16xi32>
          %add3A_419 = arith.constant 16 : i32
          %add3A_420 = vector.broadcast %add3A_419 : i32 to vector<16xi32>
          %add3A_421 = arith.addi %xor3A_415, %add3A_420 : vector<16xi32>
          %select_n3A_422 = arith.select %lt3A_418, %add3A_421, %xor3A_415 : vector<16xi1>, vector<16xi32>
          %broadcast_in_dim3A_423 = vector.shape_cast %select_n3A_422 : vector<16xi32> to vector<16x1xi32>
          %gather3A_424 = vector.shape_cast %broadcast_in_dim3A_423 : vector<16x1xi32> to vector<16xi32>
          %gather3A_425 = tpu.dynamic_gather %add3A_398[%gather3A_424] in [0] : vector<16xf32>, vector<16xi32> -> vector<16xf32>
          %add3A_426 = arith.addf %add3A_398, %gather3A_425 : vector<16xf32>
          %exp3A = math.exp %add3A_412 : vector<16xf32>
          %exp3A_427 = math.exp %add3A_426 : vector<16xf32>
          %mul3A_428 = arith.mulf %exp3A, %get3A_179 : vector<16xf32>
          %swap3A_429 = arith.index_cast %add3A_175 : i32 to index
          %swap3A_430 = arith.constant 0 : index
          %swap3A_431 = tpu.vector_load %arg17[%swap3A_429, %swap3A_430] {strides = array<i32>} : memref<64x128xf32, #tpu.memory_space<vmem>>, vector<1x16xf32>,
          %swap3A_432 = vector.shape_cast %swap3A_431 : vector<1x16xf32> to vector<16xf32>
          %swap3A_433 = vector.shape_cast %mul3A_428 : vector<16xf32> to vector<1x16xf32>
          tpu.vector_store %arg17[%swap3A_429, %swap3A_430], %swap3A_433 {strides = array<i32>} : memref<64x128xf32, #tpu.memory_space<vmem>>, vector<1x16xf32>,
          %mul3A_434 = arith.mulf %exp3A, %get3A_183 : vector<16xf32>
          %swap3A_435 = arith.index_cast %add3A_175 : i32 to index
          %swap3A_436 = arith.constant 16 : index
          %swap3A_437 = tpu.vector_load %arg17[%swap3A_435, %swap3A_436] {strides = array<i32>} : memref<64x128xf32, #tpu.memory_space<vmem>>, vector<1x16xf32>,
          %swap3A_438 = vector.shape_cast %swap3A_437 : vector<1x16xf32> to vector<16xf32>
          %swap3A_439 = vector.shape_cast %mul3A_434 : vector<16xf32> to vector<1x16xf32>
          tpu.vector_store %arg17[%swap3A_435, %swap3A_436], %swap3A_439 {strides = array<i32>} : memref<64x128xf32, #tpu.memory_space<vmem>>, vector<1x16xf32>,
          %mul3A_440 = arith.mulf %exp3A, %get3A_187 : vector<16xf32>
          %swap3A_441 = arith.index_cast %add3A_175 : i32 to index
          %swap3A_442 = arith.constant 32 : index
          %swap3A_443 = tpu.vector_load %arg17[%swap3A_441, %swap3A_442] {strides = array<i32>} : memref<64x128xf32, #tpu.memory_space<vmem>>, vector<1x16xf32>,
          %swap3A_444 = vector.shape_cast %swap3A_443 : vector<1x16xf32> to vector<16xf32>
          %swap3A_445 = vector.shape_cast %mul3A_440 : vector<16xf32> to vector<1x16xf32>
          tpu.vector_store %arg17[%swap3A_441, %swap3A_442], %swap3A_445 {strides = array<i32>} : memref<64x128xf32, #tpu.memory_space<vmem>>, vector<1x16xf32>,
          %mul3A_446 = arith.mulf %exp3A, %get3A_191 : vector<16xf32>
          %swap3A_447 = arith.index_cast %add3A_175 : i32 to index
          %swap3A_448 = arith.constant 48 : index
          %swap3A_449 = tpu.vector_load %arg17[%swap3A_447, %swap3A_448] {strides = array<i32>} : memref<64x128xf32, #tpu.memory_space<vmem>>, vector<1x16xf32>,
          %swap3A_450 = vector.shape_cast %swap3A_449 : vector<1x16xf32> to vector<16xf32>
          %swap3A_451 = vector.shape_cast %mul3A_446 : vector<16xf32> to vector<1x16xf32>
          tpu.vector_store %arg17[%swap3A_447, %swap3A_448], %swap3A_451 {strides = array<i32>} : memref<64x128xf32, #tpu.memory_space<vmem>>, vector<1x16xf32>,
          %mul3A_452 = arith.mulf %exp3A_427, %get3A_195 : vector<16xf32>
          %swap3A_453 = arith.index_cast %add3A_175 : i32 to index
          %swap3A_454 = arith.constant 64 : index
          %swap3A_455 = tpu.vector_load %arg17[%swap3A_453, %swap3A_454] {strides = array<i32>} : memref<64x128xf32, #tpu.memory_space<vmem>>, vector<1x16xf32>,
          %swap3A_456 = vector.shape_cast %swap3A_455 : vector<1x16xf32> to vector<16xf32>
          %swap3A_457 = vector.shape_cast %mul3A_452 : vector<16xf32> to vector<1x16xf32>
          tpu.vector_store %arg17[%swap3A_453, %swap3A_454], %swap3A_457 {strides = array<i32>} : memref<64x128xf32, #tpu.memory_space<vmem>>, vector<1x16xf32>,
          %mul3A_458 = arith.mulf %exp3A_427, %get3A_199 : vector<16xf32>
          %swap3A_459 = arith.index_cast %add3A_175 : i32 to index
          %swap3A_460 = arith.constant 80 : index
          %swap3A_461 = tpu.vector_load %arg17[%swap3A_459, %swap3A_460] {strides = array<i32>} : memref<64x128xf32, #tpu.memory_space<vmem>>, vector<1x16xf32>,
          %swap3A_462 = vector.shape_cast %swap3A_461 : vector<1x16xf32> to vector<16xf32>
          %swap3A_463 = vector.shape_cast %mul3A_458 : vector<16xf32> to vector<1x16xf32>
          tpu.vector_store %arg17[%swap3A_459, %swap3A_460], %swap3A_463 {strides = array<i32>} : memref<64x128xf32, #tpu.memory_space<vmem>>, vector<1x16xf32>,
          %mul3A_464 = arith.mulf %exp3A_427, %get3A_203 : vector<16xf32>
          %swap3A_465 = arith.index_cast %add3A_175 : i32 to index
          %swap3A_466 = arith.constant 96 : index
          %swap3A_467 = tpu.vector_load %arg17[%swap3A_465, %swap3A_466] {strides = array<i32>} : memref<64x128xf32, #tpu.memory_space<vmem>>, vector<1x16xf32>,
          %swap3A_468 = vector.shape_cast %swap3A_467 : vector<1x16xf32> to vector<16xf32>
          %swap3A_469 = vector.shape_cast %mul3A_464 : vector<16xf32> to vector<1x16xf32>
          tpu.vector_store %arg17[%swap3A_465, %swap3A_466], %swap3A_469 {strides = array<i32>} : memref<64x128xf32, #tpu.memory_space<vmem>>, vector<1x16xf32>,
          %mul3A_470 = arith.mulf %exp3A_427, %get3A_207 : vector<16xf32>
          %swap3A_471 = arith.index_cast %add3A_175 : i32 to index
          %swap3A_472 = arith.constant 112 : index
          %swap3A_473 = tpu.vector_load %arg17[%swap3A_471, %swap3A_472] {strides = array<i32>} : memref<64x128xf32, #tpu.memory_space<vmem>>, vector<1x16xf32>,
          %swap3A_474 = vector.shape_cast %swap3A_473 : vector<1x16xf32> to vector<16xf32>
          %swap3A_475 = vector.shape_cast %mul3A_470 : vector<16xf32> to vector<1x16xf32>
          tpu.vector_store %arg17[%swap3A_471, %swap3A_472], %swap3A_475 {strides = array<i32>} : memref<64x128xf32, #tpu.memory_space<vmem>>, vector<1x16xf32>,
          %eq3A = vector.broadcast %scan3A_170 : i32 to vector<16xi32>
          %eq3A_476 = arith.cmpi eq, %iota3A, %eq3A : vector<16xi32>
          %select_n3A_477 = arith.select %eq3A_476, %exp3A, %scan3A_171 : vector<16xi1>, vector<16xf32>
          %eq3A_478 = vector.broadcast %scan3A_170 : i32 to vector<16xi32>
          %eq3A_479 = arith.cmpi eq, %iota3A, %eq3A_478 : vector<16xi32>
          %select_n3A_480 = arith.select %eq3A_479, %exp3A_427, %scan3A_172 : vector<16xi1>, vector<16xf32>
          scf.yield %select_n3A_477, %select_n3A_480 : vector<16xf32>, vector<16xf32>
        }
        %scan3A_157 = arith.constant 16 : i32
        %mul3A_158 = arith.constant 16 : i32
        %mul3A_159 = arith.muli %scan3A_132, %mul3A_158 : i32
        %swap3A_160 = arith.index_cast %mul3A_159 : i32 to index
        %swap3A_161 = tpu.vector_load %arg19[%swap3A_160] {strides = array<i32>} : memref<64xf32, #tpu.memory_space<vmem>>, vector<16xf32>,
        %swap3A_162 = vector.shape_cast %swap3A_161 : vector<16xf32> to vector<16xf32>
        %swap3A_163 = vector.shape_cast %scan3A_156#0 : vector<16xf32> to vector<16xf32>
        tpu.vector_store %arg19[%swap3A_160], %swap3A_163 {strides = array<i32>} : memref<64xf32, #tpu.memory_space<vmem>>, vector<16xf32>,
        %mul3A_164 = arith.constant 16 : i32
        %mul3A_165 = arith.muli %scan3A_132, %mul3A_164 : i32
        %swap3A_166 = arith.index_cast %mul3A_165 : i32 to index
        %swap3A_167 = tpu.vector_load %arg20[%swap3A_166] {strides = array<i32>} : memref<64xf32, #tpu.memory_space<vmem>>, vector<16xf32>,
        %swap3A_168 = vector.shape_cast %swap3A_167 : vector<16xf32> to vector<16xf32>
        %swap3A_169 = vector.shape_cast %scan3A_156#1 : vector<16xf32> to vector<16xf32>
        tpu.vector_store %arg20[%swap3A_166], %swap3A_169 {strides = array<i32>} : memref<64xf32, #tpu.memory_space<vmem>>, vector<16xf32>,
      }
      %scan3A_131 = arith.constant 4 : i32
      "tpu.region"() ({
        %run_scoped3A = tpu.sem_alloc : memref<!tpu.dma_semaphore, #tpu.memory_space<semaphore_mem>>
        %dma_start3A_132 = arith.constant 0 : i32
        %dma_start3A_133 = arith.constant 0 : i32
        %dma_start3A_134 = tpu.memref_slice %arg22[%dma_start3A_132, %dma_start3A_133] : memref<10112x128xf32, #tpu.memory_space<vmem_shared>> -> memref<10112x128xf32, #tpu.memory_space<vmem_shared>>
        tpu.enqueue_indirect_dma source(%arg17 : memref<64x128xf32, #tpu.memory_space<vmem>>) target(%dma_start3A_134 : memref<10112x128xf32, #tpu.memory_space<vmem_shared>>) offsets(%arg11 : memref<64xi32, #tpu.memory_space<vmem>>) semaphore(%run_scoped3A : memref<!tpu.dma_semaphore, #tpu.memory_space<semaphore_mem>>) {add = true}
        %dma_wait3A_135 = arith.constant 0 : i32
        %dma_wait3A_136 = arith.constant 0 : i32
        %dma_wait3A_137 = tpu.memref_slice %arg22[%dma_wait3A_135, %dma_wait3A_136] : memref<10112x128xf32, #tpu.memory_space<vmem_shared>> -> memref<10112x128xf32, #tpu.memory_space<vmem_shared>>
        tpu.wait_indirect_dma semaphore(%run_scoped3A : memref<!tpu.dma_semaphore, #tpu.memory_space<semaphore_mem>>) src(%arg17 : memref<64x128xf32, #tpu.memory_space<vmem>>) dst(%dma_wait3A_137 : memref<10112x128xf32, #tpu.memory_space<vmem_shared>>)
        tpu.yield
      }) : () -> ()
      "tpu.region"() ({
        %run_scoped3A = tpu.sem_alloc : memref<!tpu.dma_semaphore, #tpu.memory_space<semaphore_mem>>
        %dma_start3A_132 = arith.constant 0 : i32
        %dma_start3A_133 = tpu.memref_slice %arg23[%dma_start3A_132] : memref<20480xf32, #tpu.memory_space<vmem_shared>> -> memref<20480xf32, #tpu.memory_space<vmem_shared>>
        tpu.enqueue_indirect_dma source(%arg19 : memref<64xf32, #tpu.memory_space<vmem>>) target(%dma_start3A_133 : memref<20480xf32, #tpu.memory_space<vmem_shared>>) offsets(%arg13 : memref<64xi32, #tpu.memory_space<vmem>>) semaphore(%run_scoped3A : memref<!tpu.dma_semaphore, #tpu.memory_space<semaphore_mem>>) {add = true}
        %dma_wait3A_134 = arith.constant 0 : i32
        %dma_wait3A_135 = tpu.memref_slice %arg23[%dma_wait3A_134] : memref<20480xf32, #tpu.memory_space<vmem_shared>> -> memref<20480xf32, #tpu.memory_space<vmem_shared>>
        tpu.wait_indirect_dma semaphore(%run_scoped3A : memref<!tpu.dma_semaphore, #tpu.memory_space<semaphore_mem>>) src(%arg19 : memref<64xf32, #tpu.memory_space<vmem>>) dst(%dma_wait3A_135 : memref<20480xf32, #tpu.memory_space<vmem_shared>>)
        tpu.yield
      }) : () -> ()
      "tpu.region"() ({
        %run_scoped3A = tpu.sem_alloc : memref<!tpu.dma_semaphore, #tpu.memory_space<semaphore_mem>>
        %dma_start3A_132 = arith.constant 0 : i32
        %dma_start3A_133 = tpu.memref_slice %arg23[%dma_start3A_132] : memref<20480xf32, #tpu.memory_space<vmem_shared>> -> memref<20480xf32, #tpu.memory_space<vmem_shared>>
        tpu.enqueue_indirect_dma source(%arg20 : memref<64xf32, #tpu.memory_space<vmem>>) target(%dma_start3A_133 : memref<20480xf32, #tpu.memory_space<vmem_shared>>) offsets(%arg14 : memref<64xi32, #tpu.memory_space<vmem>>) semaphore(%run_scoped3A : memref<!tpu.dma_semaphore, #tpu.memory_space<semaphore_mem>>) {add = true}
        %dma_wait3A_134 = arith.constant 0 : i32
        %dma_wait3A_135 = tpu.memref_slice %arg23[%dma_wait3A_134] : memref<20480xf32, #tpu.memory_space<vmem_shared>> -> memref<20480xf32, #tpu.memory_space<vmem_shared>>
        tpu.wait_indirect_dma semaphore(%run_scoped3A : memref<!tpu.dma_semaphore, #tpu.memory_space<semaphore_mem>>) src(%arg20 : memref<64xf32, #tpu.memory_space<vmem>>) dst(%dma_wait3A_135 : memref<20480xf32, #tpu.memory_space<vmem_shared>>)
        tpu.yield
      }) : () -> ()
    }
    %scan3A_107 = arith.constant 293 : i32
    %barrier3A_108 = arith.constant 0 : index
    tpu.barrier barrier_id(%barrier3A_108)
    "tpu.region"() ({
      %run_scoped3A = tpu.sem_alloc : memref<!tpu.dma_semaphore, #tpu.memory_space<semaphore_mem>>
      %dma_start3A = arith.constant 0 : i32
      %dma_start3A_112 = tpu.memref_slice %arg7[%arg0, %mul3A_4, %dma_start3A] : memref<2x10112x128xf32, #tpu.memory_space<hbm>> -> memref<1x632x128xf32, #tpu.memory_space<hbm>>
      %dma_start3A_113 = tpu.memref_squeeze %dma_start3A_112 : memref<1x632x128xf32, #tpu.memory_space<hbm>> -> memref<632x128xf32, #tpu.memory_space<hbm>>
      %dma_start3A_114 = arith.constant 0 : i32
      %dma_start3A_115 = tpu.memref_slice %arg22[%mul3A_4, %dma_start3A_114] : memref<10112x128xf32, #tpu.memory_space<vmem_shared>> -> memref<632x128xf32, #tpu.memory_space<vmem_shared>>
      tpu.enqueue_dma source(%dma_start3A_115 : memref<632x128xf32, #tpu.memory_space<vmem_shared>>) target(%dma_start3A_113 : memref<632x128xf32, #tpu.memory_space<hbm>>) target_semaphore(%run_scoped3A : memref<!tpu.dma_semaphore, #tpu.memory_space<semaphore_mem>>)
      %dma_wait3A = arith.constant 0 : i32
      %dma_wait3A_116 = tpu.memref_slice %arg7[%arg0, %mul3A_4, %dma_wait3A] : memref<2x10112x128xf32, #tpu.memory_space<hbm>> -> memref<1x632x128xf32, #tpu.memory_space<hbm>>
      %dma_wait3A_117 = tpu.memref_squeeze %dma_wait3A_116 : memref<1x632x128xf32, #tpu.memory_space<hbm>> -> memref<632x128xf32, #tpu.memory_space<hbm>>
      %dma_wait3A_118 = arith.constant 0 : i32
      %dma_wait3A_119 = tpu.memref_slice %arg22[%mul3A_4, %dma_wait3A_118] : memref<10112x128xf32, #tpu.memory_space<vmem_shared>> -> memref<632x128xf32, #tpu.memory_space<vmem_shared>>
      tpu.wait_dma2 semaphore(%run_scoped3A : memref<!tpu.dma_semaphore, #tpu.memory_space<semaphore_mem>>) src(%dma_wait3A_119 : memref<632x128xf32, #tpu.memory_space<vmem_shared>>) dst(%dma_wait3A_117 : memref<632x128xf32, #tpu.memory_space<hbm>>)
      tpu.yield
    }) : () -> ()
    %mul3A_109 = arith.constant 20480 : i32
    %mul3A_110 = arith.muli %arg0, %mul3A_109 : i32
    %add3A_111 = arith.addi %mul3A_110, %mul3A_6 : i32
    "tpu.region"() ({
      %run_scoped3A = tpu.sem_alloc : memref<!tpu.dma_semaphore, #tpu.memory_space<semaphore_mem>>
      %dma_start3A = tpu.memref_slice %arg8[%add3A_111] : memref<40960xf32, #tpu.memory_space<hbm>> -> memref<1280xf32, #tpu.memory_space<hbm>>
      %dma_start3A_112 = tpu.memref_slice %arg23[%mul3A_6] : memref<20480xf32, #tpu.memory_space<vmem_shared>> -> memref<1280xf32, #tpu.memory_space<vmem_shared>>
      tpu.enqueue_dma source(%dma_start3A_112 : memref<1280xf32, #tpu.memory_space<vmem_shared>>) target(%dma_start3A : memref<1280xf32, #tpu.memory_space<hbm>>) target_semaphore(%run_scoped3A : memref<!tpu.dma_semaphore, #tpu.memory_space<semaphore_mem>>)
      %dma_wait3A = tpu.memref_slice %arg8[%add3A_111] : memref<40960xf32, #tpu.memory_space<hbm>> -> memref<1280xf32, #tpu.memory_space<hbm>>
      %dma_wait3A_113 = tpu.memref_slice %arg23[%mul3A_6] : memref<20480xf32, #tpu.memory_space<vmem_shared>> -> memref<1280xf32, #tpu.memory_space<vmem_shared>>
      tpu.wait_dma2 semaphore(%run_scoped3A : memref<!tpu.dma_semaphore, #tpu.memory_space<semaphore_mem>>) src(%dma_wait3A_113 : memref<1280xf32, #tpu.memory_space<vmem_shared>>) dst(%dma_wait3A : memref<1280xf32, #tpu.memory_space<hbm>>)
      tpu.yield
    }) : () -> ()
    return
  }
}

#map = affine_map<(d0, d1) -> (0)>
module attributes {stable_mosaic.version = 14 : i64} {
  func.func @_edge_scores(%arg0: i32, %arg1: i32, %arg2: memref<40960xf32, #tpu.memory_space<hbm>>, %arg3: memref<600128xi32, #tpu.memory_space<hbm>>, %arg4: memref<600064xf32, #tpu.memory_space<hbm>>, %arg5: memref<64xi32, #tpu.memory_space<vmem>>, %arg6: memref<64xi32, #tpu.memory_space<vmem>>, %arg7: memref<64xi32, #tpu.memory_space<vmem>>, %arg8: memref<64xi32, #tpu.memory_space<vmem>>, %arg9: memref<64xi32, #tpu.memory_space<vmem>>, %arg10: memref<64xi32, #tpu.memory_space<vmem>>, %arg11: memref<64xi32, #tpu.memory_space<vmem>>, %arg12: memref<64xi32, #tpu.memory_space<vmem>>, %arg13: memref<64xf32, #tpu.memory_space<vmem>>, %arg14: memref<64xf32, #tpu.memory_space<vmem>>, %arg15: memref<64xf32, #tpu.memory_space<vmem>>, %arg16: memref<64xf32, #tpu.memory_space<vmem>>, %arg17: memref<64xf32, #tpu.memory_space<vmem>>, %arg18: memref<64xf32, #tpu.memory_space<vmem>>, %arg19: memref<64xf32, #tpu.memory_space<vmem>>, %arg20: memref<64xf32, #tpu.memory_space<vmem>>, %arg21: memref<16xf32, #tpu.memory_space<vmem>>, %arg22: memref<18752xf32, #tpu.memory_space<vmem>>, %arg23: memref<!tpu.dma_semaphore, #tpu.memory_space<semaphore_mem>>, %arg24: memref<!tpu.dma_semaphore, #tpu.memory_space<semaphore_mem>>) attributes {dimension_semantics = [#tpu.dimension_semantics<core_parallel>, #tpu.dimension_semantics<subcore_parallel>], iteration_bounds = array<i64: 2, 16>, scalar_prefetch = 0 : i64, scratch_operands = 20 : i64, tpu.core_type = #tpu.core_type<sc_vector_subcore>, window_params = [{transform_indices = #map}, {transform_indices = #map}, {transform_indices = #map}]} {
    %mul3A = arith.constant 16 : i32
    %mul3A_0 = arith.muli %arg0, %mul3A : i32
    %add3A = arith.addi %mul3A_0, %arg1 : i32
    %mul3A_1 = arith.constant 18752 : i32
    %mul3A_2 = arith.muli %add3A, %mul3A_1 : i32
    "tpu.region"() ({
      %run_scoped3A = tpu.sem_alloc : memref<!tpu.dma_semaphore, #tpu.memory_space<semaphore_mem>>
      %dma_start3A = arith.constant 10112 : i32
      %dma_start3A_10 = tpu.memref_slice %arg2[%dma_start3A] : memref<40960xf32, #tpu.memory_space<hbm>> -> memref<16xf32, #tpu.memory_space<hbm>>
      %dma_start3A_11 = arith.constant 10112 : i32
      %dma_start3A_12 = tpu.memref_slice %arg2[%dma_start3A_11] : memref<40960xf32, #tpu.memory_space<hbm>> -> memref<16xf32, #tpu.memory_space<hbm>>
      tpu.enqueue_dma source(%dma_start3A_12 : memref<16xf32, #tpu.memory_space<hbm>>) target(%arg21 : memref<16xf32, #tpu.memory_space<vmem>>) target_semaphore(%run_scoped3A : memref<!tpu.dma_semaphore, #tpu.memory_space<semaphore_mem>>)
      %dma_wait3A = arith.constant 10112 : i32
      %dma_wait3A_13 = tpu.memref_slice %arg2[%dma_wait3A] : memref<40960xf32, #tpu.memory_space<hbm>> -> memref<16xf32, #tpu.memory_space<hbm>>
      %dma_wait3A_14 = arith.constant 10112 : i32
      %dma_wait3A_15 = tpu.memref_slice %arg2[%dma_wait3A_14] : memref<40960xf32, #tpu.memory_space<hbm>> -> memref<16xf32, #tpu.memory_space<hbm>>
      tpu.wait_dma2 semaphore(%run_scoped3A : memref<!tpu.dma_semaphore, #tpu.memory_space<semaphore_mem>>) src(%dma_wait3A_15 : memref<16xf32, #tpu.memory_space<hbm>>) dst(%arg21 : memref<16xf32, #tpu.memory_space<vmem>>)
      tpu.yield
    }) : () -> ()
    %get3A = arith.constant 0 : index
    %get3A_3 = tpu.vector_load %arg21[%get3A] {strides = array<i32>} : memref<16xf32, #tpu.memory_space<vmem>>, vector<16xf32>,
    %get3A_4 = vector.shape_cast %get3A_3 : vector<16xf32> to vector<16xf32>
    %scan3A = arith.constant 0 : i32
    %scan3A_5 = arith.constant 0 : i32
    %scan3A_6 = arith.constant 293 : i32
    %scan3A_7 = arith.addi %scan3A_5, %scan3A_6 : i32
    %scan3A_8 = arith.constant 1 : i32
    scf.for %scan3A_10 = %scan3A_5 to %scan3A_7 step %scan3A_8  : i32 {
      %mul3A_11 = arith.constant 64 : i32
      %mul3A_12 = arith.muli %scan3A_10, %mul3A_11 : i32
      %add3A_13 = arith.addi %mul3A_2, %mul3A_12 : i32
      "tpu.region"() ({
        %run_scoped3A = tpu.sem_alloc : memref<!tpu.dma_semaphore, #tpu.memory_space<semaphore_mem>>
        %dma_start3A_40 = tpu.memref_slice %arg3[%add3A_13] : memref<600128xi32, #tpu.memory_space<hbm>> -> memref<64xi32, #tpu.memory_space<hbm>>
        %dma_start3A_41 = tpu.memref_slice %arg3[%add3A_13] : memref<600128xi32, #tpu.memory_space<hbm>> -> memref<64xi32, #tpu.memory_space<hbm>>
        tpu.enqueue_dma source(%dma_start3A_41 : memref<64xi32, #tpu.memory_space<hbm>>) target(%arg5 : memref<64xi32, #tpu.memory_space<vmem>>) target_semaphore(%run_scoped3A : memref<!tpu.dma_semaphore, #tpu.memory_space<semaphore_mem>>)
        %dma_wait3A_42 = tpu.memref_slice %arg3[%add3A_13] : memref<600128xi32, #tpu.memory_space<hbm>> -> memref<64xi32, #tpu.memory_space<hbm>>
        %dma_wait3A_43 = tpu.memref_slice %arg3[%add3A_13] : memref<600128xi32, #tpu.memory_space<hbm>> -> memref<64xi32, #tpu.memory_space<hbm>>
        tpu.wait_dma2 semaphore(%run_scoped3A : memref<!tpu.dma_semaphore, #tpu.memory_space<semaphore_mem>>) src(%dma_wait3A_43 : memref<64xi32, #tpu.memory_space<hbm>>) dst(%arg5 : memref<64xi32, #tpu.memory_space<vmem>>)
        tpu.yield
      }) : () -> ()
      %scan3A_14 = arith.constant 0 : i32
      %scan3A_15 = arith.constant 0 : i32
      %scan3A_16 = arith.constant 4 : i32
      %scan3A_17 = arith.addi %scan3A_15, %scan3A_16 : i32
      %scan3A_18 = arith.constant 1 : i32
      scf.for %scan3A_40 = %scan3A_15 to %scan3A_17 step %scan3A_18  : i32 {
        %mul3A_41 = arith.constant 16 : i32
        %mul3A_42 = arith.muli %scan3A_40, %mul3A_41 : i32
        %get3A_43 = arith.index_cast %mul3A_42 : i32 to index
        %get3A_44 = tpu.vector_load %arg5[%get3A_43] {strides = array<i32>} : memref<64xi32, #tpu.memory_space<vmem>>, vector<16xi32>,
        %get3A_45 = vector.shape_cast %get3A_44 : vector<16xi32> to vector<16xi32>
        %add3A_46 = arith.constant 10240 : i32
        %add3A_47 = vector.broadcast %add3A_46 : i32 to vector<16xi32>
        %add3A_48 = arith.addi %get3A_45, %add3A_47 : vector<16xi32>
        %mul3A_49 = arith.constant 16 : i32
        %mul3A_50 = arith.muli %scan3A_40, %mul3A_49 : i32
        %swap3A = arith.index_cast %mul3A_50 : i32 to index
        %swap3A_51 = tpu.vector_load %arg6[%swap3A] {strides = array<i32>} : memref<64xi32, #tpu.memory_space<vmem>>, vector<16xi32>,
        %swap3A_52 = vector.shape_cast %swap3A_51 : vector<16xi32> to vector<16xi32>
        %swap3A_53 = vector.shape_cast %add3A_48 : vector<16xi32> to vector<16xi32>
        tpu.vector_store %arg6[%swap3A], %swap3A_53 {strides = array<i32>} : memref<64xi32, #tpu.memory_space<vmem>>, vector<16xi32>,
        %add3A_54 = arith.constant 20480 : i32
        %add3A_55 = vector.broadcast %add3A_54 : i32 to vector<16xi32>
        %add3A_56 = arith.addi %get3A_45, %add3A_55 : vector<16xi32>
        %mul3A_57 = arith.constant 16 : i32
        %mul3A_58 = arith.muli %scan3A_40, %mul3A_57 : i32
        %swap3A_59 = arith.index_cast %mul3A_58 : i32 to index
        %swap3A_60 = tpu.vector_load %arg7[%swap3A_59] {strides = array<i32>} : memref<64xi32, #tpu.memory_space<vmem>>, vector<16xi32>,
        %swap3A_61 = vector.shape_cast %swap3A_60 : vector<16xi32> to vector<16xi32>
        %swap3A_62 = vector.shape_cast %add3A_56 : vector<16xi32> to vector<16xi32>
        tpu.vector_store %arg7[%swap3A_59], %swap3A_62 {strides = array<i32>} : memref<64xi32, #tpu.memory_space<vmem>>, vector<16xi32>,
        %add3A_63 = arith.constant 30720 : i32
        %add3A_64 = vector.broadcast %add3A_63 : i32 to vector<16xi32>
        %add3A_65 = arith.addi %get3A_45, %add3A_64 : vector<16xi32>
        %mul3A_66 = arith.constant 16 : i32
        %mul3A_67 = arith.muli %scan3A_40, %mul3A_66 : i32
        %swap3A_68 = arith.index_cast %mul3A_67 : i32 to index
        %swap3A_69 = tpu.vector_load %arg8[%swap3A_68] {strides = array<i32>} : memref<64xi32, #tpu.memory_space<vmem>>, vector<16xi32>,
        %swap3A_70 = vector.shape_cast %swap3A_69 : vector<16xi32> to vector<16xi32>
        %swap3A_71 = vector.shape_cast %add3A_65 : vector<16xi32> to vector<16xi32>
        tpu.vector_store %arg8[%swap3A_68], %swap3A_71 {strides = array<i32>} : memref<64xi32, #tpu.memory_space<vmem>>, vector<16xi32>,
      }
      %scan3A_19 = arith.constant 4 : i32
      %dma_start3A = arith.constant 0 : i32
      %dma_start3A_20 = tpu.memref_slice %arg2[%dma_start3A] : memref<40960xf32, #tpu.memory_space<hbm>> -> memref<40960xf32, #tpu.memory_space<hbm>>
      tpu.enqueue_indirect_dma source(%dma_start3A_20 : memref<40960xf32, #tpu.memory_space<hbm>>) target(%arg13 : memref<64xf32, #tpu.memory_space<vmem>>) offsets(%arg5 : memref<64xi32, #tpu.memory_space<vmem>>) semaphore(%arg23 : memref<!tpu.dma_semaphore, #tpu.memory_space<semaphore_mem>>)
      %dma_start3A_21 = arith.constant 0 : i32
      %dma_start3A_22 = tpu.memref_slice %arg2[%dma_start3A_21] : memref<40960xf32, #tpu.memory_space<hbm>> -> memref<40960xf32, #tpu.memory_space<hbm>>
      tpu.enqueue_indirect_dma source(%dma_start3A_22 : memref<40960xf32, #tpu.memory_space<hbm>>) target(%arg14 : memref<64xf32, #tpu.memory_space<vmem>>) offsets(%arg6 : memref<64xi32, #tpu.memory_space<vmem>>) semaphore(%arg23 : memref<!tpu.dma_semaphore, #tpu.memory_space<semaphore_mem>>)
      %dma_start3A_23 = arith.constant 0 : i32
      %dma_start3A_24 = tpu.memref_slice %arg2[%dma_start3A_23] : memref<40960xf32, #tpu.memory_space<hbm>> -> memref<40960xf32, #tpu.memory_space<hbm>>
      tpu.enqueue_indirect_dma source(%dma_start3A_24 : memref<40960xf32, #tpu.memory_space<hbm>>) target(%arg15 : memref<64xf32, #tpu.memory_space<vmem>>) offsets(%arg7 : memref<64xi32, #tpu.memory_space<vmem>>) semaphore(%arg23 : memref<!tpu.dma_semaphore, #tpu.memory_space<semaphore_mem>>)
      %dma_start3A_25 = arith.constant 0 : i32
      %dma_start3A_26 = tpu.memref_slice %arg2[%dma_start3A_25] : memref<40960xf32, #tpu.memory_space<hbm>> -> memref<40960xf32, #tpu.memory_space<hbm>>
      tpu.enqueue_indirect_dma source(%dma_start3A_26 : memref<40960xf32, #tpu.memory_space<hbm>>) target(%arg16 : memref<64xf32, #tpu.memory_space<vmem>>) offsets(%arg8 : memref<64xi32, #tpu.memory_space<vmem>>) semaphore(%arg23 : memref<!tpu.dma_semaphore, #tpu.memory_space<semaphore_mem>>)
      %dma_wait3A = arith.constant 0 : i32
      %dma_wait3A_27 = tpu.memref_slice %arg2[%dma_wait3A] : memref<40960xf32, #tpu.memory_space<hbm>> -> memref<40960xf32, #tpu.memory_space<hbm>>
      tpu.wait_indirect_dma semaphore(%arg23 : memref<!tpu.dma_semaphore, #tpu.memory_space<semaphore_mem>>) src(%dma_wait3A_27 : memref<40960xf32, #tpu.memory_space<hbm>>) dst(%arg13 : memref<64xf32, #tpu.memory_space<vmem>>)
      %dma_wait3A_28 = arith.constant 0 : i32
      %dma_wait3A_29 = tpu.memref_slice %arg2[%dma_wait3A_28] : memref<40960xf32, #tpu.memory_space<hbm>> -> memref<40960xf32, #tpu.memory_space<hbm>>
      tpu.wait_indirect_dma semaphore(%arg23 : memref<!tpu.dma_semaphore, #tpu.memory_space<semaphore_mem>>) src(%dma_wait3A_29 : memref<40960xf32, #tpu.memory_space<hbm>>) dst(%arg14 : memref<64xf32, #tpu.memory_space<vmem>>)
      %dma_wait3A_30 = arith.constant 0 : i32
      %dma_wait3A_31 = tpu.memref_slice %arg2[%dma_wait3A_30] : memref<40960xf32, #tpu.memory_space<hbm>> -> memref<40960xf32, #tpu.memory_space<hbm>>
      tpu.wait_indirect_dma semaphore(%arg23 : memref<!tpu.dma_semaphore, #tpu.memory_space<semaphore_mem>>) src(%dma_wait3A_31 : memref<40960xf32, #tpu.memory_space<hbm>>) dst(%arg15 : memref<64xf32, #tpu.memory_space<vmem>>)
      %dma_wait3A_32 = arith.constant 0 : i32
      %dma_wait3A_33 = tpu.memref_slice %arg2[%dma_wait3A_32] : memref<40960xf32, #tpu.memory_space<hbm>> -> memref<40960xf32, #tpu.memory_space<hbm>>
      tpu.wait_indirect_dma semaphore(%arg23 : memref<!tpu.dma_semaphore, #tpu.memory_space<semaphore_mem>>) src(%dma_wait3A_33 : memref<40960xf32, #tpu.memory_space<hbm>>) dst(%arg16 : memref<64xf32, #tpu.memory_space<vmem>>)
      %scan3A_34 = arith.constant 0 : i32
      %scan3A_35 = arith.constant 0 : i32
      %scan3A_36 = arith.constant 4 : i32
      %scan3A_37 = arith.addi %scan3A_35, %scan3A_36 : i32
      %scan3A_38 = arith.constant 1 : i32
      scf.for %scan3A_40 = %scan3A_35 to %scan3A_37 step %scan3A_38  : i32 {
        %mul3A_41 = arith.constant 16 : i32
        %mul3A_42 = arith.muli %scan3A_40, %mul3A_41 : i32
        %get3A_43 = arith.index_cast %mul3A_42 : i32 to index
        %get3A_44 = tpu.vector_load %arg13[%get3A_43] {strides = array<i32>} : memref<64xf32, #tpu.memory_space<vmem>>, vector<16xf32>,
        %get3A_45 = vector.shape_cast %get3A_44 : vector<16xf32> to vector<16xf32>
        %get3A_46 = arith.index_cast %mul3A_42 : i32 to index
        %get3A_47 = tpu.vector_load %arg15[%get3A_46] {strides = array<i32>} : memref<64xf32, #tpu.memory_space<vmem>>, vector<16xf32>,
        %get3A_48 = vector.shape_cast %get3A_47 : vector<16xf32> to vector<16xf32>
        %add3A_49 = arith.constant 1.000000e-16 : f32
        %add3A_50 = vector.broadcast %add3A_49 : f32 to vector<16xf32>
        %add3A_51 = arith.addf %get3A_48, %add3A_50 : vector<16xf32>
        %div3A = arith.divf %get3A_45, %add3A_51 : vector<16xf32>
        %get3A_52 = arith.index_cast %mul3A_42 : i32 to index
        %get3A_53 = tpu.vector_load %arg14[%get3A_52] {strides = array<i32>} : memref<64xf32, #tpu.memory_space<vmem>>, vector<16xf32>,
        %get3A_54 = vector.shape_cast %get3A_53 : vector<16xf32> to vector<16xf32>
        %get3A_55 = arith.index_cast %mul3A_42 : i32 to index
        %get3A_56 = tpu.vector_load %arg16[%get3A_55] {strides = array<i32>} : memref<64xf32, #tpu.memory_space<vmem>>, vector<16xf32>,
        %get3A_57 = vector.shape_cast %get3A_56 : vector<16xf32> to vector<16xf32>
        %add3A_58 = arith.constant 1.000000e-16 : f32
        %add3A_59 = vector.broadcast %add3A_58 : f32 to vector<16xf32>
        %add3A_60 = arith.addf %get3A_57, %add3A_59 : vector<16xf32>
        %div3A_61 = arith.divf %get3A_54, %add3A_60 : vector<16xf32>
        %add3A_62 = arith.addf %div3A, %div3A_61 : vector<16xf32>
        %add3A_63 = arith.addf %add3A_62, %get3A_4 : vector<16xf32>
        %mul3A_64 = arith.constant 64 : i32
        %mul3A_65 = arith.muli %scan3A_10, %mul3A_64 : i32
        %mul3A_66 = arith.constant 16 : i32
        %mul3A_67 = arith.muli %scan3A_40, %mul3A_66 : i32
        %add3A_68 = arith.addi %mul3A_65, %mul3A_67 : i32
        %swap3A = arith.index_cast %add3A_68 : i32 to index
        %swap3A_69 = tpu.vector_load %arg22[%swap3A] {strides = array<i32>} : memref<18752xf32, #tpu.memory_space<vmem>>, vector<16xf32>,
        %swap3A_70 = vector.shape_cast %swap3A_69 : vector<16xf32> to vector<16xf32>
        %swap3A_71 = vector.shape_cast %add3A_63 : vector<16xf32> to vector<16xf32>
        tpu.vector_store %arg22[%swap3A], %swap3A_71 {strides = array<i32>} : memref<18752xf32, #tpu.memory_space<vmem>>, vector<16xf32>,
      }
      %scan3A_39 = arith.constant 4 : i32
    }
    %scan3A_9 = arith.constant 293 : i32
    "tpu.region"() ({
      %run_scoped3A = tpu.sem_alloc : memref<!tpu.dma_semaphore, #tpu.memory_space<semaphore_mem>>
      %dma_start3A = tpu.memref_slice %arg4[%mul3A_2] : memref<600064xf32, #tpu.memory_space<hbm>> -> memref<18752xf32, #tpu.memory_space<hbm>>
      %dma_start3A_10 = tpu.memref_slice %arg4[%mul3A_2] : memref<600064xf32, #tpu.memory_space<hbm>> -> memref<18752xf32, #tpu.memory_space<hbm>>
      tpu.enqueue_dma source(%arg22 : memref<18752xf32, #tpu.memory_space<vmem>>) target(%dma_start3A_10 : memref<18752xf32, #tpu.memory_space<hbm>>) target_semaphore(%run_scoped3A : memref<!tpu.dma_semaphore, #tpu.memory_space<semaphore_mem>>)
      %dma_wait3A = tpu.memref_slice %arg4[%mul3A_2] : memref<600064xf32, #tpu.memory_space<hbm>> -> memref<18752xf32, #tpu.memory_space<hbm>>
      %dma_wait3A_11 = tpu.memref_slice %arg4[%mul3A_2] : memref<600064xf32, #tpu.memory_space<hbm>> -> memref<18752xf32, #tpu.memory_space<hbm>>
      tpu.wait_dma2 semaphore(%run_scoped3A : memref<!tpu.dma_semaphore, #tpu.memory_space<semaphore_mem>>) src(%arg22 : memref<18752xf32, #tpu.memory_space<vmem>>) dst(%dma_wait3A_11 : memref<18752xf32, #tpu.memory_space<hbm>>)
      tpu.yield
    }) : () -> ()
    return
  }
}

module attributes {stable_mosaic.version = 14 : i64} {
  func.func @_proj_body(%arg0: i32, %arg1: memref<400x128xf32, #tpu.memory_space<vmem>>, %arg2: memref<128x64xf32, #tpu.memory_space<vmem>>, %arg3: memref<1x64xf32, #tpu.memory_space<vmem>>, %arg4: memref<64x128xf32, #tpu.memory_space<vmem>>, %arg5: memref<1x128xf32, #tpu.memory_space<vmem>>, %arg6: memref<400x128xf32, #tpu.memory_space<vmem>>) attributes {dimension_semantics = [#tpu.dimension_semantics<arbitrary>], iteration_bounds = array<i64: 25>, scalar_prefetch = 0 : i64, scratch_operands = 0 : i64, tpu.core_type = #tpu.core_type<tc>, window_params = [{transform_indices = @transform_0, window_bounds = array<i64: 400, 128>}, {pipeline_mode = #tpu.pipeline_mode<synchronous>, transform_indices = @transform_1, window_bounds = array<i64: 128, 64>}, {pipeline_mode = #tpu.pipeline_mode<synchronous>, transform_indices = @transform_2, window_bounds = array<i64: 1, 64>}, {pipeline_mode = #tpu.pipeline_mode<synchronous>, transform_indices = @transform_3, window_bounds = array<i64: 64, 128>}, {pipeline_mode = #tpu.pipeline_mode<synchronous>, transform_indices = @transform_4, window_bounds = array<i64: 1, 128>}, {transform_indices = @transform_5, window_bounds = array<i64: 400, 128>}]} {
    %get3A = arith.constant 0 : index
    %get3A_0 = arith.constant 0 : index
    %get3A_1 = vector.load %arg1[%get3A, %get3A_0] : memref<400x128xf32, #tpu.memory_space<vmem>>, vector<400x128xf32>
    %get3A_2 = arith.constant 0 : index
    %get3A_3 = arith.constant 0 : index
    %get3A_4 = vector.load %arg2[%get3A_2, %get3A_3] : memref<128x64xf32, #tpu.memory_space<vmem>>, vector<128x64xf32>
    %dot_general3A = arith.constant dense<0.000000e+00> : vector<400x64xf32>
    %dot_general3A_5 = tpu.matmul %get3A_1, %get3A_4, %dot_general3A {dimension_numbers = #tpu.dot_dimension_numbers<[1], [0], [0], [1], [0, 0, 1, 1], [], []>, transpose_lhs_hint = false} : vector<400x128xf32>, vector<128x64xf32>, vector<400x64xf32> -> vector<400x64xf32>
    %get3A_6 = arith.constant 0 : index
    %get3A_7 = arith.constant 0 : index
    %get3A_8 = vector.load %arg3[%get3A_6, %get3A_7] : memref<1x64xf32, #tpu.memory_space<vmem>>, vector<1x64xf32>
    %add3A = vector.broadcast %get3A_8 : vector<1x64xf32> to vector<400x64xf32>
    %add3A_9 = arith.addf %dot_general3A_5, %add3A : vector<400x64xf32>
    %max3A = arith.constant 0.000000e+00 : f32
    %max3A_10 = vector.broadcast %max3A : f32 to vector<400x64xf32>
    %max3A_11 = arith.maximumf %add3A_9, %max3A_10 : vector<400x64xf32>
    %get3A_12 = arith.constant 0 : index
    %get3A_13 = arith.constant 0 : index
    %get3A_14 = vector.load %arg4[%get3A_12, %get3A_13] : memref<64x128xf32, #tpu.memory_space<vmem>>, vector<64x128xf32>
    %dot_general3A_15 = arith.constant dense<0.000000e+00> : vector<400x128xf32>
    %dot_general3A_16 = tpu.matmul %max3A_11, %get3A_14, %dot_general3A_15 {dimension_numbers = #tpu.dot_dimension_numbers<[1], [0], [0], [1], [0, 0, 1, 1], [], []>, transpose_lhs_hint = false} : vector<400x64xf32>, vector<64x128xf32>, vector<400x128xf32> -> vector<400x128xf32>
    %get3A_17 = arith.constant 0 : index
    %get3A_18 = arith.constant 0 : index
    %get3A_19 = vector.load %arg5[%get3A_17, %get3A_18] : memref<1x128xf32, #tpu.memory_space<vmem>>, vector<1x128xf32>
    %add3A_20 = vector.broadcast %get3A_19 : vector<1x128xf32> to vector<400x128xf32>
    %add3A_21 = arith.addf %dot_general3A_16, %add3A_20 : vector<400x128xf32>
    %swap3A = arith.constant 0 : index
    %swap3A_22 = arith.constant 0 : index
    %swap3A_23 = vector.load %arg6[%swap3A, %swap3A_22] : memref<400x128xf32, #tpu.memory_space<vmem>>, vector<400x128xf32>
    tpu.vector_store %arg6[%swap3A, %swap3A_22], %add3A_21 {strides = array<i32>} : memref<400x128xf32, #tpu.memory_space<vmem>>, vector<400x128xf32>,
    return
  }
  func.func @transform_0(%arg0: i32) -> (i32, i32) {
    %c0_i32 = arith.constant 0 : i32
    %c0_i32_0 = arith.constant 0 : i32
    return %arg0, %c0_i32 : i32, i32
  }
  func.func @transform_1(%arg0: i32) -> (i32, i32) {
    %c0_i32 = arith.constant 0 : i32
    %c0_i32_0 = arith.constant 0 : i32
    %c0_i32_1 = arith.constant 0 : i32
    return %c0_i32, %c0_i32_0 : i32, i32
  }
  func.func @transform_2(%arg0: i32) -> (i32, i32) {
    %c0_i32 = arith.constant 0 : i32
    %c0_i32_0 = arith.constant 0 : i32
    %c0_i32_1 = arith.constant 0 : i32
    return %c0_i32, %c0_i32_0 : i32, i32
  }
  func.func @transform_3(%arg0: i32) -> (i32, i32) {
    %c0_i32 = arith.constant 0 : i32
    %c0_i32_0 = arith.constant 0 : i32
    %c0_i32_1 = arith.constant 0 : i32
    return %c0_i32, %c0_i32_0 : i32, i32
  }
  func.func @transform_4(%arg0: i32) -> (i32, i32) {
    %c0_i32 = arith.constant 0 : i32
    %c0_i32_0 = arith.constant 0 : i32
    %c0_i32_1 = arith.constant 0 : i32
    return %c0_i32, %c0_i32_0 : i32, i32
  }
  func.func @transform_5(%arg0: i32) -> (i32, i32) {
    %c0_i32 = arith.constant 0 : i32
    %c0_i32_0 = arith.constant 0 : i32
    return %arg0, %c0_i32 : i32, i32
  }
}

module attributes {stable_mosaic.version = 14 : i64} {
  func.func @_proj_body(%arg0: i32, %arg1: memref<400x128xf32, #tpu.memory_space<vmem>>, %arg2: memref<128x64xf32, #tpu.memory_space<vmem>>, %arg3: memref<1x64xf32, #tpu.memory_space<vmem>>, %arg4: memref<64x128xf32, #tpu.memory_space<vmem>>, %arg5: memref<1x128xf32, #tpu.memory_space<vmem>>, %arg6: memref<400x128xf32, #tpu.memory_space<vmem>>) attributes {dimension_semantics = [#tpu.dimension_semantics<arbitrary>], iteration_bounds = array<i64: 100>, scalar_prefetch = 0 : i64, scratch_operands = 0 : i64, tpu.core_type = #tpu.core_type<tc>, window_params = [{transform_indices = @transform_0, window_bounds = array<i64: 400, 128>}, {pipeline_mode = #tpu.pipeline_mode<synchronous>, transform_indices = @transform_1, window_bounds = array<i64: 128, 64>}, {pipeline_mode = #tpu.pipeline_mode<synchronous>, transform_indices = @transform_2, window_bounds = array<i64: 1, 64>}, {pipeline_mode = #tpu.pipeline_mode<synchronous>, transform_indices = @transform_3, window_bounds = array<i64: 64, 128>}, {pipeline_mode = #tpu.pipeline_mode<synchronous>, transform_indices = @transform_4, window_bounds = array<i64: 1, 128>}, {transform_indices = @transform_5, window_bounds = array<i64: 400, 128>}]} {
    %get3A = arith.constant 0 : index
    %get3A_0 = arith.constant 0 : index
    %get3A_1 = vector.load %arg1[%get3A, %get3A_0] : memref<400x128xf32, #tpu.memory_space<vmem>>, vector<400x128xf32>
    %get3A_2 = arith.constant 0 : index
    %get3A_3 = arith.constant 0 : index
    %get3A_4 = vector.load %arg2[%get3A_2, %get3A_3] : memref<128x64xf32, #tpu.memory_space<vmem>>, vector<128x64xf32>
    %dot_general3A = arith.constant dense<0.000000e+00> : vector<400x64xf32>
    %dot_general3A_5 = tpu.matmul %get3A_1, %get3A_4, %dot_general3A {dimension_numbers = #tpu.dot_dimension_numbers<[1], [0], [0], [1], [0, 0, 1, 1], [], []>, transpose_lhs_hint = false} : vector<400x128xf32>, vector<128x64xf32>, vector<400x64xf32> -> vector<400x64xf32>
    %get3A_6 = arith.constant 0 : index
    %get3A_7 = arith.constant 0 : index
    %get3A_8 = vector.load %arg3[%get3A_6, %get3A_7] : memref<1x64xf32, #tpu.memory_space<vmem>>, vector<1x64xf32>
    %add3A = vector.broadcast %get3A_8 : vector<1x64xf32> to vector<400x64xf32>
    %add3A_9 = arith.addf %dot_general3A_5, %add3A : vector<400x64xf32>
    %max3A = arith.constant 0.000000e+00 : f32
    %max3A_10 = vector.broadcast %max3A : f32 to vector<400x64xf32>
    %max3A_11 = arith.maximumf %add3A_9, %max3A_10 : vector<400x64xf32>
    %get3A_12 = arith.constant 0 : index
    %get3A_13 = arith.constant 0 : index
    %get3A_14 = vector.load %arg4[%get3A_12, %get3A_13] : memref<64x128xf32, #tpu.memory_space<vmem>>, vector<64x128xf32>
    %dot_general3A_15 = arith.constant dense<0.000000e+00> : vector<400x128xf32>
    %dot_general3A_16 = tpu.matmul %max3A_11, %get3A_14, %dot_general3A_15 {dimension_numbers = #tpu.dot_dimension_numbers<[1], [0], [0], [1], [0, 0, 1, 1], [], []>, transpose_lhs_hint = false} : vector<400x64xf32>, vector<64x128xf32>, vector<400x128xf32> -> vector<400x128xf32>
    %get3A_17 = arith.constant 0 : index
    %get3A_18 = arith.constant 0 : index
    %get3A_19 = vector.load %arg5[%get3A_17, %get3A_18] : memref<1x128xf32, #tpu.memory_space<vmem>>, vector<1x128xf32>
    %add3A_20 = vector.broadcast %get3A_19 : vector<1x128xf32> to vector<400x128xf32>
    %add3A_21 = arith.addf %dot_general3A_16, %add3A_20 : vector<400x128xf32>
    %swap3A = arith.constant 0 : index
    %swap3A_22 = arith.constant 0 : index
    %swap3A_23 = vector.load %arg6[%swap3A, %swap3A_22] : memref<400x128xf32, #tpu.memory_space<vmem>>, vector<400x128xf32>
    tpu.vector_store %arg6[%swap3A, %swap3A_22], %add3A_21 {strides = array<i32>} : memref<400x128xf32, #tpu.memory_space<vmem>>, vector<400x128xf32>,
    return
  }
  func.func @transform_0(%arg0: i32) -> (i32, i32) {
    %c0_i32 = arith.constant 0 : i32
    %c0_i32_0 = arith.constant 0 : i32
    return %arg0, %c0_i32 : i32, i32
  }
  func.func @transform_1(%arg0: i32) -> (i32, i32) {
    %c0_i32 = arith.constant 0 : i32
    %c0_i32_0 = arith.constant 0 : i32
    %c0_i32_1 = arith.constant 0 : i32
    return %c0_i32, %c0_i32_0 : i32, i32
  }
  func.func @transform_2(%arg0: i32) -> (i32, i32) {
    %c0_i32 = arith.constant 0 : i32
    %c0_i32_0 = arith.constant 0 : i32
    %c0_i32_1 = arith.constant 0 : i32
    return %c0_i32, %c0_i32_0 : i32, i32
  }
  func.func @transform_3(%arg0: i32) -> (i32, i32) {
    %c0_i32 = arith.constant 0 : i32
    %c0_i32_0 = arith.constant 0 : i32
    %c0_i32_1 = arith.constant 0 : i32
    return %c0_i32, %c0_i32_0 : i32, i32
  }
  func.func @transform_4(%arg0: i32) -> (i32, i32) {
    %c0_i32 = arith.constant 0 : i32
    %c0_i32_0 = arith.constant 0 : i32
    %c0_i32_1 = arith.constant 0 : i32
    return %c0_i32, %c0_i32_0 : i32, i32
  }
  func.func @transform_5(%arg0: i32) -> (i32, i32) {
    %c0_i32 = arith.constant 0 : i32
    %c0_i32_0 = arith.constant 0 : i32
    return %arg0, %c0_i32 : i32, i32
  }
}

module attributes {stable_mosaic.version = 14 : i64} {
  func.func @_combine_body(%arg0: memref<2x10112x128xf32, #tpu.memory_space<vmem>>, %arg1: memref<40960xf32, #tpu.memory_space<vmem>>, %arg2: memref<1x128xf32, #tpu.memory_space<vmem>>, %arg3: memref<1x128xf32, #tpu.memory_space<vmem>>, %arg4: memref<1x1xf32, #tpu.memory_space<vmem>>, %arg5: memref<4x10240xf32, #tpu.memory_space<vmem>>) attributes {dimension_semantics = [], scalar_prefetch = 0 : i64, scratch_operands = 0 : i64, tpu.core_type = #tpu.core_type<tc>} {
    %get3A = arith.constant 0 : index
    %get3A_0 = arith.constant 0 : index
    %get3A_1 = vector.load %arg2[%get3A, %get3A_0] : memref<1x128xf32, #tpu.memory_space<vmem>>, vector<1x128xf32>
    %get3A_2 = arith.constant 0 : index
    %get3A_3 = arith.constant 0 : index
    %get3A_4 = vector.load %arg3[%get3A_2, %get3A_3] : memref<1x128xf32, #tpu.memory_space<vmem>>, vector<1x128xf32>
    %mul3A = arith.mulf %get3A_1, %get3A_4 : vector<1x128xf32>
    %get3A_5 = arith.constant 0 : index
    %get3A_6 = arith.constant 0 : index
    %get3A_7 = arith.constant 0 : index
    %get3A_8 = vector.load %arg0[%get3A_5, %get3A_6, %get3A_7] : memref<2x10112x128xf32, #tpu.memory_space<vmem>>, vector<1x10112x128xf32>
    %get3A_9 = vector.shape_cast %get3A_8 : vector<1x10112x128xf32> to vector<10112x128xf32>
    %get3A_10 = arith.constant 1 : index
    %get3A_11 = arith.constant 0 : index
    %get3A_12 = arith.constant 0 : index
    %get3A_13 = vector.load %arg0[%get3A_10, %get3A_11, %get3A_12] : memref<2x10112x128xf32, #tpu.memory_space<vmem>>, vector<1x10112x128xf32>
    %get3A_14 = vector.shape_cast %get3A_13 : vector<1x10112x128xf32> to vector<10112x128xf32>
    %add3A = arith.addf %get3A_9, %get3A_14 : vector<10112x128xf32>
    %mul3A_15 = vector.broadcast %mul3A : vector<1x128xf32> to vector<10112x128xf32>
    %mul3A_16 = arith.mulf %add3A, %mul3A_15 : vector<10112x128xf32>
    %slice3A = vector.extract_strided_slice %mul3A_16 {offsets = [0, 0], sizes = [10112, 64], strides = [1, 1]} : vector<10112x128xf32> to vector<10112x64xf32>
    %reduce_sum3A = arith.constant dense<0.000000e+00> : vector<10112xf32>
    %reduce_sum3A_17 = vector.multi_reduction <add>, %slice3A, %reduce_sum3A [1] : vector<10112x64xf32> to vector<10112xf32>
    %slice3A_18 = vector.extract_strided_slice %mul3A_16 {offsets = [0, 64], sizes = [10112, 64], strides = [1, 1]} : vector<10112x128xf32> to vector<10112x64xf32>
    %reduce_sum3A_19 = arith.constant dense<0.000000e+00> : vector<10112xf32>
    %reduce_sum3A_20 = vector.multi_reduction <add>, %slice3A_18, %reduce_sum3A_19 [1] : vector<10112x64xf32> to vector<10112xf32>
    %get3A_21 = arith.constant 0 : index
    %get3A_22 = arith.constant 0 : index
    %get3A_23 = vector.load %arg2[%get3A_21, %get3A_22] : memref<1x128xf32, #tpu.memory_space<vmem>>, vector<1x128xf32>
    %mul3A_24 = arith.mulf %get3A_23, %mul3A : vector<1x128xf32>
    %reduce_sum3A_25 = vector.shape_cast %mul3A_24 : vector<1x128xf32> to vector<1x1x128xf32>
    %reduce_sum3A_26 = arith.constant dense<0.000000e+00> : vector<1xf32>
    %reduce_sum3A_27 = vector.multi_reduction <add>, %reduce_sum3A_25, %reduce_sum3A_26 [1, 2] : vector<1x1x128xf32> to vector<1xf32>
    %reduce_sum3A_28 = vector.shape_cast %reduce_sum3A_27 : vector<1xf32> to vector<1x1x1xf32>
    %reduce_sum3A_29 = vector.extract %reduce_sum3A_28[0, 0, 0] : f32 from vector<1x1x1xf32>
    %get3A_30 = arith.constant 0 : index
    %get3A_31 = arith.constant 0 : index
    %get3A_32 = vector.load %arg4[%get3A_30, %get3A_31] : memref<1x1xf32, #tpu.memory_space<vmem>>, vector<1x1xf32>
    %get3A_33 = vector.extract %get3A_32[0, 0] : f32 from vector<1x1xf32>
    %add3A_34 = arith.addf %reduce_sum3A_29, %get3A_33 : f32
    %swap3A = arith.constant 0 : index
    %swap3A_35 = arith.constant 0 : index
    %swap3A_36 = vector.load %arg5[%swap3A, %swap3A_35] : memref<4x10240xf32, #tpu.memory_space<vmem>>, vector<1x10112xf32>
    %swap3A_37 = vector.shape_cast %swap3A_36 : vector<1x10112xf32> to vector<10112xf32>
    %swap3A_38 = vector.shape_cast %reduce_sum3A_17 : vector<10112xf32> to vector<1x10112xf32>
    tpu.vector_store %arg5[%swap3A, %swap3A_35], %swap3A_38 {strides = array<i32>} : memref<4x10240xf32, #tpu.memory_space<vmem>>, vector<1x10112xf32>,
    %broadcast_in_dim3A = vector.broadcast %add3A_34 : f32 to vector<128xf32>
    %swap3A_39 = arith.constant 0 : index
    %swap3A_40 = arith.constant 10112 : index
    %swap3A_41 = vector.load %arg5[%swap3A_39, %swap3A_40] : memref<4x10240xf32, #tpu.memory_space<vmem>>, vector<1x128xf32>
    %swap3A_42 = vector.shape_cast %swap3A_41 : vector<1x128xf32> to vector<128xf32>
    %swap3A_43 = vector.shape_cast %broadcast_in_dim3A : vector<128xf32> to vector<1x128xf32>
    tpu.vector_store %arg5[%swap3A_39, %swap3A_40], %swap3A_43 {strides = array<i32>} : memref<4x10240xf32, #tpu.memory_space<vmem>>, vector<1x128xf32>,
    %swap3A_44 = arith.constant 1 : index
    %swap3A_45 = arith.constant 0 : index
    %swap3A_46 = vector.load %arg5[%swap3A_44, %swap3A_45] : memref<4x10240xf32, #tpu.memory_space<vmem>>, vector<1x10112xf32>
    %swap3A_47 = vector.shape_cast %swap3A_46 : vector<1x10112xf32> to vector<10112xf32>
    %swap3A_48 = vector.shape_cast %reduce_sum3A_20 : vector<10112xf32> to vector<1x10112xf32>
    tpu.vector_store %arg5[%swap3A_44, %swap3A_45], %swap3A_48 {strides = array<i32>} : memref<4x10240xf32, #tpu.memory_space<vmem>>, vector<1x10112xf32>,
    %get3A_49 = arith.constant 0 : index
    %get3A_50 = vector.load %arg1[%get3A_49] : memref<40960xf32, #tpu.memory_space<vmem>>, vector<10240xf32>
    %get3A_51 = arith.constant 20480 : index
    %get3A_52 = vector.load %arg1[%get3A_51] : memref<40960xf32, #tpu.memory_space<vmem>>, vector<10240xf32>
    %add3A_53 = arith.addf %get3A_50, %get3A_52 : vector<10240xf32>
    %swap3A_54 = arith.constant 2 : index
    %swap3A_55 = arith.constant 0 : index
    %swap3A_56 = vector.load %arg5[%swap3A_54, %swap3A_55] : memref<4x10240xf32, #tpu.memory_space<vmem>>, vector<1x10240xf32>
    %swap3A_57 = vector.shape_cast %swap3A_56 : vector<1x10240xf32> to vector<10240xf32>
    %swap3A_58 = vector.shape_cast %add3A_53 : vector<10240xf32> to vector<1x10240xf32>
    tpu.vector_store %arg5[%swap3A_54, %swap3A_55], %swap3A_58 {strides = array<i32>} : memref<4x10240xf32, #tpu.memory_space<vmem>>, vector<1x10240xf32>,
    %get3A_59 = arith.constant 10240 : index
    %get3A_60 = vector.load %arg1[%get3A_59] : memref<40960xf32, #tpu.memory_space<vmem>>, vector<10240xf32>
    %get3A_61 = arith.constant 30720 : index
    %get3A_62 = vector.load %arg1[%get3A_61] : memref<40960xf32, #tpu.memory_space<vmem>>, vector<10240xf32>
    %add3A_63 = arith.addf %get3A_60, %get3A_62 : vector<10240xf32>
    %swap3A_64 = arith.constant 3 : index
    %swap3A_65 = arith.constant 0 : index
    %swap3A_66 = vector.load %arg5[%swap3A_64, %swap3A_65] : memref<4x10240xf32, #tpu.memory_space<vmem>>, vector<1x10240xf32>
    %swap3A_67 = vector.shape_cast %swap3A_66 : vector<1x10240xf32> to vector<10240xf32>
    %swap3A_68 = vector.shape_cast %add3A_63 : vector<10240xf32> to vector<1x10240xf32>
    tpu.vector_store %arg5[%swap3A_64, %swap3A_65], %swap3A_68 {strides = array<i32>} : memref<4x10240xf32, #tpu.memory_space<vmem>>, vector<1x10240xf32>,
    return
  }
}

</mosaic_0001>

<sc_bundles>
// kernel: kernel.10.cloned.1.call-start
scs
__scs_entry_jumppad:
0x0: {  	(pc) =	sbr.rel $0x88, $3  }
0x1: {  	(tag) =	ssettag $0x0;
	lr =	simm.s32 $0x1  }
0x2: {  	[smem:$0x3F92] =	sst lr;
	_ =	strace $0xD0000000  }
0x3: {  	_ = 	snop  }
0x4: {  	_ = 	snop  }
0x5: {  	_ = 	snop  }
0x6: {  	_ = 	snop  }
0x7: {  	_ = 	snop  }
__scs_overlays_trampoline_lowered:
0x8: {  	[smem:$0x3FA1] =	sst s0  }
0x9: {  	[smem:$0x3FA2] =	sst s1  }
0xa: {  	[smem:$0x3FA3] =	sst s2  }
0xb: {  	[smem:$0x3FA4] =	sst s3  }
0xc: {  	[smem:$0x3FA5] =	sst s4  }
0xd: {  	[smem:$0x3FA6] =	sst s5  }
0xe: {  	[smem:$0x3FA7] =	sst s6  }
0xf: {  	[smem:$0x3FA8] =	sst s7  }
0x10: {  	[smem:$0x3FA9] =	sst s8  }
0x11: {  	[smem:$0x3FAA] =	sst s9;
	s0 =	simm.s32 @!p0 $0x0  }
0x12: {  	s1 =	sld [smem:$0x3F90];
	s0 =	simm.s32 @p0 $0x1  }
0x13: {  	[smem:$0x3FAB] =	sst s0;
	s0 =	simm.s32 @!p1 $0x0  }
0x14: {  	s2 =	sld [smem:$0x3F8F];
	s0 =	simm.s32 @p1 $0x1  }
0x15: {  	[smem:$0x3FAC] =	sst s0;
	s0 =	simm.s32 @!p2 $0x0  }
0x16: {  	s3 =	sld [smem:$0x3FDB];
	s0 =	simm.s32 @p2 $0x1  }
0x17: {  	s4 =	simm.s32 $0x1BF5;
	[smem:$0x3FAE] =	sst s0  }
0x18: {  	s0 =	sld [smem:$0x3F91];
	_ =	swait.ge [sflag:s4], $0x0  }
0x19: {  	s7 =	sld [smem:$0x3F92]  }
0x1a: {  	s8 =	sadd.s32 $0xFFFFE003, lr  }
0x1b: {  	s9 =	sadd.s32 $0xFFFFFEF7, lr;
	s5 =	simm.s32 $0xFFFFFFFF;
	p2 =	slt.u32 s8, $0xFFFFF086  }
0x1c: {  	p1 =	slt.u32 s9, $0xF7A;
	s5 =	simm.s32 @!p2 $0x0  }
0x1d: {  	s5 =	simm.s32 @p1 $0x1;
	p0 =	seq.s32 s7, s2  }
0x1e: {  	s7 =	smul.u32 @!p0 $0xF7A, s2;
	p2 =	seq.s32 @!p0 s5, $0x0  }
0x1f: {  	s9 =	smul.u32 $0xF7A, s1;
	s8 =	simm.s32 @!p0 $0x1BF5;
	p2 =	por !p2, p0  }
0x20: {  	[sflag:s8] =	ssyncset.s32 @!p0 $0xFFFFF086;
	s6 =	sadd.s32 @!p0 s3, s7;
	s7 =	simm.s32 @!p0 $0x108  }
0x21: {  	s3 =	sadd.s32 s3, s9;
	s6 =	sadd.s32 @!p0 $0x88, s6;
	s7 =	simm.s32 @p2 $0x1082  }
0x22: {  	[simem:s7], [sflag:s8] =	dma.local @!p0 [hbm:s6], $0xF7A  }
0x23: {  	s9 =	sor.u32 $0xD0000000, s2;
	s6 =	simm.s32 $0x108;
	_ =	swait.ge @!p0 [sflag:s8], $0x0  }
0x24: {  	s3 =	sadd.s32 $0x88, s3;
	s6 =	simm.s32 @!p1 $0x1082;
	[sflag:s4] =	ssyncset.s32 $0xFFFFF086  }
0x25: {  	[simem:s6], [sflag:s4] =	dma.local [hbm:s3], $0xF7A  }
0x26: {  	[smem:$0x3F92] =	sst s1;
	(tag) =	ssettag s2;
	_ =	strace s9  }
0x27: {  	s1 =	sld [smem:$0x3FA2]  }
0x28: {  	s2 =	sld [smem:$0x3FA3]  }
0x29: {  	s4 =	sld [smem:$0x3FA5]  }
0x2a: {  	p0 =	seq.s32 s5, $0x0;
	s5 =	sld [smem:$0x3FA6]  }
0x2b: {  	s6 =	sld [smem:$0x3FA7]  }
0x2c: {  	s7 =	sld [smem:$0x3FA8]  }
0x2d: {  	s3 =	simm.s32 $0x108;
	s8 =	sld [smem:$0x3FA9]  }
0x2e: {  	s3 =	simm.s32 @!p0 $0x1082;
	s9 =	sld [smem:$0x3FAA]  }
0x2f: {  	lr =	sadd.s32 s0, s3;
	s0 =	sld [smem:$0x3FA1]  }
0x30: {  	s3 =	sld [smem:$0x3FA4]  }
0x31: {  	[smem:$0x3FAD] =	sst s10  }
0x32: {  	s10 =	sld [smem:$0x3FAB];
	_ =	sdelay $0x3  }
0x33: {  	p0 =	seq.s32 s10, $0x1;
	s10 =	sld [smem:$0x3FAD];
	_ =	sdelay $0x3  }
0x34: {  	[smem:$0x3FAD] =	sst s10  }
0x35: {  	s10 =	sld [smem:$0x3FAC];
	_ =	sdelay $0x3  }
0x36: {  	p1 =	seq.s32 s10, $0x1;
	s10 =	sld [smem:$0x3FAD];
	_ =	sdelay $0x3  }
0x37: {  	[smem:$0x3FAD] =	sst s10  }
0x38: {  	s10 =	sld [smem:$0x3FAE]  }
0x39: {  	_ = 	snop;
	(pc) =	sbr.ind lr, $3  }
0x3a: {  	_ = 	snop  }
0x3b: {  	_ = 	snop  }
0x3c: {  	p2 =	seq.s32 s10, $0x1;
	s10 =	sld [smem:$0x3FAD]  }
0x3d: {  	_ =	shalt  }
0x3e: {  	_ =	shalt  }
0x3f: {  	_ =	shalt  }
0x40: {  	_ =	shalt  }
0x41: {  	_ =	shalt  }
0x42: {  	_ =	shalt  }
0x43: {  	_ =	shalt  }
0x44: {  	_ =	shalt  }
0x45: {  	_ =	shalt  }
0x46: {  	_ =	shalt  }
0x47: {  	_ =	shalt  }
0x48: {  	_ =	shalt  }
0x49: {  	_ =	shalt  }
0x4a: {  	_ =	shalt  }
0x4b: {  	_ =	shalt  }
0x4c: {  	_ =	shalt  }
0x4d: {  	_ =	shalt  }
0x4e: {  	_ =	shalt  }
0x4f: {  	_ =	shalt  }
0x50: {  	_ =	shalt  }
0x51: {  	_ =	shalt  }
0x52: {  	_ =	shalt  }
0x53: {  	_ =	shalt  }
0x54: {  	_ =	shalt  }
0x55: {  	_ =	shalt  }
0x56: {  	_ =	shalt  }
0x57: {  	_ =	shalt  }
0x58: {  	_ =	shalt  }
0x59: {  	_ =	shalt  }
0x5a: {  	_ =	shalt  }
0x5b: {  	_ =	shalt  }
0x5c: {  	_ =	shalt  }
0x5d: {  	_ =	shalt  }
0x5e: {  	_ =	shalt  }
0x5f: {  	_ =	shalt  }
0x60: {  	_ =	shalt  }
0x61: {  	_ =	shalt  }
0x62: {  	_ =	shalt  }
0x63: {  	_ =	shalt  }
0x64: {  	_ =	shalt  }
0x65: {  	_ =	shalt  }
0x66: {  	_ =	shalt  }
0x67: {  	_ =	shalt  }
0x68: {  	_ =	shalt  }
0x69: {  	_ =	shalt  }
0x6a: {  	_ =	shalt  }
0x6b: {  	_ =	shalt  }
0x6c: {  	_ =	shalt  }
0x6d: {  	_ =	shalt  }
0x6e: {  	_ =	shalt  }
0x6f: {  	_ =	shalt  }
0x70: {  	_ =	shalt  }
0x71: {  	_ =	shalt  }
0x72: {  	_ =	shalt  }
0x73: {  	_ =	shalt  }
0x74: {  	_ =	shalt  }
0x75: {  	_ =	shalt  }
0x76: {  	_ =	shalt  }
0x77: {  	_ =	shalt  }
0x78: {  	_ =	shalt  }
0x79: {  	_ =	shalt  }
0x7a: {  	_ =	shalt  }
0x7b: {  	_ =	shalt  }
0x7c: {  	_ =	shalt  }
0x7d: {  	_ =	shalt  }
0x7e: {  	_ =	shalt  }
0x7f: {  	_ =	shalt  }
0x80: {  	_ =	shalt  }
0x81: {  	_ =	shalt  }
0x82: {  	_ =	shalt  }
0x83: {  	_ =	shalt  }
0x84: {  	_ =	shalt  }
0x85: {  	_ =	shalt  }
0x86: {  	_ =	shalt  }
0x87: {  	_ =	shalt  }
.Lfunc_end0:
.L_simem_size_0:
called_computation.1_lowered:
.L_overlay_start_0:
0x88: {  	s2 =	sld [smem:$0x3FD9]  }
0x89: {  	s3 =	sld [smem:$0x3FFE];
	_ =	sdelay $0x1  }
0x8a: {  	s1 =	srdreg.scid  }
0x8b: {  	s0 =	sand.u32 $0x1, s1  }
0x8c: {  	s17 =	sshll.u32 s0, $0xA;
	s2 =	sadd.s32 s3, s2  }
0x8d: {  	s2 =	sadd.s32 s2, s17  }
0x8e: {  	[smem:$0x3FB9] =	sst s2  }
0x8f: {  	_ = 	snop  }
0x90: {  	s2 =	sld [smem:$0x3FD0];
	(tm) =	ssettm $0x1  }
0x91: {  	s18 =	sld [smem:$0x3FFB];
	_ =	sdelay $0x3  }
0x92: {  	_ =	strace s18  }
0x93: {  	s3 =	sld [smem:$0x3FFC];
	_ =	sdelay $0x3  }
0x94: {  	_ =	strace s3  }
0x95: {  	s3 =	sld [smem:$0x3FFD];
	_ =	sdelay $0x3  }
0x96: {  	_ =	strace s3  }
0x97: {  	_ =	strace $0x8FFFFFFF  }
0x98: {  	s19 =	sld [smem:$0x3FDB];
	_ =	sdelay $0x1  }
0x99: {  	s4 =	simm.s32 $_scs_section_size  }
0x9a: {  	s5 =	simm.s32 $_size__tile_overlayer_lowered;
	s6 =	simm.s32 $_tile_overlayer_lowered  }
0x9b: {  	s22 =	simm.s32 $0x1BFF;
	s21 =	sshll.u32 s6, $0x1;
	s3 =	sadd.s32 s4, s19  }
0x9c: {  	s7 =	simm.s32 $0x0;
	s20 =	sshll.u32 s5, $0x1;
	s5 =	sadd.s32 s21, s3  }
0x9d: {  	[timem:s7], [sflag:s22] =	dma.local [hbm:s5], s20  }
0x9e: {  	_ =	swait.ge [sflag:s22], s20  }
0x9f: {  	s4 =	ssub.s32 $0x0, s20;
	[sflag:s22] =	ssyncset.done $0x0  }
0xa0: {  	[sflag:s22] =	ssyncadd.s32 s4;
	_ =	sdelay $0x1  }
0xa1: {  	s23 =	simm.s32 $0x1B8B  }
0xa2: {  	_ =	swait.ge [sflag:s23], $0x1  }
0xa3: {  	[sflag:s23] =	ssyncset.done $0x0  }
0xa4: {  	s25 =	simm.s32 $0x1B8E;
	s24 =	sld [smem:$0x3FFE];
	[sflag:s23] =	ssyncadd.s32 $0xFFFFFFFF  }
0xa5: {  	s26 =	simm.s32 $execute0_lowered;
	[smem:$0x3FD2] =	sst s25  }
0xa6: {  	s5 =	sshll.u32 s26, $0x1;
	_ =	strace $0x80000049;
	[dreg:$0x1] =	wrdreg $0xFFFFFFFF  }
0xa7: {  	s28 =	simm.s32 $_size_execute0_lowered;
	s3 =	sadd.s32 s3, s5;
	[dreg:$0x0] =	wrdreg $0x0  }
0xa8: {  	s5 =	sshll.u32 s28, $0x1;
	[dreg:$0x2] =	wrdreg s3  }
0xa9: {  	[dreg:$0x3] =	wrdreg s5  }
0xaa: {  	[dreg:$0x4] =	wrdreg $0xC0  }
0xab: {  	_ =	task [dreg:s7], $0x5FFFF  }
0xac: {  	[dreg:$0x1] =	wrdreg $0xFFFFFFFF  }
0xad: {  	[dreg:$0x0] =	wrdreg $0x60  }
0xae: {  	[dreg:$0x2] =	wrdreg s24  }
0xaf: {  	[dreg:$0x3] =	wrdreg s2  }
0xb0: {  	[dreg:$0x4] =	wrdreg $0x9  }
0xb1: {  	_ =	task.clear_ibuf [dreg:s7], $0x5FFFF;
	_ =	strace $0x90000049  }
0xb2: {  	s29 =	simm.s32 $0x9;
	_ =	strace $0x8000004B  }
0xb3: {  	_ =	swait.ge [sflag:s29], $0x1  }
0xb4: {  	[sflag:s29] =	ssyncadd.s32 $0xFFFFFFFF  }
0xb5: {  	_ =	strace $0x9000004B  }
0xb6: {  	_ =	sfence  }
0xb7: {  	s30 =	sld [smem:$0x0];
	_ =	sdelay $0x2  }
0xb8: {  	s31 =	sshll.u32 s1, $0xD;
	s1 =	sshrl.u32 s1, $0x2  }
0xb9: {  	s3 =	sand.u32 $0x4000, s31;
	s1 =	sadd.s32 s1, s30  }
0xba: {  	s0 =	sor.u32 s3, s0;
	s1 =	sshll.u32 s1, $0x11  }
0xbb: {  	s0 =	sor.u32 s1, s0  }
0xbc: {  	s0 =	sadd.s32 $0x8F2B, s0  }
0xbd: {  	[sflag:s0] =	ssyncadd.remote.s32 $0x1  }
0xbe: {  	_ =	sfence.sel $0xFFFF  }
0xbf: {  	[dreg:$0x0] =	wrdreg $0xFFFFFFFF;
	(pc) =	sbr.abs _section_cstart, $3  }
0xc0: {  	[dreg:$0x1] =	wrdreg $0xFFFFFFFF  }
0xc1: {  	_ =	task.clear_ibuf [dreg:s7], $0x2FFFF;
	_ =	strace $0x9FFFFFFF  }
0xc2: {  	(tm) =	ssettm $0x7FFFFFFF  }
0xc3: {  	_ =	shalt  }
tec
execute0_lowered:
.L_overlay_start_1:
0x0: {  	(tag) =	ssettag $0x1  }
0x1: {  	s4 =	rddreg [dreg:$0x0]  }
0x2: {  	s5 =	rddreg [dreg:$0x1];
	s1 =	srdreg.scid  }
0x3: {  	s0 =	rddreg [dreg:$0x2];
	s2 =	simm.s32 $0x0;
	s10 =	simm.s32 $0x40  }
0x4: {  	s11 =	simm.s32 $0x200;
	s12 =	simm.s32 $0x80;
	s13 =	simm.s32 $0x280  }
0x5: {  	s14 =	simm.s32 $0x100;
	s15 =	simm.s32 $0x300;
	s16 =	simm.s32 $0x180  }
0x6: {  	s17 =	simm.s32 $0x380;
	s18 =	simm.s32 $0x1;
	s6 =	sand.u32 $0x1, s1  }
0x7: {  	s19 =	simm.s32 $0x480;
	s1 =	stileid.u32;
	s3 =	smul.u32 $0x49400, s6  }
0x8: {  	s20 =	simm.s32 $0x0;
	[smem:$0x7FF] =	sst s2;
	s7 =	smul.u32 $0x4940, s1  }
0x9: {  	s8 =	sshll.u32 s6, $0x4;
	_ =	strace $0x8000004A;
	s6 =	ssub.s32 $0x2, s6  }
0xa: {  	s8 =	sor.u32 s1, s8;
	s9 =	sshrl.u32 s6, $0x1;
	s7 =	sadd.s32 s7, s3  }
0xb: {  	s8 =	smul.u32 $0x4940, s8;
	s3 =	sadd.s32 $0x15A00, s4;
	s6 =	ssub.s32 s6, s9  }
0xc: {  	s9 =	simm.s32 $0x2;
	s7 =	sshrl.u32 s7, $0x3;
	s6 =	smax.u32 s6, $0x1  }
0xd: {  	s7 =	sadd.s32 s7, s4;
	s8 =	sshrl.u32 s8, $0x3;
	s4 =	sadd.s32 $0x15EF0, s4  }
0xe: {  	s5 =	sadd.s32 s5, s8;
	s7 =	sadd.s32 $0x3400, s7;
	s8 =	simm.s32 $0x400  }
.LBB2_1:
0xf: {  	[tilespmem:s8], [sflag:$0x2] =	stream.linear.gather [hbm4b:s4+s2], $0x10, $0x38;
	[tilespmem:$0x4E00] =	vst v63  }
0x10: {  	_ =	swait.ge [sflag:s9], $0x10  }
0x11: {  	[sflag:s9] =	ssyncset.done $0x0  }
0x12: {  	s21 =	sadd.s32 $0x0, s7;
	[sflag:s9] =	ssyncadd.s32 $0xFFFFFFF0  }
0x13: {  	v0 =	vld [tilespmem:$0x400];
	[tilespmem:s2], [sflag:$0x2] =	stream.linear.gather [hbm4b:s21+s2], $0x40, $0x38  }
0x14: {  	_ =	swait.ge [sflag:s9], $0x40  }
0x15: {  	[sflag:s9] =	ssyncset.done $0x0  }
0x16: {  	[sflag:s9] =	ssyncadd.s32 $0xFFFFFFC0  }
0x17: {  	v1 =	vld [tilespmem:$0x30];
	_ =	sdelay $0x2  }
0x18: {  	v2 =	vld [tilespmem:$0x20];
	_ =	sdelay $0x1  }
0x19: {  	v4 =	vadd.s32 $0x2800, v1  }
0x1a: {  	v3 =	vld [tilespmem:$0x0];
	v5 =	vadd.s32 $0x7800, v1;
	[tilespmem:$0xB0] =	vst v4  }
0x1b: {  	v1 =	vadd.s32 $0x5000, v1;
	[tilespmem:$0x1B0] =	vst v5  }
0x1c: {  	v58 =	vadd.s32 $0x7800, v2;
	[tilespmem:$0x130] =	vst v1  }
0x1d: {  	v57 =	vld [tilespmem:$0x10];
	v59 =	vadd.s32 $0x5000, v2;
	[tilespmem:$0x1A0] =	vst v58  }
0x1e: {  	v2 =	vadd.s32 $0x2800, v2;
	[tilespmem:$0x120] =	vst v59  }
0x1f: {  	v1 =	vadd.s32 $0x5000, v3;
	[tilespmem:$0xA0] =	vst v2  }
0x20: {  	v2 =	vadd.s32 $0x7800, v3;
	[tilespmem:$0x100] =	vst v1  }
0x21: {  	v1 =	vadd.s32 $0x2800, v3;
	[tilespmem:$0x180] =	vst v2  }
0x22: {  	v2 =	vadd.s32 $0x2800, v57;
	[tilespmem:$0x80] =	vst v1  }
0x23: {  	v1 =	vadd.s32 $0x7800, v57;
	[tilespmem:$0x90] =	vst v2  }
0x24: {  	[tilespmem:$0x190] =	vst v1;
	v1 =	vadd.s32 $0x5000, v57  }
0x25: {  	[tilespmem:$0x110] =	vst v1  }
0x26: {  	[tilespmem:s11], [sflag:$0x1] =	stream.indirect.gather [hbm4b:s3+s10], $0x1, s2, s10, $0xb8;
	[tilespmem:$0x4E00] =	vst v63  }
0x27: {  	_ = 	snop  }
0x28: {  	[tilespmem:s13], [sflag:$0x1] =	stream.indirect.gather [hbm4b:s3+s10], $0x1, s12, s10, $0xb8;
	[tilespmem:$0x4E00] =	vst v63  }
0x29: {  	_ = 	snop  }
0x2a: {  	[tilespmem:s15], [sflag:$0x1] =	stream.indirect.gather [hbm4b:s3+s10], $0x1, s14, s10, $0xb8;
	[tilespmem:$0x4E00] =	vst v63  }
0x2b: {  	_ = 	snop  }
0x2c: {  	[tilespmem:s17], [sflag:$0x1] =	stream.indirect.gather [hbm4b:s3+s10], $0x1, s16, s10, $0xb8;
	[tilespmem:$0x4E00] =	vst v63  }
0x2d: {  	_ =	swait.ge [sflag:s18], $0x40  }
0x2e: {  	[sflag:s18] =	ssyncset.done $0x0  }
0x2f: {  	[sflag:s18] =	ssyncadd.s32 $0xFFFFFFC0  }
0x30: {  	_ =	swait.ge [sflag:s18], $0x40  }
0x31: {  	[sflag:s18] =	ssyncset.done $0x0  }
0x32: {  	[sflag:s18] =	ssyncadd.s32 $0xFFFFFFC0  }
0x33: {  	_ =	swait.ge [sflag:s18], $0x40  }
0x34: {  	[sflag:s18] =	ssyncset.done $0x0  }
0x35: {  	[sflag:s18] =	ssyncadd.s32 $0xFFFFFFC0  }
0x36: {  	_ =	swait.ge [sflag:s18], $0x40  }
0x37: {  	[sflag:s18] =	ssyncset.done $0x0  }
0x38: {  	[sflag:s18] =	ssyncadd.s32 $0xFFFFFFC0  }
0x39: {  	v1 =	vld [tilespmem:$0x300]  }
0x3a: {  	v2 =	vld [tilespmem:$0x380];
	_ =	sdelay $0x3  }
0x3b: {  	v1 =	vadd.f32 $1.000000020e-16, v1  }
0x3c: {  	v2 =	vadd.f32 $1.000000020e-16, v2  }
0x3d: {  	(erf) = vrcp.f32 v1  }
0x3e: {  	(erf) = vrcp.f32 v2;
	_ =	sdelay $0x3  }
0x3f: {  	v1 =	vld [tilespmem:$0x280]  }
0x40: {  	v2 =	vld [tilespmem:$0x200];
	_ =	sdelay $0x2  }
0x41: {  	v3 =	vpop (erf)  }
0x42: {  	v60 =	vpop (erf)  }
0x43: {  	v2 =	vmul.f32 v3, v2;
	v1 =	vmul.f32 v60, v1;
	_ =	sdelay $0x1  }
0x44: {  	v1 =	vadd.f32 v1, v2;
	_ =	sdelay $0x1  }
0x45: {  	v1 =	vadd.f32 v1, v0  }
0x46: {  	s21 =	simm.s32 $0x4A0  }
0x47: {  	[tilespmem:s21+$0xFFFFFFE0] =	vst v1  }
0x48: {  	v1 =	vld [tilespmem:$0x310]  }
0x49: {  	v2 =	vld [tilespmem:$0x390];
	_ =	sdelay $0x3  }
0x4a: {  	v1 =	vadd.f32 $1.000000020e-16, v1  }
0x4b: {  	v2 =	vadd.f32 $1.000000020e-16, v2  }
0x4c: {  	(erf) = vrcp.f32 v1  }
0x4d: {  	(erf) = vrcp.f32 v2;
	_ =	sdelay $0x3  }
0x4e: {  	v1 =	vld [tilespmem:$0x290]  }
0x4f: {  	v2 =	vld [tilespmem:$0x210];
	_ =	sdelay $0x2  }
0x50: {  	v3 =	vpop (erf)  }
0x51: {  	v61 =	vpop (erf)  }
0x52: {  	v2 =	vmul.f32 v3, v2;
	v1 =	vmul.f32 v61, v1;
	_ =	sdelay $0x1  }
0x53: {  	v1 =	vadd.f32 v1, v2;
	_ =	sdelay $0x1  }
0x54: {  	v1 =	vadd.f32 v1, v0;
	_ =	sdelay $0x1  }
0x55: {  	[tilespmem:s21+$0xFFFFFFF0] =	vst v1  }
0x56: {  	v1 =	vld [tilespmem:$0x3A0]  }
0x57: {  	v2 =	vld [tilespmem:$0x320];
	_ =	sdelay $0x3  }
0x58: {  	v1 =	vadd.f32 $1.000000020e-16, v1  }
0x59: {  	v2 =	vadd.f32 $1.000000020e-16, v2  }
0x5a: {  	(erf) = vrcp.f32 v1  }
0x5b: {  	(erf) = vrcp.f32 v2;
	_ =	sdelay $0x3  }
0x5c: {  	v1 =	vld [tilespmem:$0x220]  }
0x5d: {  	v2 =	vld [tilespmem:$0x2A0];
	_ =	sdelay $0x2  }
0x5e: {  	v3 =	vpop (erf)  }
0x5f: {  	v62 =	vpop (erf)  }
0x60: {  	v2 =	vmul.f32 v3, v2;
	v1 =	vmul.f32 v62, v1;
	_ =	sdelay $0x1  }
0x61: {  	v1 =	vadd.f32 v2, v1;
	_ =	sdelay $0x1  }
0x62: {  	v1 =	vadd.f32 v1, v0;
	_ =	sdelay $0x1  }
0x63: {  	[tilespmem:s21+$0x0] =	vst v1  }
0x64: {  	v1 =	vld [tilespmem:$0x330]  }
0x65: {  	v2 =	vld [tilespmem:$0x3B0];
	_ =	sdelay $0x3  }
0x66: {  	v3 =	vadd.f32 $1.000000020e-16, v1  }
0x67: {  	v63 =	vadd.f32 $1.000000020e-16, v2  }
0x68: {  	v1 =	vld [tilespmem:$0x230];
	(erf) = vrcp.f32 v3  }
0x69: {  	s23 =	simm.s32 $0x8;
	s22 =	simm.s32 $0x4A0;
	v2 =	vld [tilespmem:$0x2B0];
	(erf) = vrcp.f32 v63  }
.LBB2_2:
0x6a: {  	p0 =	sne.s32 s23, $0x920  }
0x6b: {  	s21 =	sadd.s32 $0x40, s21;
	s24 =	smov.u32 s23;
	s23 =	sadd.s32 $0x8, s23  }
0x6c: {  	_ =	sdelay $0x5  }
0x6d: {  	v3 =	vpop (erf)  }
0x6e: {  	v1 =	vmul.f32 v3, v1;
	v3 =	vpop (erf)  }
0x6f: {  	v2 =	vmul.f32 v3, v2;
	_ =	sdelay $0x1  }
0x70: {  	v1 =	vadd.f32 v2, v1;
	_ =	sdelay $0x1  }
0x71: {  	v1 =	vadd.f32 v1, v0;
	_ =	sdelay $0x1  }
0x72: {  	s24 =	sadd.s32 s24, s7;
	[tilespmem:s22+$0x10] =	vst v1;
	s22 =	smov.u32 s21  }
0x73: {  	[tilespmem:s2], [sflag:$0x2] =	stream.linear.gather [hbm4b:s24+s2], $0x40, $0x38;
	[tilespmem:$0x4E00] =	vst v63  }
0x74: {  	_ =	swait.ge [sflag:s9], $0x40  }
0x75: {  	[sflag:s9] =	ssyncset.done $0x0  }
0x76: {  	[sflag:s9] =	ssyncadd.s32 $0xFFFFFFC0  }
0x77: {  	v1 =	vld [tilespmem:$0x30]  }
0x78: {  	v2 =	vld [tilespmem:$0x20]  }
0x79: {  	v3 =	vld [tilespmem:$0x0];
	_ =	sdelay $0x2  }
0x7a: {  	v4 =	vadd.s32 $0x2800, v1;
	v5 =	vadd.s32 $0x5000, v1;
	v1 =	vadd.s32 $0x7800, v1  }
0x7b: {  	v6 =	vld [tilespmem:$0x10];
	v7 =	vadd.s32 $0x2800, v2;
	v8 =	vadd.s32 $0x5000, v2;
	v2 =	vadd.s32 $0x7800, v2;
	[tilespmem:$0xB0] =	vst v4  }
0x7c: {  	v4 =	vadd.s32 $0x2800, v3;
	v9 =	vadd.s32 $0x5000, v3;
	v3 =	vadd.s32 $0x7800, v3;
	[tilespmem:$0x1B0] =	vst v1  }
0x7d: {  	[tilespmem:$0x130] =	vst v5  }
0x7e: {  	[tilespmem:$0x1A0] =	vst v2  }
0x7f: {  	[tilespmem:$0x100] =	vst v9  }
0x80: {  	v1 =	vadd.s32 $0x2800, v6;
	v2 =	vadd.s32 $0x5000, v6;
	v5 =	vadd.s32 $0x7800, v6;
	[tilespmem:$0x120] =	vst v8  }
0x81: {  	[tilespmem:$0x80] =	vst v4  }
0x82: {  	[tilespmem:$0xA0] =	vst v7  }
0x83: {  	[tilespmem:$0x190] =	vst v5  }
0x84: {  	[tilespmem:$0x180] =	vst v3  }
0x85: {  	[tilespmem:$0x110] =	vst v2  }
0x86: {  	[tilespmem:$0x90] =	vst v1  }
0x87: {  	[tilespmem:s11], [sflag:$0x1] =	stream.indirect.gather [hbm4b:s3+s10], $0x1, s2, s10, $0xb8;
	[tilespmem:$0x4E00] =	vst v63  }
0x88: {  	_ = 	snop  }
0x89: {  	[tilespmem:s13], [sflag:$0x1] =	stream.indirect.gather [hbm4b:s3+s10], $0x1, s12, s10, $0xb8;
	[tilespmem:$0x4E00] =	vst v63  }
0x8a: {  	_ = 	snop  }
0x8b: {  	[tilespmem:s15], [sflag:$0x1] =	stream.indirect.gather [hbm4b:s3+s10], $0x1, s14, s10, $0xb8;
	[tilespmem:$0x4E00] =	vst v63  }
0x8c: {  	_ = 	snop  }
0x8d: {  	[tilespmem:s17], [sflag:$0x1] =	stream.indirect.gather [hbm4b:s3+s10], $0x1, s16, s10, $0xb8;
	[tilespmem:$0x4E00] =	vst v63  }
0x8e: {  	_ =	swait.ge [sflag:s18], $0x40  }
0x8f: {  	[sflag:s18] =	ssyncset.done $0x0  }
0x90: {  	[sflag:s18] =	ssyncadd.s32 $0xFFFFFFC0  }
0x91: {  	_ =	swait.ge [sflag:s18], $0x40  }
0x92: {  	[sflag:s18] =	ssyncset.done $0x0  }
0x93: {  	[sflag:s18] =	ssyncadd.s32 $0xFFFFFFC0  }
0x94: {  	_ =	swait.ge [sflag:s18], $0x40  }
0x95: {  	[sflag:s18] =	ssyncset.done $0x0  }
0x96: {  	[sflag:s18] =	ssyncadd.s32 $0xFFFFFFC0  }
0x97: {  	_ =	swait.ge [sflag:s18], $0x40  }
0x98: {  	[sflag:s18] =	ssyncset.done $0x0  }
0x99: {  	[sflag:s18] =	ssyncadd.s32 $0xFFFFFFC0  }
0x9a: {  	v1 =	vld [tilespmem:$0x300]  }
0x9b: {  	v2 =	vld [tilespmem:$0x380];
	_ =	sdelay $0x3  }
0x9c: {  	v1 =	vadd.f32 $1.000000020e-16, v1  }
0x9d: {  	v2 =	vadd.f32 $1.000000020e-16, v2  }
0x9e: {  	(erf) = vrcp.f32 v1  }
0x9f: {  	(erf) = vrcp.f32 v2;
	_ =	sdelay $0x3  }
0xa0: {  	v1 =	vld [tilespmem:$0x280]  }
0xa1: {  	v2 =	vld [tilespmem:$0x200];
	_ =	sdelay $0x2  }
0xa2: {  	v3 =	vpop (erf)  }
0xa3: {  	v4 =	vpop (erf)  }
0xa4: {  	v2 =	vmul.f32 v3, v2;
	v1 =	vmul.f32 v4, v1;
	_ =	sdelay $0x1  }
0xa5: {  	v1 =	vadd.f32 v1, v2;
	_ =	sdelay $0x1  }
0xa6: {  	v1 =	vadd.f32 v1, v0;
	_ =	sdelay $0x1  }
0xa7: {  	[tilespmem:s21+$0xFFFFFFE0] =	vst v1  }
0xa8: {  	v1 =	vld [tilespmem:$0x310]  }
0xa9: {  	v2 =	vld [tilespmem:$0x390];
	_ =	sdelay $0x3  }
0xaa: {  	v1 =	vadd.f32 $1.000000020e-16, v1  }
0xab: {  	v2 =	vadd.f32 $1.000000020e-16, v2  }
0xac: {  	(erf) = vrcp.f32 v1  }
0xad: {  	(erf) = vrcp.f32 v2;
	_ =	sdelay $0x3  }
0xae: {  	v1 =	vld [tilespmem:$0x290]  }
0xaf: {  	v2 =	vld [tilespmem:$0x210];
	_ =	sdelay $0x2  }
0xb0: {  	v3 =	vpop (erf)  }
0xb1: {  	v4 =	vpop (erf)  }
0xb2: {  	v2 =	vmul.f32 v3, v2;
	v1 =	vmul.f32 v4, v1;
	_ =	sdelay $0x1  }
0xb3: {  	v1 =	vadd.f32 v1, v2;
	_ =	sdelay $0x1  }
0xb4: {  	v1 =	vadd.f32 v1, v0;
	_ =	sdelay $0x1  }
0xb5: {  	[tilespmem:s21+$0xFFFFFFF0] =	vst v1  }
0xb6: {  	v1 =	vld [tilespmem:$0x3A0]  }
0xb7: {  	v2 =	vld [tilespmem:$0x320]  }
0xb8: {  	v3 =	vld [tilespmem:$0x220]  }
0xb9: {  	v4 =	vld [tilespmem:$0x2A0];
	_ =	sdelay $0x1  }
0xba: {  	v1 =	vadd.f32 $1.000000020e-16, v1  }
0xbb: {  	v2 =	vadd.f32 $1.000000020e-16, v2  }
0xbc: {  	(erf) = vrcp.f32 v1  }
0xbd: {  	(erf) = vrcp.f32 v2;
	_ =	sdelay $0x7  }
0xbe: {  	v1 =	vpop (erf)  }
0xbf: {  	v2 =	vpop (erf)  }
0xc0: {  	v1 =	vmul.f32 v1, v4;
	v2 =	vmul.f32 v2, v3;
	_ =	sdelay $0x1  }
0xc1: {  	v1 =	vadd.f32 v1, v2;
	_ =	sdelay $0x1  }
0xc2: {  	v1 =	vadd.f32 v1, v0;
	_ =	sdelay $0x1  }
0xc3: {  	[tilespmem:s21+$0x0] =	vst v1  }
0xc4: {  	v3 =	vld [tilespmem:$0x330]  }
0xc5: {  	v4 =	vld [tilespmem:$0x3B0]  }
0xc6: {  	v1 =	vld [tilespmem:$0x230]  }
0xc7: {  	v2 =	vld [tilespmem:$0x2B0]  }
.Ltmp0:
0xc8: {  	(pc) =	sbr.rel @p0 .LBB2_2-.Ltmp0, $4  }
0xc9: {  	v3 =	vadd.f32 $1.000000020e-16, v3  }
0xca: {  	v4 =	vadd.f32 $1.000000020e-16, v4  }
0xcb: {  	(erf) = vrcp.f32 v3  }
0xcc: {  	(erf) = vrcp.f32 v4  }
0xcd: {  	_ =	sdelay $0x6  }
0xce: {  	v3 =	vpop (erf)  }
0xcf: {  	v4 =	vpop (erf)  }
0xd0: {  	v1 =	vmul.f32 v3, v1;
	v2 =	vmul.f32 v4, v2;
	_ =	sdelay $0x1  }
0xd1: {  	v1 =	vadd.f32 v2, v1;
	_ =	sdelay $0x1  }
0xd2: {  	s20 =	sadd.s32 $0x1, s20;
	v0 =	vadd.f32 v1, v0  }
0xd3: {  	p0 =	sne.s32 s20, s6  }
.Ltmp1:
0xd4: {  	[tilespmem:s22+$0x10] =	vst v0;
	(pc) =	sbr.rel @p0 .LBB2_1-.Ltmp1, $4  }
0xd5: {  	[hbm4b:s5+s2] =	stream.linear.scatter [tilespmem:s19], [sflag:$0x2], $0x4940, $0x38;
	[tilespmem:$0x4E00] =	vst v63  }
0xd6: {  	_ =	swait.ge [sflag:s9], $0x4940  }
0xd7: {  	[sflag:s9] =	ssyncset.done $0x0  }
0xd8: {  	[sflag:s9] =	ssyncadd.s32 $0xFFFFB6C0  }
0xd9: {  	_ =	sfence.sel $0x180000  }
0xda: {  	[bflag:$0x0] =	sbarrier.arrive $0xFFFF  }
0xdb: {  	p0 =	sne.s32 s1, $0x0;
	_ =	strace $0x9000004A  }
0xdc: {  	s0 =	sadd.s32 @!p0 $0x100000, s0;
	[bflag:$0x2] =	sbarrier.arrive $0xFFFF  }
0xdd: {  	[sflag:s0] =	ssyncadd.tile.s32 @!p0 $0x1;
	_ =	shalt  }
.Lfunc_end2:
_tile_overlayer_lowered:
.L_overlay_start_2:
0xde: {  	(tag) =	ssettag $0x2  }
0xdf: {  	s0 =	rddreg [dreg:$0x0];
	s2 =	stileid.u32  }
0xe0: {  	s1 =	rddreg [dreg:$0x1];
	p0 =	sne.s32 s2, $0x0  }
0xe1: {  	s3 =	rddreg [dreg:$0x2];
	[bflag:$0x3] =	sbarrier.arrive $0xFFFF;
	s2 =	simm.s32 @!p0 $0x1C02  }
0xe2: {  	[timem:s3], [sflag:s2] =	dma.local @!p0 [hbm:s0], s1  }
0xe3: {  	s0 =	simm.s32 @!p0 $0x2  }
0xe4: {  	_ =	swait.ge @!p0 [sflag:s0], s1  }
0xe5: {  	s1 =	ssub.s32 @!p0 $0x0, s1;
	[sflag:s0] =	ssyncset.done @!p0 $0x0  }
0xe6: {  	[sflag:s0] =	ssyncadd.s32 @!p0 s1  }
0xe7: {  	[bflag:$0x3] =	sbarrier.arrive $0xFFFF  }
0xe8: {  	_ =	shalt  }

// kernel: kernel.7.cloned.1.call-start
scs
__scs_entry_jumppad:
0x0: {  	(pc) =	sbr.rel $0x88, $3  }
0x1: {  	(tag) =	ssettag $0x0;
	lr =	simm.s32 $0x1  }
0x2: {  	[smem:$0x3F92] =	sst lr;
	_ =	strace $0xD0000000  }
0x3: {  	_ = 	snop  }
0x4: {  	_ = 	snop  }
0x5: {  	_ = 	snop  }
0x6: {  	_ = 	snop  }
0x7: {  	_ = 	snop  }
__scs_overlays_trampoline_lowered:
0x8: {  	[smem:$0x3FA1] =	sst s0  }
0x9: {  	[smem:$0x3FA2] =	sst s1  }
0xa: {  	[smem:$0x3FA3] =	sst s2  }
0xb: {  	[smem:$0x3FA4] =	sst s3  }
0xc: {  	[smem:$0x3FA5] =	sst s4  }
0xd: {  	[smem:$0x3FA6] =	sst s5  }
0xe: {  	[smem:$0x3FA7] =	sst s6  }
0xf: {  	[smem:$0x3FA8] =	sst s7  }
0x10: {  	[smem:$0x3FA9] =	sst s8  }
0x11: {  	[smem:$0x3FAA] =	sst s9;
	s0 =	simm.s32 @!p0 $0x0  }
0x12: {  	s1 =	sld [smem:$0x3F90];
	s0 =	simm.s32 @p0 $0x1  }
0x13: {  	[smem:$0x3FAB] =	sst s0;
	s0 =	simm.s32 @!p1 $0x0  }
0x14: {  	s2 =	sld [smem:$0x3F8F];
	s0 =	simm.s32 @p1 $0x1  }
0x15: {  	[smem:$0x3FAC] =	sst s0;
	s0 =	simm.s32 @!p2 $0x0  }
0x16: {  	s3 =	sld [smem:$0x3FDB];
	s0 =	simm.s32 @p2 $0x1  }
0x17: {  	s4 =	simm.s32 $0x1BF5;
	[smem:$0x3FAE] =	sst s0  }
0x18: {  	s0 =	sld [smem:$0x3F91];
	_ =	swait.ge [sflag:s4], $0x0  }
0x19: {  	s7 =	sld [smem:$0x3F92]  }
0x1a: {  	s8 =	sadd.s32 $0xFFFFE003, lr  }
0x1b: {  	s9 =	sadd.s32 $0xFFFFFEF7, lr;
	s5 =	simm.s32 $0xFFFFFFFF;
	p2 =	slt.u32 s8, $0xFFFFF086  }
0x1c: {  	p1 =	slt.u32 s9, $0xF7A;
	s5 =	simm.s32 @!p2 $0x0  }
0x1d: {  	s5 =	simm.s32 @p1 $0x1;
	p0 =	seq.s32 s7, s2  }
0x1e: {  	s7 =	smul.u32 @!p0 $0xF7A, s2;
	p2 =	seq.s32 @!p0 s5, $0x0  }
0x1f: {  	s9 =	smul.u32 $0xF7A, s1;
	s8 =	simm.s32 @!p0 $0x1BF5;
	p2 =	por !p2, p0  }
0x20: {  	[sflag:s8] =	ssyncset.s32 @!p0 $0xFFFFF086;
	s6 =	sadd.s32 @!p0 s3, s7;
	s7 =	simm.s32 @!p0 $0x108  }
0x21: {  	s3 =	sadd.s32 s3, s9;
	s6 =	sadd.s32 @!p0 $0x88, s6;
	s7 =	simm.s32 @p2 $0x1082  }
0x22: {  	[simem:s7], [sflag:s8] =	dma.local @!p0 [hbm:s6], $0xF7A  }
0x23: {  	s9 =	sor.u32 $0xD0000000, s2;
	s6 =	simm.s32 $0x108;
	_ =	swait.ge @!p0 [sflag:s8], $0x0  }
0x24: {  	s3 =	sadd.s32 $0x88, s3;
	s6 =	simm.s32 @!p1 $0x1082;
	[sflag:s4] =	ssyncset.s32 $0xFFFFF086  }
0x25: {  	[simem:s6], [sflag:s4] =	dma.local [hbm:s3], $0xF7A  }
0x26: {  	[smem:$0x3F92] =	sst s1;
	(tag) =	ssettag s2;
	_ =	strace s9  }
0x27: {  	s1 =	sld [smem:$0x3FA2]  }
0x28: {  	s2 =	sld [smem:$0x3FA3]  }
0x29: {  	s4 =	sld [smem:$0x3FA5]  }
0x2a: {  	p0 =	seq.s32 s5, $0x0;
	s5 =	sld [smem:$0x3FA6]  }
0x2b: {  	s6 =	sld [smem:$0x3FA7]  }
0x2c: {  	s7 =	sld [smem:$0x3FA8]  }
0x2d: {  	s3 =	simm.s32 $0x108;
	s8 =	sld [smem:$0x3FA9]  }
0x2e: {  	s3 =	simm.s32 @!p0 $0x1082;
	s9 =	sld [smem:$0x3FAA]  }
0x2f: {  	lr =	sadd.s32 s0, s3;
	s0 =	sld [smem:$0x3FA1]  }
0x30: {  	s3 =	sld [smem:$0x3FA4]  }
0x31: {  	[smem:$0x3FAD] =	sst s10  }
0x32: {  	s10 =	sld [smem:$0x3FAB];
	_ =	sdelay $0x3  }
0x33: {  	p0 =	seq.s32 s10, $0x1;
	s10 =	sld [smem:$0x3FAD];
	_ =	sdelay $0x3  }
0x34: {  	[smem:$0x3FAD] =	sst s10  }
0x35: {  	s10 =	sld [smem:$0x3FAC];
	_ =	sdelay $0x3  }
0x36: {  	p1 =	seq.s32 s10, $0x1;
	s10 =	sld [smem:$0x3FAD];
	_ =	sdelay $0x3  }
0x37: {  	[smem:$0x3FAD] =	sst s10  }
0x38: {  	s10 =	sld [smem:$0x3FAE]  }
0x39: {  	_ = 	snop;
	(pc) =	sbr.ind lr, $3  }
0x3a: {  	_ = 	snop  }
0x3b: {  	_ = 	snop  }
0x3c: {  	p2 =	seq.s32 s10, $0x1;
	s10 =	sld [smem:$0x3FAD]  }
0x3d: {  	_ =	shalt  }
0x3e: {  	_ =	shalt  }
0x3f: {  	_ =	shalt  }
0x40: {  	_ =	shalt  }
0x41: {  	_ =	shalt  }
0x42: {  	_ =	shalt  }
0x43: {  	_ =	shalt  }
0x44: {  	_ =	shalt  }
0x45: {  	_ =	shalt  }
0x46: {  	_ =	shalt  }
0x47: {  	_ =	shalt  }
0x48: {  	_ =	shalt  }
0x49: {  	_ =	shalt  }
0x4a: {  	_ =	shalt  }
0x4b: {  	_ =	shalt  }
0x4c: {  	_ =	shalt  }
0x4d: {  	_ =	shalt  }
0x4e: {  	_ =	shalt  }
0x4f: {  	_ =	shalt  }
0x50: {  	_ =	shalt  }
0x51: {  	_ =	shalt  }
0x52: {  	_ =	shalt  }
0x53: {  	_ =	shalt  }
0x54: {  	_ =	shalt  }
0x55: {  	_ =	shalt  }
0x56: {  	_ =	shalt  }
0x57: {  	_ =	shalt  }
0x58: {  	_ =	shalt  }
0x59: {  	_ =	shalt  }
0x5a: {  	_ =	shalt  }
0x5b: {  	_ =	shalt  }
0x5c: {  	_ =	shalt  }
0x5d: {  	_ =	shalt  }
0x5e: {  	_ =	shalt  }
0x5f: {  	_ =	shalt  }
0x60: {  	_ =	shalt  }
0x61: {  	_ =	shalt  }
0x62: {  	_ =	shalt  }
0x63: {  	_ =	shalt  }
0x64: {  	_ =	shalt  }
0x65: {  	_ =	shalt  }
0x66: {  	_ =	shalt  }
0x67: {  	_ =	shalt  }
0x68: {  	_ =	shalt  }
0x69: {  	_ =	shalt  }
0x6a: {  	_ =	shalt  }
0x6b: {  	_ =	shalt  }
0x6c: {  	_ =	shalt  }
0x6d: {  	_ =	shalt  }
0x6e: {  	_ =	shalt  }
0x6f: {  	_ =	shalt  }
0x70: {  	_ =	shalt  }
0x71: {  	_ =	shalt  }
0x72: {  	_ =	shalt  }
0x73: {  	_ =	shalt  }
0x74: {  	_ =	shalt  }
0x75: {  	_ =	shalt  }
0x76: {  	_ =	shalt  }
0x77: {  	_ =	shalt  }
0x78: {  	_ =	shalt  }
0x79: {  	_ =	shalt  }
0x7a: {  	_ =	shalt  }
0x7b: {  	_ =	shalt  }
0x7c: {  	_ =	shalt  }
0x7d: {  	_ =	shalt  }
0x7e: {  	_ =	shalt  }
0x7f: {  	_ =	shalt  }
0x80: {  	_ =	shalt  }
0x81: {  	_ =	shalt  }
0x82: {  	_ =	shalt  }
0x83: {  	_ =	shalt  }
0x84: {  	_ =	shalt  }
0x85: {  	_ =	shalt  }
0x86: {  	_ =	shalt  }
0x87: {  	_ =	shalt  }
.Lfunc_end0:
.L_simem_size_0:
called_computation_lowered:
.L_overlay_start_0:
0x88: {  	s2 =	sld [smem:$0x3FD9]  }
0x89: {  	s3 =	sld [smem:$0x3FFE];
	_ =	sdelay $0x1  }
0x8a: {  	s1 =	srdreg.scid  }
0x8b: {  	s0 =	sand.u32 $0x1, s1  }
0x8c: {  	s17 =	sshll.u32 s0, $0xA;
	s2 =	sadd.s32 s3, s2  }
0x8d: {  	s2 =	sadd.s32 s2, s17  }
0x8e: {  	[smem:$0x3FB9] =	sst s2  }
0x8f: {  	_ = 	snop  }
0x90: {  	s2 =	sld [smem:$0x3FD0];
	(tm) =	ssettm $0x1  }
0x91: {  	s18 =	sld [smem:$0x3FFB];
	_ =	sdelay $0x3  }
0x92: {  	_ =	strace s18  }
0x93: {  	s3 =	sld [smem:$0x3FFC];
	_ =	sdelay $0x3  }
0x94: {  	_ =	strace s3  }
0x95: {  	s3 =	sld [smem:$0x3FFD];
	_ =	sdelay $0x3  }
0x96: {  	_ =	strace s3  }
0x97: {  	_ =	strace $0x8FFFFFFF  }
0x98: {  	s19 =	sld [smem:$0x3FDB];
	_ =	sdelay $0x1  }
0x99: {  	s4 =	simm.s32 $_scs_section_size  }
0x9a: {  	s5 =	simm.s32 $_size__tile_overlayer_lowered;
	s6 =	simm.s32 $_tile_overlayer_lowered  }
0x9b: {  	s22 =	simm.s32 $0x1BFF;
	s21 =	sshll.u32 s6, $0x1;
	s3 =	sadd.s32 s4, s19  }
0x9c: {  	s7 =	simm.s32 $0x0;
	s20 =	sshll.u32 s5, $0x1;
	s5 =	sadd.s32 s21, s3  }
0x9d: {  	[timem:s7], [sflag:s22] =	dma.local [hbm:s5], s20  }
0x9e: {  	_ =	swait.ge [sflag:s22], s20  }
0x9f: {  	s4 =	ssub.s32 $0x0, s20;
	[sflag:s22] =	ssyncset.done $0x0  }
0xa0: {  	[sflag:s22] =	ssyncadd.s32 s4;
	_ =	sdelay $0x1  }
0xa1: {  	s23 =	simm.s32 $0x1B8B  }
0xa2: {  	_ =	swait.ge [sflag:s23], $0x1  }
0xa3: {  	[sflag:s23] =	ssyncset.done $0x0  }
0xa4: {  	s25 =	simm.s32 $0x1B8E;
	s24 =	sld [smem:$0x3FFE];
	[sflag:s23] =	ssyncadd.s32 $0xFFFFFFFF  }
0xa5: {  	s26 =	simm.s32 $execute0_lowered;
	[smem:$0x3FD2] =	sst s25  }
0xa6: {  	s5 =	sshll.u32 s26, $0x1;
	_ =	strace $0x80000046;
	[dreg:$0x1] =	wrdreg $0xFFFFFFFF  }
0xa7: {  	s28 =	simm.s32 $_size_execute0_lowered;
	s3 =	sadd.s32 s3, s5;
	[dreg:$0x0] =	wrdreg $0x0  }
0xa8: {  	s5 =	sshll.u32 s28, $0x1;
	[dreg:$0x2] =	wrdreg s3  }
0xa9: {  	[dreg:$0x3] =	wrdreg s5  }
0xaa: {  	[dreg:$0x4] =	wrdreg $0xC0  }
0xab: {  	_ =	task [dreg:s7], $0x5FFFF  }
0xac: {  	[dreg:$0x1] =	wrdreg $0xFFFFFFFF  }
0xad: {  	[dreg:$0x0] =	wrdreg $0x60  }
0xae: {  	[dreg:$0x2] =	wrdreg s24  }
0xaf: {  	[dreg:$0x3] =	wrdreg s2  }
0xb0: {  	[dreg:$0x4] =	wrdreg $0x43800  }
0xb1: {  	[dreg:$0x5] =	wrdreg $0x17F800  }
0xb2: {  	[dreg:$0x6] =	wrdreg $0x9  }
0xb3: {  	_ =	task.clear_ibuf [dreg:s7], $0x7FFFF;
	_ =	strace $0x90000046  }
0xb4: {  	s29 =	simm.s32 $0x9;
	_ =	strace $0x80000048  }
0xb5: {  	_ =	swait.ge [sflag:s29], $0x1  }
0xb6: {  	[sflag:s29] =	ssyncadd.s32 $0xFFFFFFFF  }
0xb7: {  	_ =	strace $0x90000048  }
0xb8: {  	_ =	sfence  }
0xb9: {  	s30 =	sld [smem:$0x0];
	_ =	sdelay $0x2  }
0xba: {  	s31 =	sshll.u32 s1, $0xD;
	s1 =	sshrl.u32 s1, $0x2  }
0xbb: {  	s3 =	sand.u32 $0x4000, s31;
	s1 =	sadd.s32 s1, s30  }
0xbc: {  	s0 =	sor.u32 s3, s0;
	s1 =	sshll.u32 s1, $0x11  }
0xbd: {  	s0 =	sor.u32 s1, s0  }
0xbe: {  	s0 =	sadd.s32 $0x8F2B, s0  }
0xbf: {  	[sflag:s0] =	ssyncadd.remote.s32 $0x1  }
0xc0: {  	_ =	sfence.sel $0xFFFF  }
0xc1: {  	[dreg:$0x0] =	wrdreg $0xFFFFFFFF;
	(pc) =	sbr.abs _section_cstart, $3  }
0xc2: {  	[dreg:$0x1] =	wrdreg $0xFFFFFFFF  }
0xc3: {  	_ =	task.clear_ibuf [dreg:s7], $0x2FFFF;
	_ =	strace $0x9FFFFFFF  }
0xc4: {  	(tm) =	ssettm $0x7FFFFFFF  }
0xc5: {  	_ =	shalt  }
tec
execute0_lowered:
.L_overlay_start_1:
0x0: {  	(tag) =	ssettag $0x1  }
0x1: {  	s0 =	rddreg [dreg:$0x0]  }
0x2: {  	s3 =	rddreg [dreg:$0x1]  }
0x3: {  	s1 =	rddreg [dreg:$0x2]  }
0x4: {  	s2 =	rddreg [dreg:$0x3]  }
0x5: {  	s4 =	srdreg.scid;
	s5 =	simm.s32 $0x0;
	s14 =	stileid.u32  }
0x6: {  	s4 =	sand.u32 $0x1, s4;
	[smem:$0x7FF] =	sst s5;
	s10 =	smul.u32 $0x13C00, s14  }
0x7: {  	s5 =	sadd.s32 $0x4F200, s0;
	s6 =	sadd.s32 $0x28000, s0;
	s11 =	smul.u32 $0x4F000, s14  }
0x8: {  	s7 =	sadd.s32 $0x15A00, s0;
	s8 =	sadd.s32 $0x3400, s0;
	s12 =	sadd.s32 $0x3200, s0  }
0x9: {  	s9 =	smul.u32 $0x13C000, s4;
	_ =	strace $0x80000047;
	s11 =	sshrl.u32 s11, $0x2  }
0xa: {  	s24 =	sshll.u32 s4, $0x4;
	[dreg:$0x5] =	wrdreg s12;
	s11 =	sadd.s32 s11, s1  }
0xb: {  	s26 =	ssub.s32 $0x2, s4;
	s4 =	smul.u32 $0x5000, s4;
	s15 =	sadd.s32 $0x2000, s11  }
0xc: {  	s25 =	sor.u32 s14, s24;
	s16 =	sadd.s32 $0x4000, s11;
	[dreg:$0x6] =	wrdreg s15  }
0xd: {  	s13 =	sshrl.u32 s26, $0x1;
	s17 =	sadd.s32 $0x6000, s11;
	[dreg:$0x7] =	wrdreg s16  }
0xe: {  	s14 =	smul.u32 $0x500, s14;
	s18 =	sadd.s32 $0x8000, s11;
	[dreg:$0x8] =	wrdreg s17  }
0xf: {  	s9 =	sadd.s32 s10, s9;
	s19 =	sadd.s32 $0xA000, s11;
	[dreg:$0x9] =	wrdreg s18  }
0x10: {  	s10 =	smul.u32 $0x4940, s25;
	s20 =	sadd.s32 $0xC000, s11;
	[dreg:$0xa] =	wrdreg s19  }
0x11: {  	s13 =	ssub.s32 s26, s13;
	s21 =	sadd.s32 $0xE000, s11;
	[dreg:$0xb] =	wrdreg s20  }
0x12: {  	s9 =	sshrl.u32 s9, $0x3;
	s22 =	sadd.s32 $0x10000, s11;
	[dreg:$0xc] =	wrdreg s21  }
0x13: {  	s4 =	sadd.s32 s14, s4;
	s23 =	sadd.s32 $0x12000, s11;
	[dreg:$0xd] =	wrdreg s22  }
0x14: {  	s25 =	smax.u32 s13, $0x1;
	s4 =	sshrl.u32 s4, $0x3;
	[dreg:$0xe] =	wrdreg s23  }
0x15: {  	s21 =	sadd.s32 s14, s2;
	[dreg:$0x12] =	wrdreg s25;
	s3 =	sadd.s32 s3, s4  }
0x16: {  	s0 =	sadd.s32 s9, s0;
	s24 =	sadd.s32 $0x40, s21;
	[dreg:$0xf] =	wrdreg s3  }
0x17: {  	s0 =	sadd.s32 $0xEB600, s0;
	[dreg:$0x10] =	wrdreg s24  }
0x18: {  	s26 =	sadd.s32 $0x80, s21;
	[dreg:$0x11] =	wrdreg s0  }
0x19: {  	s4 =	sadd.s32 $0x100, s21;
	[dreg:$0x13] =	wrdreg s26  }
0x1a: {  	s9 =	sadd.s32 $0x140, s21;
	[dreg:$0x15] =	wrdreg s4  }
0x1b: {  	s12 =	sadd.s32 $0x180, s21;
	[dreg:$0x16] =	wrdreg s9  }
0x1c: {  	s13 =	sadd.s32 $0x1C0, s21;
	[dreg:$0x17] =	wrdreg s12  }
0x1d: {  	s14 =	sadd.s32 $0x200, s21;
	[dreg:$0x18] =	wrdreg s13  }
0x1e: {  	v0 =	vimm.s32 $0xEFCDAB89;
	s15 =	sadd.s32 $0x240, s21;
	[dreg:$0x19] =	wrdreg s14  }
0x1f: {  	v1 =	vimm.s32 $0x67452301;
	v2 =	vimm.s32 $0xDCFE98BA;
	s16 =	sadd.s32 $0x280, s21;
	[dreg:$0x1a] =	wrdreg s15  }
0x20: {  	v3 =	vimm.s32 $0x54761032;
	v4 =	vimm.s32 $0xBA98FEDC;
	s17 =	sadd.s32 $0x2C0, s21;
	[dreg:$0x1b] =	wrdreg s16  }
0x21: {  	v5 =	vimm.s32 $0x32107654;
	v6 =	vimm.s32 $0xFEDCBA98;
	s28 =	simm.s32 $0x200;
	s18 =	sadd.s32 $0x300, s21;
	[dreg:$0x1c] =	wrdreg s17  }
0x22: {  	v7 =	vimm.s32 $0x76543210;
	s29 =	simm.s32 $0x1;
	v0 =	vunpack.c.l.s4.s8 v0;
	v1 =	vunpack.c.l.s4.s8 v1;
	s19 =	sadd.s32 $0x340, s21;
	[dreg:$0x1d] =	wrdreg s18  }
0x23: {  	s30 =	simm.s32 $0x100;
	v2 =	vunpack.c.l.s4.s8 v2;
	v3 =	vunpack.c.l.s4.s8 v3;
	v4 =	vunpack.c.l.s4.s8 v4;
	s20 =	sadd.s32 $0x380, s21;
	[dreg:$0x1e] =	wrdreg s19  }
0x24: {  	s31 =	simm.s32 $0x180;
	v5 =	vunpack.c.l.s4.s8 v5;
	v6 =	vunpack.c.l.s4.s8 v6;
	v0 =	vunpack.c.0.s8.s32 v0;
	s22 =	sadd.s32 $0x3C0, s21;
	[dreg:$0x1f] =	wrdreg s20  }
0x25: {  	v1 =	vunpack.c.0.s8.s32 v1;
	v2 =	vunpack.c.0.s8.s32 v2;
	v3 =	vunpack.c.0.s8.s32 v3;
	s23 =	sadd.s32 $0x400, s21;
	s25 =	sadd.s32 $0x480, s21;
	[smem:$0x7F9] =	sst s22  }
0x26: {  	v7 =	vunpack.c.l.s4.s8 v7;
	v4 =	vunpack.c.0.s8.s32 v4;
	v5 =	vunpack.c.0.s8.s32 v5;
	s3 =	sadd.s32 $0xC0, s21;
	[smem:$0x7FA] =	sst s23;
	s24 =	sadd.s32 $0x440, s21  }
0x27: {  	v1 =	vcombine.low v1, v0;
	v2 =	vcombine.low v3, v2;
	v3 =	vunpack.c.0.s8.s32 v6;
	[smem:$0x7FC] =	sst s25;
	s26 =	sadd.s32 $0x4C0, s21;
	s22 =	simm.s32 $0x2  }
0x28: {  	v4 =	vcombine.low v5, v4;
	v0 =	vimm.f32 $0.0e+00;
	v5 =	vunpack.c.0.s8.s32 v7;
	s23 =	simm.s32 $0x2200;
	s25 =	simm.s32 $0x80;
	[dreg:$0x14] =	wrdreg s3  }
0x29: {  	v1 =	vand.u32 $0xF, v1;
	v2 =	vand.u32 $0xF, v2;
	v6 =	vand.u32 $0xF, v3;
	s0 =	simm.s32 $0x4280;
	s4 =	simm.s32 $0x0;
	[smem:$0x7FB] =	sst s24  }
0x2a: {  	v3 =	vand.u32 $0xF, v4;
	v4 =	vcombine.low v6, v5;
	v5 =	vlaneseq.u32;
	[smem:$0x7FD] =	sst s26;
	s24 =	simm.s32 $0x4200;
	s26 =	simm.s32 $0x40  }
.LBB2_1:
0x2b: {  	s3 =	simm.s32 $0x0;
	s9 =	rddreg [dreg:$0x5];
	s12 =	simm.s32 $0x4300  }
0x2c: {  	[tilespmem:s12], [sflag:$0x2] =	stream.linear.gather [hbm4b:s9+s3], $0x80, $0x38;
	[tilespmem:$0x18480] =	vst v63  }
0x2d: {  	_ =	swait.ge [sflag:s22], $0x80  }
0x2e: {  	[sflag:s22] =	ssyncset.done $0x0  }
0x2f: {  	s3 =	simm.s32 $0x0;
	s9 =	simm.s32 $0x200;
	[sflag:s22] =	ssyncadd.s32 $0xFFFFFF80  }
.LBB2_2:
0x30: {  	p0 =	sne.s32 s9, $0x7E00;
	[tilespmem:s3+$0x2270] =	vst v0  }
0x31: {  	[tilespmem:s3+$0x2200] =	vst v0  }
0x32: {  	[tilespmem:s3+$0x2210] =	vst v0  }
.Ltmp0:
0x33: {  	[tilespmem:s3+$0x2220] =	vst v0;
	(pc) =	sbr.rel @p0 .LBB2_2-.Ltmp0, $4  }
0x34: {  	[tilespmem:s3+$0x2230] =	vst v0  }
0x35: {  	[tilespmem:s3+$0x2240] =	vst v0  }
0x36: {  	[tilespmem:s3+$0x2250] =	vst v0  }
0x37: {  	[tilespmem:s3+$0x2260] =	vst v0;
	s3 =	sshra.s32 s9, $0x2;
	s9 =	sadd.s32 $0x200, s9  }
0x38: {  	[tilespmem:s3+$0x2270] =	vst v0  }
0x39: {  	[tilespmem:s3+$0x2200] =	vst v0  }
0x3a: {  	[tilespmem:s3+$0x2210] =	vst v0  }
0x3b: {  	[tilespmem:s3+$0x2220] =	vst v0  }
0x3c: {  	[tilespmem:s3+$0x2230] =	vst v0  }
0x3d: {  	[tilespmem:s3+$0x2240] =	vst v0  }
0x3e: {  	[tilespmem:s3+$0x2250] =	vst v0  }
0x3f: {  	[tilespmem:s3+$0x2260] =	vst v0  }
0x40: {  	[tilespmem:$0x4200] =	vst v0  }
0x41: {  	[tilespmem:$0x4210] =	vst v0  }
0x42: {  	[tilespmem:$0x4220] =	vst v0  }
0x43: {  	[tilespmem:$0x4230] =	vst v0  }
0x44: {  	[spmem:s11] =	stream.linear.scatter [tilespmem:s23], [sflag:$0x2], $0x2000, $0x38;
	[tilespmem:$0x18480] =	vst v63  }
0x45: {  	_ =	swait.ge [sflag:s22], $0x2000  }
0x46: {  	[sflag:s22] =	ssyncset.done $0x0  }
0x47: {  	s13 =	rddreg [dreg:$0x6];
	[sflag:s22] =	ssyncadd.s32 $0xFFFFE000  }
0x48: {  	[spmem:s13] =	stream.linear.scatter [tilespmem:s23], [sflag:$0x2], $0x2000, $0x38;
	[tilespmem:$0x18480] =	vst v63  }
0x49: {  	_ =	swait.ge [sflag:s22], $0x2000  }
0x4a: {  	[sflag:s22] =	ssyncset.done $0x0  }
0x4b: {  	s14 =	rddreg [dreg:$0x7];
	[sflag:s22] =	ssyncadd.s32 $0xFFFFE000  }
0x4c: {  	[spmem:s14] =	stream.linear.scatter [tilespmem:s23], [sflag:$0x2], $0x2000, $0x38;
	[tilespmem:$0x18480] =	vst v63  }
0x4d: {  	_ =	swait.ge [sflag:s22], $0x2000  }
0x4e: {  	[sflag:s22] =	ssyncset.done $0x0  }
0x4f: {  	s15 =	rddreg [dreg:$0x8];
	[sflag:s22] =	ssyncadd.s32 $0xFFFFE000  }
0x50: {  	[spmem:s15] =	stream.linear.scatter [tilespmem:s23], [sflag:$0x2], $0x2000, $0x38;
	[tilespmem:$0x18480] =	vst v63  }
0x51: {  	_ =	swait.ge [sflag:s22], $0x2000  }
0x52: {  	[sflag:s22] =	ssyncset.done $0x0  }
0x53: {  	s16 =	rddreg [dreg:$0x9];
	[sflag:s22] =	ssyncadd.s32 $0xFFFFE000  }
0x54: {  	[spmem:s16] =	stream.linear.scatter [tilespmem:s23], [sflag:$0x2], $0x2000, $0x38;
	[tilespmem:$0x18480] =	vst v63  }
0x55: {  	_ =	swait.ge [sflag:s22], $0x2000  }
0x56: {  	[sflag:s22] =	ssyncset.done $0x0  }
0x57: {  	s17 =	rddreg [dreg:$0xa];
	[sflag:s22] =	ssyncadd.s32 $0xFFFFE000  }
0x58: {  	[spmem:s17] =	stream.linear.scatter [tilespmem:s23], [sflag:$0x2], $0x2000, $0x38;
	[tilespmem:$0x18480] =	vst v63  }
0x59: {  	_ =	swait.ge [sflag:s22], $0x2000  }
0x5a: {  	[sflag:s22] =	ssyncset.done $0x0  }
0x5b: {  	s18 =	rddreg [dreg:$0xb];
	[sflag:s22] =	ssyncadd.s32 $0xFFFFE000  }
0x5c: {  	[spmem:s18] =	stream.linear.scatter [tilespmem:s23], [sflag:$0x2], $0x2000, $0x38;
	[tilespmem:$0x18480] =	vst v63  }
0x5d: {  	_ =	swait.ge [sflag:s22], $0x2000  }
0x5e: {  	[sflag:s22] =	ssyncset.done $0x0  }
0x5f: {  	s19 =	rddreg [dreg:$0xc];
	[sflag:s22] =	ssyncadd.s32 $0xFFFFE000  }
0x60: {  	[spmem:s19] =	stream.linear.scatter [tilespmem:s23], [sflag:$0x2], $0x2000, $0x38;
	[tilespmem:$0x18480] =	vst v63  }
0x61: {  	_ =	swait.ge [sflag:s22], $0x2000  }
0x62: {  	[sflag:s22] =	ssyncset.done $0x0  }
0x63: {  	s20 =	rddreg [dreg:$0xd];
	[sflag:s22] =	ssyncadd.s32 $0xFFFFE000  }
0x64: {  	[spmem:s20] =	stream.linear.scatter [tilespmem:s23], [sflag:$0x2], $0x2000, $0x38;
	[tilespmem:$0x18480] =	vst v63  }
0x65: {  	_ =	swait.ge [sflag:s22], $0x2000  }
0x66: {  	[sflag:s22] =	ssyncset.done $0x0  }
0x67: {  	s9 =	rddreg [dreg:$0xe];
	[sflag:s22] =	ssyncadd.s32 $0xFFFFE000  }
0x68: {  	[spmem:s9] =	stream.linear.scatter [tilespmem:s23], [sflag:$0x2], $0x1C00, $0x38;
	[tilespmem:$0x18480] =	vst v63  }
0x69: {  	_ =	swait.ge [sflag:s22], $0x1C00  }
0x6a: {  	[sflag:s22] =	ssyncset.done $0x0  }
0x6b: {  	[sflag:s22] =	ssyncadd.s32 $0xFFFFE400  }
0x6c: {  	[spmem:s21] =	stream.linear.scatter [tilespmem:s24], [sflag:$0x2], $0x40, $0x38;
	[tilespmem:$0x18480] =	vst v63  }
0x6d: {  	_ =	swait.ge [sflag:s22], $0x40  }
0x6e: {  	[sflag:s22] =	ssyncset.done $0x0  }
0x6f: {  	s12 =	rddreg [dreg:$0x10];
	[sflag:s22] =	ssyncadd.s32 $0xFFFFFFC0  }
0x70: {  	[spmem:s12] =	stream.linear.scatter [tilespmem:s24], [sflag:$0x2], $0x40, $0x38;
	[tilespmem:$0x18480] =	vst v63  }
0x71: {  	_ =	swait.ge [sflag:s22], $0x40  }
0x72: {  	[sflag:s22] =	ssyncset.done $0x0  }
0x73: {  	s13 =	rddreg [dreg:$0x13];
	[sflag:s22] =	ssyncadd.s32 $0xFFFFFFC0  }
0x74: {  	[spmem:s13] =	stream.linear.scatter [tilespmem:s24], [sflag:$0x2], $0x40, $0x38;
	[tilespmem:$0x18480] =	vst v63  }
0x75: {  	_ =	swait.ge [sflag:s22], $0x40  }
0x76: {  	[sflag:s22] =	ssyncset.done $0x0  }
0x77: {  	s14 =	rddreg [dreg:$0x14];
	[sflag:s22] =	ssyncadd.s32 $0xFFFFFFC0  }
0x78: {  	[spmem:s14] =	stream.linear.scatter [tilespmem:s24], [sflag:$0x2], $0x40, $0x38;
	[tilespmem:$0x18480] =	vst v63  }
0x79: {  	_ =	swait.ge [sflag:s22], $0x40  }
0x7a: {  	[sflag:s22] =	ssyncset.done $0x0  }
0x7b: {  	s15 =	rddreg [dreg:$0x15];
	[sflag:s22] =	ssyncadd.s32 $0xFFFFFFC0  }
0x7c: {  	[spmem:s15] =	stream.linear.scatter [tilespmem:s24], [sflag:$0x2], $0x40, $0x38;
	[tilespmem:$0x18480] =	vst v63  }
0x7d: {  	_ =	swait.ge [sflag:s22], $0x40  }
0x7e: {  	[sflag:s22] =	ssyncset.done $0x0  }
0x7f: {  	s16 =	rddreg [dreg:$0x16];
	[sflag:s22] =	ssyncadd.s32 $0xFFFFFFC0  }
0x80: {  	[spmem:s16] =	stream.linear.scatter [tilespmem:s24], [sflag:$0x2], $0x40, $0x38;
	[tilespmem:$0x18480] =	vst v63  }
0x81: {  	_ =	swait.ge [sflag:s22], $0x40  }
0x82: {  	[sflag:s22] =	ssyncset.done $0x0  }
0x83: {  	s17 =	rddreg [dreg:$0x17];
	[sflag:s22] =	ssyncadd.s32 $0xFFFFFFC0  }
0x84: {  	[spmem:s17] =	stream.linear.scatter [tilespmem:s24], [sflag:$0x2], $0x40, $0x38;
	[tilespmem:$0x18480] =	vst v63  }
0x85: {  	_ =	swait.ge [sflag:s22], $0x40  }
0x86: {  	[sflag:s22] =	ssyncset.done $0x0  }
0x87: {  	s18 =	rddreg [dreg:$0x18];
	[sflag:s22] =	ssyncadd.s32 $0xFFFFFFC0  }
0x88: {  	[spmem:s18] =	stream.linear.scatter [tilespmem:s24], [sflag:$0x2], $0x40, $0x38;
	[tilespmem:$0x18480] =	vst v63  }
0x89: {  	_ =	swait.ge [sflag:s22], $0x40  }
0x8a: {  	[sflag:s22] =	ssyncset.done $0x0  }
0x8b: {  	s19 =	rddreg [dreg:$0x19];
	[sflag:s22] =	ssyncadd.s32 $0xFFFFFFC0  }
0x8c: {  	[spmem:s19] =	stream.linear.scatter [tilespmem:s24], [sflag:$0x2], $0x40, $0x38;
	[tilespmem:$0x18480] =	vst v63  }
0x8d: {  	_ =	swait.ge [sflag:s22], $0x40  }
0x8e: {  	[sflag:s22] =	ssyncset.done $0x0  }
0x8f: {  	s20 =	rddreg [dreg:$0x1a];
	[sflag:s22] =	ssyncadd.s32 $0xFFFFFFC0  }
0x90: {  	[spmem:s20] =	stream.linear.scatter [tilespmem:s24], [sflag:$0x2], $0x40, $0x38;
	[tilespmem:$0x18480] =	vst v63  }
0x91: {  	_ =	swait.ge [sflag:s22], $0x40  }
0x92: {  	[sflag:s22] =	ssyncset.done $0x0  }
0x93: {  	s9 =	rddreg [dreg:$0x1b];
	[sflag:s22] =	ssyncadd.s32 $0xFFFFFFC0  }
0x94: {  	[spmem:s9] =	stream.linear.scatter [tilespmem:s24], [sflag:$0x2], $0x40, $0x38;
	[tilespmem:$0x18480] =	vst v63  }
0x95: {  	_ =	swait.ge [sflag:s22], $0x40  }
0x96: {  	[sflag:s22] =	ssyncset.done $0x0  }
0x97: {  	s12 =	rddreg [dreg:$0x1c];
	[sflag:s22] =	ssyncadd.s32 $0xFFFFFFC0  }
0x98: {  	[spmem:s12] =	stream.linear.scatter [tilespmem:s24], [sflag:$0x2], $0x40, $0x38;
	[tilespmem:$0x18480] =	vst v63  }
0x99: {  	_ =	swait.ge [sflag:s22], $0x40  }
0x9a: {  	[sflag:s22] =	ssyncset.done $0x0  }
0x9b: {  	s13 =	rddreg [dreg:$0x1d];
	[sflag:s22] =	ssyncadd.s32 $0xFFFFFFC0  }
0x9c: {  	[spmem:s13] =	stream.linear.scatter [tilespmem:s24], [sflag:$0x2], $0x40, $0x38;
	[tilespmem:$0x18480] =	vst v63  }
0x9d: {  	_ =	swait.ge [sflag:s22], $0x40  }
0x9e: {  	[sflag:s22] =	ssyncset.done $0x0  }
0x9f: {  	s14 =	rddreg [dreg:$0x1e];
	[sflag:s22] =	ssyncadd.s32 $0xFFFFFFC0  }
0xa0: {  	[spmem:s14] =	stream.linear.scatter [tilespmem:s24], [sflag:$0x2], $0x40, $0x38;
	[tilespmem:$0x18480] =	vst v63  }
0xa1: {  	_ =	swait.ge [sflag:s22], $0x40  }
0xa2: {  	[sflag:s22] =	ssyncset.done $0x0  }
0xa3: {  	s15 =	rddreg [dreg:$0x1f];
	[sflag:s22] =	ssyncadd.s32 $0xFFFFFFC0  }
0xa4: {  	[spmem:s15] =	stream.linear.scatter [tilespmem:s24], [sflag:$0x2], $0x40, $0x38;
	[tilespmem:$0x18480] =	vst v63  }
0xa5: {  	_ =	swait.ge [sflag:s22], $0x40  }
0xa6: {  	s16 =	sld [smem:$0x7F9]  }
0xa7: {  	[sflag:s22] =	ssyncset.done $0x0  }
0xa8: {  	[sflag:s22] =	ssyncadd.s32 $0xFFFFFFC0  }
0xa9: {  	[spmem:s16] =	stream.linear.scatter [tilespmem:s24], [sflag:$0x2], $0x40, $0x38;
	[tilespmem:$0x18480] =	vst v63  }
0xaa: {  	_ =	swait.ge [sflag:s22], $0x40  }
0xab: {  	s17 =	sld [smem:$0x7FA]  }
0xac: {  	[sflag:s22] =	ssyncset.done $0x0  }
0xad: {  	[sflag:s22] =	ssyncadd.s32 $0xFFFFFFC0  }
0xae: {  	[spmem:s17] =	stream.linear.scatter [tilespmem:s24], [sflag:$0x2], $0x40, $0x38;
	[tilespmem:$0x18480] =	vst v63  }
0xaf: {  	_ =	swait.ge [sflag:s22], $0x40  }
0xb0: {  	s18 =	sld [smem:$0x7FB]  }
0xb1: {  	[sflag:s22] =	ssyncset.done $0x0  }
0xb2: {  	[sflag:s22] =	ssyncadd.s32 $0xFFFFFFC0  }
0xb3: {  	[spmem:s18] =	stream.linear.scatter [tilespmem:s24], [sflag:$0x2], $0x40, $0x38;
	[tilespmem:$0x18480] =	vst v63  }
0xb4: {  	_ =	swait.ge [sflag:s22], $0x40  }
0xb5: {  	s19 =	sld [smem:$0x7FC]  }
0xb6: {  	[sflag:s22] =	ssyncset.done $0x0  }
0xb7: {  	[sflag:s22] =	ssyncadd.s32 $0xFFFFFFC0  }
0xb8: {  	[spmem:s19] =	stream.linear.scatter [tilespmem:s24], [sflag:$0x2], $0x40, $0x38;
	[tilespmem:$0x18480] =	vst v63  }
0xb9: {  	_ =	swait.ge [sflag:s22], $0x40  }
0xba: {  	s20 =	sld [smem:$0x7FD]  }
0xbb: {  	[sflag:s22] =	ssyncset.done $0x0  }
0xbc: {  	[sflag:s22] =	ssyncadd.s32 $0xFFFFFFC0  }
0xbd: {  	[spmem:s20] =	stream.linear.scatter [tilespmem:s24], [sflag:$0x2], $0x40, $0x38;
	[tilespmem:$0x18480] =	vst v63  }
0xbe: {  	_ =	swait.ge [sflag:s22], $0x40  }
0xbf: {  	[sflag:s22] =	ssyncset.done $0x0  }
0xc0: {  	[sflag:s22] =	ssyncadd.s32 $0xFFFFFFC0  }
0xc1: {  	[bflag:$0x0] =	sbarrier.arrive $0xFFFF  }
0xc2: {  	v6 =	vld [tilespmem:$0x4300]  }
0xc3: {  	v7 =	vld [tilespmem:$0x4310]  }
0xc4: {  	v8 =	vld [tilespmem:$0x4320]  }
0xc5: {  	v9 =	vld [tilespmem:$0x4330]  }
0xc6: {  	v10 =	vld [tilespmem:$0x4340]  }
0xc7: {  	v11 =	vld [tilespmem:$0x4350]  }
0xc8: {  	v12 =	vld [tilespmem:$0x4360]  }
0xc9: {  	s3 =	simm.s32 $0x0;
	s9 =	simm.s32 $0x0;
	v13 =	vld [tilespmem:$0x4370]  }
.LBB2_4:
0xca: {  	s12 =	sshll.u32 s9, $0x6  }
0xcb: {  	s12 =	sadd.s32 s10, s12  }
0xcc: {  	s12 =	sshrl.u32 s12, $0x3  }
0xcd: {  	s13 =	sadd.s32 s7, s12  }
0xce: {  	[tilespmem:s3], [sflag:$0x2] =	stream.linear.gather [hbm4b:s13+s3], $0x40, $0x38;
	[tilespmem:$0x18480] =	vst v63  }
0xcf: {  	_ =	swait.ge [sflag:s22], $0x40  }
0xd0: {  	[sflag:s22] =	ssyncset.done $0x0  }
0xd1: {  	s12 =	sadd.s32 s8, s12;
	[sflag:s22] =	ssyncadd.s32 $0xFFFFFFC0  }
0xd2: {  	[tilespmem:s25], [sflag:$0x2] =	stream.linear.gather [hbm4b:s12+s3], $0x40, $0x38;
	[tilespmem:$0x18480] =	vst v63  }
0xd3: {  	_ =	swait.ge [sflag:s22], $0x40  }
0xd4: {  	[sflag:s22] =	ssyncset.done $0x0  }
0xd5: {  	[sflag:s22] =	ssyncadd.s32 $0xFFFFFFC0  }
0xd6: {  	[tilespmem:s28], [sflag:$0x1] =	stream.indirect.gather [hbm4b:s5+s26], $0x80, s3, s26, $0xb8;
	[tilespmem:$0x18480] =	vst v63  }
0xd7: {  	_ = 	snop  }
0xd8: {  	[tilespmem:s23], [sflag:$0x1] =	stream.indirect.gather [hbm4b:s6+s26], $0x80, s25, s26, $0xb8;
	[tilespmem:$0x18480] =	vst v63  }
0xd9: {  	_ =	swait.ge [sflag:s29], $0x2000  }
0xda: {  	[sflag:s29] =	ssyncset.done $0x0  }
0xdb: {  	[sflag:s29] =	ssyncadd.s32 $0xFFFFE000  }
0xdc: {  	_ =	swait.ge [sflag:s29], $0x2000  }
0xdd: {  	s19 =	simm.s32 $0x240;
	[sflag:s29] =	ssyncset.done $0x0  }
0xde: {  	s16 =	simm.s32 $0x2240;
	s14 =	simm.s32 $0x0;
	[sflag:s29] =	ssyncadd.s32 $0xFFFFE000  }
.LBB2_5:
0xdf: {  	s15 =	sshll.u32 s14, $0x4  }
0xe0: {  	v14 =	vld [tilespmem:s15+$0x80];
	_ =	sdelay $0x4  }
0xe1: {  	[tilespmem:s15+$0x100] =	vst v14;
	v14 =	vadd.s32 $0x2800, v14  }
0xe2: {  	[tilespmem:s15+$0x180] =	vst v14  }
0xe3: {  	v14 =	vld [tilespmem:s16+$0xFFFFFFC0]  }
0xe4: {  	v19 =	vld [tilespmem:s19+$0xFFFFFFC0]  }
0xe5: {  	v15 =	vld [tilespmem:s16+$0xFFFFFFD0]  }
0xe6: {  	v20 =	vld [tilespmem:s19+$0xFFFFFFD0]  }
0xe7: {  	v16 =	vld [tilespmem:s16+$0xFFFFFFE0]  }
0xe8: {  	v21 =	vld [tilespmem:s19+$0xFFFFFFE0]  }
0xe9: {  	v17 =	vld [tilespmem:s16+$0xFFFFFFF0];
	v14 =	vadd.f32 v14, v19  }
0xea: {  	v24 =	vld [tilespmem:s19+$0xFFFFFFF0]  }
0xeb: {  	v18 =	vadd.f32 v15, v20;
	v15 =	vmul.f32 $2.000000030e-01, v14  }
0xec: {  	v22 =	vld [tilespmem:s16+$0x0];
	vm0 =	vge.f32 v14, $0.0e+00  }
0xed: {  	v26 =	vld [tilespmem:s16+$0x10];
	v16 =	vadd.f32 v16, v21;
	v23 =	vmul.f32 $2.000000030e-01, v18;
	v15 =	vsel vm0, v14, v15  }
0xee: {  	v14 =	vld [tilespmem:s19+$0x0];
	vm0 =	vge.f32 v18, $0.0e+00;
	v25 =	vmul.f32 v15, v6  }
0xef: {  	v17 =	vadd.f32 v17, v24;
	v15 =	vld [tilespmem:s19+$0x10];
	v18 =	vsel vm0, v18, v23;
	v23 =	vmul.f32 $2.000000030e-01, v16  }
0xf0: {  	v27 =	vld [tilespmem:s16+$0x20];
	vm0 =	vge.f32 v16, $0.0e+00;
	v18 =	vmul.f32 v18, v7;
	v25 =	vadd.f32 $0.0e+00, v25  }
0xf1: {  	v56 =	vld [tilespmem:s16+$0x30];
	v28 =	vmul.f32 $2.000000030e-01, v17;
	v23 =	vsel vm0, v16, v23  }
0xf2: {  	v16 =	vld [tilespmem:s19+$0x20];
	vm0 =	vge.f32 v17, $0.0e+00;
	v23 =	vmul.f32 v23, v8;
	v25 =	vadd.f32 v18, v25  }
0xf3: {  	v17 =	vsel vm0, v17, v28;
	v22 =	vadd.f32 v22, v14;
	v18 =	vld [tilespmem:s19+$0x30]  }
0xf4: {  	v17 =	vmul.f32 v17, v9;
	v26 =	vadd.f32 v26, v15;
	v23 =	vadd.f32 v23, v25  }
0xf5: {  	v57 =	vmul.f32 $2.000000030e-01, v22  }
0xf6: {  	vm0 =	vge.f32 v22, $0.0e+00;
	v58 =	vmul.f32 $2.000000030e-01, v26;
	v17 =	vadd.f32 v17, v23  }
0xf7: {  	v23 =	vadd.f32 v27, v16;
	v22 =	vsel vm0, v22, v57;
	vm0 =	vge.f32 v26, $0.0e+00  }
0xf8: {  	v22 =	vmul.f32 v22, v10;
	v25 =	vadd.f32 v56, v18;
	v59 =	vperm.xlane v17, v1  }
0xf9: {  	v26 =	vsel vm0, v26, v58;
	v29 =	vmul.f32 $2.000000030e-01, v23;
	vm0 =	vge.f32 v23, $0.0e+00  }
0xfa: {  	v26 =	vmul.f32 v26, v11;
	v22 =	vadd.f32 $0.0e+00, v22;
	v17 =	vadd.f32 v59, v17  }
0xfb: {  	v60 =	vmul.f32 $2.000000030e-01, v25;
	v23 =	vsel vm0, v23, v29;
	vm0 =	vge.f32 v25, $0.0e+00  }
0xfc: {  	v22 =	vadd.f32 v26, v22;
	v23 =	vmul.f32 v23, v12;
	v28 =	vperm.xlane v17, v2  }
0xfd: {  	v25 =	vsel vm0, v25, v60  }
0xfe: {  	v22 =	vadd.f32 v23, v22;
	v23 =	vmul.f32 v25, v13;
	v17 =	vadd.f32 v28, v17;
	_ =	sdelay $0x1  }
0xff: {  	v22 =	vadd.f32 v23, v22;
	v61 =	vperm.xlane v17, v3;
	_ =	sdelay $0x1  }
0x100: {  	v23 =	vperm.xlane v22, v1;
	v17 =	vadd.f32 v61, v17;
	_ =	sdelay $0x1  }
0x101: {  	v22 =	vadd.f32 v22, v23;
	v25 =	vperm.xlane v17, v4;
	_ =	sdelay $0x1  }
0x102: {  	v23 =	vperm.xlane v22, v2;
	v17 =	vadd.f32 v25, v17;
	_ =	sdelay $0x1  }
0x103: {  	v22 =	vadd.f32 v22, v23;
	v17 =	vmul.f32 $1.442695020e+00, v17;
	_ =	sdelay $0x1  }
0x104: {  	(erf) = vpow2.f32 v17;
	v17 =	vperm.xlane v22, v3;
	_ =	sdelay $0x1  }
0x105: {  	v17 =	vadd.f32 v22, v17;
	_ =	sdelay $0x1  }
0x106: {  	v22 =	vperm.xlane v17, v4;
	_ =	sdelay $0x1  }
0x107: {  	v17 =	vadd.f32 v22, v17;
	_ =	sdelay $0x1  }
0x108: {  	v22 =	vmul.f32 $1.442695020e+00, v17;
	_ =	sdelay $0x1  }
0x109: {  	v62 =	vpop (erf);
	(erf) = vpow2.f32 v22;
	_ =	sdelay $0x2  }
0x10a: {  	s12 =	simm.s32 $0x0  }
0x10b: {  	v23 =	vmov s12;
	v63 =	vmul.f32 v62, v19  }
0x10c: {  	s17 =	simm.s32 $0x1;
	vm0 =	veq.s32 v23, v5;
	v17 =	vimm.f32 $0.0e+00;
	v23 =	vmul.f32 v62, v21  }
0x10d: {  	s18 =	sadd.s32 $0x80, s16;
	s13 =	smov.u32 s16;
	s12 =	smov.u32 s19;
	v19 =	vsel vm0, v62, v17;
	v22 =	vmul.f32 v62, v20;
	v20 =	vmul.f32 v62, v24;
	[tilespmem:s16+$0xFFFFFFC0] =	vst v63  }
.LBB2_6:
0x10e: {  	p0 =	sne.s32 s17, $0xF  }
0x10f: {  	v24 =	vld [tilespmem:s18+$0xFFFFFFC0];
	[tilespmem:s13+$0xFFFFFFE0] =	vst v23;
	s12 =	sadd.s32 $0x80, s12;
	s20 =	smov.u32 s17;
	s17 =	sadd.s32 $0x1, s17  }
0x110: {  	v23 =	vld [tilespmem:s18+$0xFFFFFFE0];
	v21 =	vpop (erf)  }
0x111: {  	[tilespmem:s13+$0xFFFFFFD0] =	vst v22;
	v14 =	vmul.f32 v21, v14;
	v15 =	vmul.f32 v21, v15;
	v17 =	vsel vm0, v21, v17  }
0x112: {  	v16 =	vmul.f32 v21, v16;
	v18 =	vmul.f32 v21, v18;
	v25 =	vld [tilespmem:s18+$0xFFFFFFD0];
	[tilespmem:s13+$0xFFFFFFF0] =	vst v20  }
0x113: {  	[tilespmem:s13+$0x0] =	vst v14  }
0x114: {  	[tilespmem:s13+$0x30] =	vst v18  }
0x115: {  	v18 =	vld [tilespmem:s18+$0xFFFFFFF0];
	[tilespmem:s13+$0x10] =	vst v15  }
0x116: {  	v26 =	vld [tilespmem:s18+$0x0];
	[tilespmem:s13+$0x20] =	vst v16;
	s13 =	smov.u32 s18  }
0x117: {  	v20 =	vld [tilespmem:s12+$0xFFFFFFD0]  }
0x118: {  	v22 =	vld [tilespmem:s12+$0xFFFFFFC0]  }
0x119: {  	v21 =	vld [tilespmem:s12+$0xFFFFFFF0]  }
0x11a: {  	v14 =	vld [tilespmem:s12+$0x0]  }
0x11b: {  	v27 =	vld [tilespmem:s12+$0xFFFFFFE0]  }
0x11c: {  	v15 =	vld [tilespmem:s12+$0x10];
	v25 =	vadd.f32 v25, v20  }
0x11d: {  	v24 =	vadd.f32 v24, v22;
	v28 =	vld [tilespmem:s18+$0x10]  }
0x11e: {  	vm0 =	vge.f32 v25, $0.0e+00;
	v29 =	vmul.f32 $2.000000030e-01, v25;
	v30 =	vadd.f32 v18, v21;
	v31 =	vld [tilespmem:s18+$0x20]  }
0x11f: {  	v16 =	vld [tilespmem:s12+$0x20];
	v32 =	vmul.f32 $2.000000030e-01, v24;
	v26 =	vadd.f32 v26, v14  }
0x120: {  	vm1 =	vge.f32 v24, $0.0e+00;
	v23 =	vadd.f32 v23, v27;
	v33 =	vmul.f32 $2.000000030e-01, v30  }
0x121: {  	v18 =	vld [tilespmem:s12+$0x30];
	v24 =	vsel vm1, v24, v32;
	vm1 =	vge.f32 v30, $0.0e+00;
	v32 =	vmul.f32 $2.000000030e-01, v26  }
0x122: {  	v24 =	vmul.f32 v24, v6;
	v30 =	vsel vm1, v30, v33;
	vm1 =	vge.f32 v26, $0.0e+00  }
0x123: {  	v25 =	vsel vm0, v25, v29;
	vm0 =	vge.f32 v23, $0.0e+00;
	v26 =	vsel vm1, v26, v32;
	v29 =	vld [tilespmem:s18+$0x30]  }
0x124: {  	v32 =	vmul.f32 $2.000000030e-01, v23;
	v24 =	vadd.f32 $0.0e+00, v24;
	v31 =	vadd.f32 v31, v16  }
0x125: {  	v25 =	vmul.f32 v25, v7;
	v28 =	vadd.f32 v28, v15;
	v26 =	vmul.f32 v26, v10  }
0x126: {  	v23 =	vsel vm0, v23, v32;
	vm0 =	vge.f32 v31, $0.0e+00;
	v32 =	vmul.f32 $2.000000030e-01, v31  }
0x127: {  	v24 =	vadd.f32 v25, v24;
	v23 =	vmul.f32 v23, v8;
	v25 =	vmul.f32 $2.000000030e-01, v28  }
0x128: {  	vm1 =	vge.f32 v28, $0.0e+00;
	v31 =	vsel vm0, v31, v32;
	v29 =	vadd.f32 v29, v18  }
0x129: {  	v23 =	vadd.f32 v23, v24;
	v24 =	vmul.f32 v30, v9;
	v25 =	vsel vm1, v28, v25  }
0x12a: {  	v26 =	vadd.f32 $0.0e+00, v26;
	v25 =	vmul.f32 v25, v11;
	v28 =	vmul.f32 $2.000000030e-01, v29  }
0x12b: {  	v23 =	vadd.f32 v24, v23;
	vm0 =	vge.f32 v29, $0.0e+00  }
0x12c: {  	v24 =	vadd.f32 v25, v26;
	v25 =	vmul.f32 v31, v12;
	v26 =	vsel vm0, v29, v28  }
0x12d: {  	v28 =	vperm.xlane v23, v1  }
0x12e: {  	v24 =	vadd.f32 v25, v24;
	v25 =	vmul.f32 v26, v13  }
0x12f: {  	v23 =	vadd.f32 v28, v23  }
0x130: {  	v24 =	vadd.f32 v25, v24  }
0x131: {  	v25 =	vperm.xlane v23, v2  }
0x132: {  	v26 =	vperm.xlane v24, v1  }
0x133: {  	v23 =	vadd.f32 v25, v23  }
0x134: {  	v24 =	vadd.f32 v24, v26  }
0x135: {  	v25 =	vperm.xlane v23, v3  }
0x136: {  	v26 =	vperm.xlane v24, v2  }
0x137: {  	v23 =	vadd.f32 v25, v23  }
0x138: {  	v24 =	vadd.f32 v24, v26  }
0x139: {  	v25 =	vperm.xlane v23, v4  }
0x13a: {  	v26 =	vperm.xlane v24, v3  }
0x13b: {  	v23 =	vadd.f32 v25, v23  }
0x13c: {  	v24 =	vadd.f32 v24, v26  }
0x13d: {  	v23 =	vmul.f32 $1.442695020e+00, v23  }
0x13e: {  	v25 =	vperm.xlane v24, v4  }
0x13f: {  	(erf) = vpow2.f32 v23  }
0x140: {  	v23 =	vadd.f32 v25, v24;
	_ =	sdelay $0x1  }
0x141: {  	v23 =	vmul.f32 $1.442695020e+00, v23;
	_ =	sdelay $0x1  }
0x142: {  	(erf) = vpow2.f32 v23;
	_ =	sdelay $0x2  }
.Ltmp1:
0x143: {  	v23 =	vmov s20;
	(pc) =	sbr.rel @p0 .LBB2_6-.Ltmp1, $4  }
0x144: {  	vm0 =	veq.s32 v23, v5;
	v24 =	vpop (erf)  }
0x145: {  	v25 =	vmul.f32 v24, v22;
	v23 =	vmul.f32 v24, v27;
	v19 =	vsel vm0, v24, v19  }
0x146: {  	v22 =	vmul.f32 v24, v20;
	v20 =	vmul.f32 v24, v21  }
0x147: {  	s18 =	sadd.s32 $0x80, s18;
	[tilespmem:s13+$0xFFFFFFC0] =	vst v25  }
0x148: {  	_ = 	snop  }
0x149: {  	[tilespmem:s13+$0xFFFFFFE0] =	vst v23;
	v21 =	vpop (erf)  }
0x14a: {  	[tilespmem:s13+$0xFFFFFFD0] =	vst v22;
	v14 =	vmul.f32 v21, v14  }
0x14b: {  	[tilespmem:s13+$0xFFFFFFF0] =	vst v20;
	s14 =	sadd.s32 $0x1, s14;
	v18 =	vmul.f32 v21, v18  }
0x14c: {  	p0 =	sne.s32 s14, $0x4;
	v15 =	vmul.f32 v21, v15;
	[tilespmem:s13+$0x0] =	vst v14  }
.Ltmp2:
0x14d: {  	v14 =	vmul.f32 v21, v16;
	[tilespmem:s13+$0x30] =	vst v18;
	(pc) =	sbr.rel @p0 .LBB2_5-.Ltmp2, $4  }
0x14e: {  	[tilespmem:s13+$0x10] =	vst v15  }
0x14f: {  	[tilespmem:s13+$0x20] =	vst v14  }
0x150: {  	v14 =	vsel vm0, v21, v17;
	[tilespmem:s15+$0x4200] =	vst v19  }
0x151: {  	s19 =	sadd.s32 $0x800, s19;
	s16 =	sadd.s32 $0x800, s16;
	[tilespmem:s15+$0x4280] =	vst v14  }
0x152: {  	[spmem:s1] =	stream.indirect.scatter.add.f32 [tilespmem:s23], [sflag:$0x2], $0x80, s25, s26, $0xb8;
	[tilespmem:$0x18480] =	vst v63  }
0x153: {  	_ =	swait.ge [sflag:s22], $0x2000  }
0x154: {  	[sflag:s22] =	ssyncset.done $0x0  }
0x155: {  	[sflag:s22] =	ssyncadd.s32 $0xFFFFE000  }
0x156: {  	[spmem:s2] =	stream.indirect.scatter.add.f32 [tilespmem:s24], [sflag:$0x2], $0x1, s30, s26, $0xb8;
	[tilespmem:$0x18480] =	vst v63  }
0x157: {  	s9 =	sadd.s32 $0x1, s9;
	_ =	swait.ge [sflag:s22], $0x40  }
0x158: {  	p0 =	sne.s32 s9, $0x125;
	[sflag:s22] =	ssyncset.done $0x0  }
.Ltmp3:
0x159: {  	[sflag:s22] =	ssyncadd.s32 $0xFFFFFFC0;
	(pc) =	sbr.rel @p0 .LBB2_4-.Ltmp3, $4  }
0x15a: {  	[spmem:s2] =	stream.indirect.scatter.add.f32 [tilespmem:s0], [sflag:$0x2], $0x1, s31, s26, $0xb8;
	[tilespmem:$0x18480] =	vst v63  }
0x15b: {  	_ =	swait.ge [sflag:s22], $0x40  }
0x15c: {  	[sflag:s22] =	ssyncset.done $0x0  }
0x15d: {  	[sflag:s22] =	ssyncadd.s32 $0xFFFFFFC0  }
0x15e: {  	s3 =	stileid.u32  }
0x15f: {  	[bflag:$0x0] =	sbarrier.arrive $0xFFFF;
	s3 =	sshll.u32 s3, $0x6  }
0x160: {  	s9 =	sshrl.u32 s11, $0x3;
	s12 =	rddreg [dreg:$0x11];
	s3 =	sor.u32 $0x1C02, s3  }
0x161: {  	[hbm:s12], [sflag:s3] =	dma.local [spmem:s9], $0x2780  }
0x162: {  	_ =	swait.ge [sflag:s22], $0x2780  }
0x163: {  	[sflag:s22] =	ssyncset.done $0x0  }
0x164: {  	s18 =	sshrl.u32 s21, $0x3;
	s19 =	rddreg [dreg:$0xf];
	[sflag:s22] =	ssyncadd.s32 $0xFFFFD880  }
0x165: {  	[hbm:s19], [sflag:s3] =	dma.local [spmem:s18], $0xA0  }
0x166: {  	_ =	swait.ge [sflag:s22], $0xA0  }
0x167: {  	s4 =	sadd.s32 $0x1, s4;
	s20 =	rddreg [dreg:$0x12]  }
0x168: {  	p0 =	sne.s32 s4, s20  }
.Ltmp4:
0x169: {  	_ = 	snop;
	(pc) =	sbr.rel @p0 .LBB2_1-.Ltmp4, $3  }
0x16a: {  	_ =	sdelay $0x1  }
0x16b: {  	[sflag:s22] =	ssyncset.done $0x0  }
0x16c: {  	[sflag:s22] =	ssyncadd.s32 $0xFFFFFF60  }
0x16d: {  	_ =	sfence.sel $0x180000  }
0x16e: {  	[bflag:$0x0] =	sbarrier.arrive $0xFFFF  }
0x16f: {  	_ =	strace $0x90000047  }
0x170: {  	s0 =	stileid.u32;
	[bflag:$0x2] =	sbarrier.arrive $0xFFFF  }
0x171: {  	p0 =	sne.s32 s0, $0x0;
	s0 =	rddreg [dreg:$0x4]  }
0x172: {  	s0 =	sadd.s32 @!p0 $0x100000, s0  }
0x173: {  	[sflag:s0] =	ssyncadd.tile.s32 @!p0 $0x1;
	_ =	shalt  }
.Lfunc_end2:
_tile_overlayer_lowered:
.L_overlay_start_2:
0x174: {  	(tag) =	ssettag $0x2  }
0x175: {  	s0 =	rddreg [dreg:$0x0];
	s2 =	stileid.u32  }
0x176: {  	s1 =	rddreg [dreg:$0x1];
	p0 =	sne.s32 s2, $0x0  }
0x177: {  	s3 =	rddreg [dreg:$0x2];
	[bflag:$0x3] =	sbarrier.arrive $0xFFFF;
	s2 =	simm.s32 @!p0 $0x1C02  }
0x178: {  	[timem:s3], [sflag:s2] =	dma.local @!p0 [hbm:s0], s1  }
0x179: {  	s0 =	simm.s32 @!p0 $0x2  }
0x17a: {  	_ =	swait.ge @!p0 [sflag:s0], s1  }
0x17b: {  	s1 =	ssub.s32 @!p0 $0x0, s1;
	[sflag:s0] =	ssyncset.done @!p0 $0x0  }
0x17c: {  	[sflag:s0] =	ssyncadd.s32 @!p0 s1  }
0x17d: {  	[bflag:$0x3] =	sbarrier.arrive $0xFFFF  }
0x17e: {  	_ =	shalt  }

</sc_bundles>
